<compile_context>
chip_gen: v7x
topology: tpu7x:2x2x1
jax: 0.10.2.dev20260603
libtpu: 0.0.44.dev20260713+nightly
codegen_flags: <defaults>
</compile_context>

<pallas_src>
import functools

import jax
import jax.numpy as jnp
from jax import lax
from jax.experimental import pallas as pl
from jax.experimental.pallas import tpu as pltpu
from jax.experimental.pallas import tpu_sc as plsc

N = 100000
E = 3200000
G = 1000
D = 16
W = 50
NPD = N // G

_LANES = 128
_CH = 6
_CE = _CH * _LANES
_TILES = 32
_ROWS_PER_TILE = 792
_STEPS = _ROWS_PER_TILE // _CH
_PAIRS = _STEPS // 2
_EROWS = _TILES * _ROWS_PER_TILE
_EPAD = _EROWS * _LANES
_ZROWS = 6256
_NACC = 16 * _ZROWS


def _sc_body(xproc, srcp, dstp, zz, out, acc, srcv, dstv, rows, gsem, ssem,
             isem):
    c = lax.axis_index("c")
    s = lax.axis_index("s")
    tid = c * 16 + s
    base = tid * _ROWS_PER_TILE
    pltpu.sync_copy(zz, acc.at[pl.ds(s * _ZROWS, _ZROWS)])
    plsc.subcore_barrier()

    def fire_gathers(b):
        for j in range(_CH):
            pltpu.async_copy(
                xproc.at[srcv.at[b, j]],
                rows.at[b, pl.ds(j * _LANES, _LANES)], gsem)

    def drain_gathers(b):
        for j in range(_CH):
            pltpu.make_async_copy(
                xproc.at[srcv.at[b, j]],
                rows.at[b, pl.ds(j * _LANES, _LANES)], gsem).wait()

    def fire_scatters(b):
        for j in range(_CH):
            pltpu.async_copy(
                rows.at[b, pl.ds(j * _LANES, _LANES)],
                acc.at[dstv.at[b, j]], ssem, add=True)

    def drain_scatters(b):
        for j in range(_CH):
            pltpu.make_async_copy(
                rows.at[b, pl.ds(j * _LANES, _LANES)],
                acc.at[dstv.at[b, j]], ssem).wait()

    def issue_idx(row, b):
        pltpu.async_copy(srcp.at[pl.ds(row, _CH)], srcv.at[b], isem)
        pltpu.async_copy(dstp.at[pl.ds(row, _CH)], dstv.at[b], isem)

    def wait_idx(b):
        pltpu.make_async_copy(srcp.at[pl.ds(0, _CH)], srcv.at[b], isem).wait()
        pltpu.make_async_copy(dstp.at[pl.ds(0, _CH)], dstv.at[b], isem).wait()

    pltpu.sync_copy(zz.at[pl.ds(0, _CE)], rows.at[1])
    pltpu.sync_copy(srcp.at[pl.ds(base + _CH, _CH)], srcv.at[1])
    pltpu.sync_copy(dstp.at[pl.ds(base + _CH, _CH)], dstv.at[1])
    fire_scatters(1)
    issue_idx(base, 0)

    def pair(i, carry):
        for b in (0, 1):
            g = 2 * i + b
            wait_idx(b)
            fire_gathers(b)
            drain_scatters(1 - b)
            nxt = jnp.minimum(g + 1, _STEPS - 1) * _CH
            issue_idx(base + nxt, 1 - b)
            drain_gathers(b)
            fire_scatters(b)
        return carry

    lax.fori_loop(0, _PAIRS, pair, 0)
    drain_scatters(1)
    wait_idx(0)
    plsc.subcore_barrier()
    pltpu.sync_copy(
        acc.at[pl.ds(s * _ZROWS, _ZROWS)], out.at[c, pl.ds(s * _ZROWS, _ZROWS)]
    )


def _edge_partials(xproc, srcp, dstp, zz):
    f = pl.kernel(
        _sc_body,
        out_type=jax.ShapeDtypeStruct((2, _NACC, D), jnp.float32),
        mesh=plsc.VectorSubcoreMesh(core_axis_name="c", subcore_axis_name="s"),
        scratch_types=[
            pltpu.VMEM_SHARED((_NACC, D), jnp.float32),
            pltpu.VMEM((2, _CH, _LANES), jnp.int32),
            pltpu.VMEM((2, _CH, _LANES), jnp.int32),
            pltpu.VMEM((2, _CE, D), jnp.float32),
            pltpu.SemaphoreType.DMA,
            pltpu.SemaphoreType.DMA,
            pltpu.SemaphoreType.DMA,
        ],
        compiler_params=pltpu.CompilerParams(use_tc_tiling_on_sc=False),
    )
    return f(xproc, srcp, dstp, zz)



_R = 4000
_NBLK = N // _R
_DBLK = _R // NPD


def _bdot(a, b):
    return jnp.dot(a.astype(jnp.bfloat16), b.astype(jnp.bfloat16),
                   preferred_element_type=jnp.float32)


def _mlp3(h, w0, b0, w1, b1, w2, b2):
    h = jnp.tanh(_bdot(h, w0) + b0)
    h = jnp.tanh(_bdot(h, w1) + b1)
    return _bdot(h, w2) + b2


def _full_spec(a):
    r = a.ndim
    return pl.BlockSpec(a.shape, lambda i, _r=r: (0,) * _r)


def _prep_proc(nf, pp, qq):
    def body(nf_r, pw0, pb0, pw1, pb1, pw2, pb2, qw0, qb0, qw1, qb1, qw2, qb2,
             prep_o, proc_o):
        xprep = _mlp3(nf_r[...], pw0[...], pb0[...], pw1[...], pb1[...],
                      pw2[...], pb2[...])
        prep_o[...] = xprep
        proc_o[...] = _mlp3(xprep, qw0[...], qb0[...], qw1[...], qb1[...],
                            qw2[...], qb2[...])

    return pl.pallas_call(
        body,
        grid=(_NBLK,),
        in_specs=[pl.BlockSpec((_R, 2), lambda i: (i, 0))]
        + [_full_spec(a) for a in pp] + [_full_spec(a) for a in qq],
        out_specs=[pl.BlockSpec((_R, D), lambda i: (i, 0))] * 2,
        out_shape=[jax.ShapeDtypeStruct((N, D), jnp.float32)] * 2,
    )(nf, *pp, *qq)


def _agg_stage(partials, xprep, nf, aa):
    def body(pa, pb, xprep_r, nf_r, w0, b0, w1, b1, w2, b2, nemb_o, dsum_o):
        aggr = pa[0] + pb[0]
        xagg = _mlp3(aggr, w0[...], b0[...], w1[...], b1[...], w2[...], b2[...])
        nemb = xprep_r[...] + xagg
        nemb_o[...] = nemb
        ncomb = jnp.concatenate([nf_r[...], nemb], axis=1)
        dsum = jnp.sum(ncomb.reshape(_DBLK, NPD, D + 2), axis=1)
        dsum_o[...] = dsum.reshape(1, _DBLK, D + 2)

    return pl.pallas_call(
        body,
        grid=(_NBLK,),
        in_specs=[
            pl.BlockSpec((1, _R, D), lambda i: (0, i, 0)),
            pl.BlockSpec((1, _R, D), lambda i: (1, i, 0)),
            pl.BlockSpec((_R, D), lambda i: (i, 0)),
            pl.BlockSpec((_R, 2), lambda i: (i, 0)),
        ] + [_full_spec(a) for a in aa],
        out_specs=[
            pl.BlockSpec((_R, D), lambda i: (i, 0)),
            pl.BlockSpec((1, _DBLK, D + 2), lambda i: (i, 0, 0)),
        ],
        out_shape=[
            jax.ShapeDtypeStruct((N, D), jnp.float32),
            jax.ShapeDtypeStruct((_NBLK, _DBLK, D + 2), jnp.float32),
        ],
    )(partials, partials, xprep, nf, *aa)


def _dag_glob(dagfeat, dagsum, x00, dd, gg):
    def body(df, ds_, x0, dw0, db0, dw1, db1, dw2, db2,
             gw0, gb0, gw1, gb1, gw2, gb2, demb_o, glob_o):
        din = jnp.concatenate([df[...], ds_[...]], axis=1)
        demb = _mlp3(din, dw0[...], db0[...], dw1[...], db1[...], dw2[...],
                     db2[...])
        demb_o[...] = demb
        dagg = jnp.sum(demb, axis=0, keepdims=True)
        gin = jnp.concatenate([x0[...], dagg], axis=1)
        glob_o[...] = _mlp3(gin, gw0[...], gb0[...], gw1[...], gb1[...],
                            gw2[...], gb2[...])

    return pl.pallas_call(
        body,
        grid=(1,),
        in_specs=[_full_spec(a) for a in
                  (dagfeat, dagsum, x00, *dd, *gg)],
        out_specs=[
            pl.BlockSpec((G, D), lambda i: (0, 0)),
            pl.BlockSpec((1, D), lambda i: (0, 0)),
        ],
        out_shape=[
            jax.ShapeDtypeStruct((G, D), jnp.float32),
            jax.ShapeDtypeStruct((1, D), jnp.float32),
        ],
    )(dagfeat, dagsum, x00, *dd, *gg)


_DGB = 200
_DGRID = G // _DGB
_DROWS = _DGB * W


def _dag_scores(demb, glob, uu):
    def body(de, gl, w0, b0, w1, b1, w2, b2, out_o):
        drpt = jnp.broadcast_to(
            de[...][:, None, :], (_DGB, W, D)).reshape(_DROWS, D)
        gb = jnp.broadcast_to(gl[...], (_DROWS, D))
        wcol = (lax.broadcasted_iota(jnp.int32, (_DROWS, 1), 0) % W).astype(
            jnp.float32)
        din = jnp.concatenate([drpt, gb, wcol], axis=1)
        out_o[...] = _mlp3(din, w0[...], b0[...], w1[...], b1[...], w2[...],
                           b2[...])

    return pl.pallas_call(
        body,
        grid=(_DGRID,),
        in_specs=[pl.BlockSpec((_DGB, D), lambda i: (i, 0)),
                  _full_spec(glob)] + [_full_spec(a) for a in uu],
        out_specs=pl.BlockSpec((_DROWS, 1), lambda i: (i, 0)),
        out_shape=jax.ShapeDtypeStruct((G * W, 1), jnp.float32),
    )(demb, glob, *uu)


def _node_scores(nemb, demb3, glob, vv):
    def body(ne, de, gl, w0, b0, w1, b1, w2, b2, out_o):
        drpt = jnp.broadcast_to(
            de[...][0][:, None, :], (_DBLK, NPD, D)).reshape(_R, D)
        gb = jnp.broadcast_to(gl[...], (_R, D))
        nin = jnp.concatenate([ne[...], drpt, gb], axis=1)
        out_o[...] = _mlp3(nin, w0[...], b0[...], w1[...], b1[...], w2[...],
                           b2[...])

    return pl.pallas_call(
        body,
        grid=(_NBLK,),
        in_specs=[
            pl.BlockSpec((_R, D), lambda i: (i, 0)),
            pl.BlockSpec((1, _DBLK, D), lambda i: (i, 0, 0)),
            _full_spec(glob),
        ] + [_full_spec(a) for a in vv],
        out_specs=pl.BlockSpec((_R, 1), lambda i: (i, 0)),
        out_shape=jax.ShapeDtypeStruct((N, 1), jnp.float32),
    )(nemb, demb3, glob, *vv)


def _p(ps):
    return (ps[0], ps[1].reshape(1, -1), ps[2], ps[3].reshape(1, -1),
            ps[4], ps[5].reshape(1, -1))


def kernel(x, params, edge_index, ptr, batch):
    nf = x[:, 3:5]
    x00 = x[0, 0].reshape(1, 1)
    dagfeat = x.reshape(G, NPD, 5)[:, 0, 1:3]

    src = edge_index[0]
    dst = edge_index[1]
    srcp = jnp.concatenate(
        [src, jnp.zeros((_EPAD - E,), jnp.int32)]).reshape(_EROWS, _LANES)
    dstp = jnp.concatenate(
        [dst, jnp.full((_EPAD - E,), N, jnp.int32)]).reshape(_EROWS, _LANES)
    zz = jnp.zeros((_ZROWS, D), jnp.float32)

    xprep, xproc = _prep_proc(nf, _p(params['prep']), _p(params['proc']))
    partials = _edge_partials(xproc, srcp, dstp, zz)
    nemb, dagsum3 = _agg_stage(partials, xprep, nf, _p(params['agg']))
    demb, glob = _dag_glob(dagfeat, dagsum3.reshape(G, D + 2), x00,
                           _p(params['dag']), _p(params['glob']))
    dsc = _dag_scores(demb, glob, _p(params['dag_score']))
    nsc = _node_scores(nemb, demb.reshape(_NBLK, _DBLK, D), glob,
                       _p(params['node_score']))
    return nsc[:, 0], dsc.reshape(G, W)

# --- scband reference (transcript-rebuilt; emitter-appended) ---
"""Pipeline reference for scband-actor-network-3470333575770 (READ-ONLY COPY).

The authoritative reference and input builder live on the scoring server;
editing this copy changes nothing except your own understanding.
"""

import jax, jax.numpy as jnp
import numpy as np

N = 100000
E = 3200000
G = 1000
D = 16
W = 50


def _init_mlp(key, dims):
    ps = []
    for i in range(len(dims) - 1):
        key, k = jax.random.split(key)
        ps.append(jax.random.normal(k, (dims[i], dims[i + 1]), jnp.float32) * 0.1)
        ps.append(jnp.zeros((dims[i + 1],), jnp.float32))
    return ps


def _mlp(x, p):
    x = jnp.tanh(x @ p[0] + p[1])
    x = jnp.tanh(x @ p[2] + p[3])
    return x @ p[4] + p[5]


def setup_inputs(seed: int = 0):
    key = jax.random.key(seed)
    ks = jax.random.split(key, 12)
    x = jax.random.normal(ks[0], (N, 5), jnp.float32)
    edge_index = jax.random.randint(ks[1], (2, E), 0, N, jnp.int32)
    ptr = jnp.arange(G + 1, dtype=jnp.int32) * (N // G)
    batch = jnp.repeat(jnp.arange(G, dtype=jnp.int32), N // G)
    params = {
        'prep': _init_mlp(ks[2], [2, 32, 16, D]),
        'proc': _init_mlp(ks[3], [D, 32, 16, D]),
        'agg': _init_mlp(ks[4], [D, 32, 16, D]),
        'dag': _init_mlp(ks[5], [2 + 2 + D, 32, 16, D]),
        'glob': _init_mlp(ks[6], [1 + D, 32, 16, D]),
        'node_score': _init_mlp(ks[7], [3 * D, 32, 16, 1]),
        'dag_score': _init_mlp(ks[8], [2 * D + 1, 32, 16, 1]),
    }
    return {'x': x, 'params': params, 'edge_index': edge_index, 'ptr': ptr, 'batch': batch}


def reference(x, params, edge_index, ptr, batch):
    node_features = x[:, 3:]
    # GCNConv (aggr='add'): prep -> proc -> scatter-add over edges -> agg MLP -> residual
    x_prep = _mlp(node_features, params['prep'])
    x_proc = _mlp(x_prep, params['proc'])
    src = edge_index[0]
    dst = edge_index[1]
    aggr = jax.ops.segment_sum(x_proc[src], dst, num_segments=N)
    x_agg = _mlp(aggr, params['agg'])
    node_embeddings = x_prep + x_agg
    # encoder: per-dag pooling (global_add_pool) and per-dag embeddings
    node_combined = jnp.concatenate([node_features, node_embeddings], axis=1)
    node_combined_agg = jax.ops.segment_sum(node_combined, batch, num_segments=G)
    dag_features = x[ptr[:-1], 1:3]
    dag_embeddings = _mlp(jnp.concatenate([dag_features, node_combined_agg], axis=1), params['dag'])
    # non-nested batch branch (obs_indptr is None)
    dag_embeddings_agg = jnp.sum(dag_embeddings, axis=0, keepdims=True)
    global_features = x[0, 0].reshape(1, 1)
    global_embeddings = _mlp(jnp.concatenate([global_features, dag_embeddings_agg], axis=1), params['glob'])
    # policy: node scores
    num_nodes_per_dag = ptr[1:] - ptr[:-1]
    dag_emb_rpt = jnp.repeat(dag_embeddings, num_nodes_per_dag, axis=0, total_repeat_length=N)
    glob_rpt = jnp.broadcast_to(global_embeddings, (N, D))
    node_inputs = jnp.concatenate([node_embeddings, dag_emb_rpt, glob_rpt], axis=1)
    node_scores = _mlp(node_inputs, params['node_score'])[:, 0]
    # policy: dag scores
    worker_actions_rpt = jnp.tile(jnp.arange(W, dtype=jnp.float32), G)[:, None]
    dag_emb_rpt2 = jnp.repeat(dag_embeddings, W, axis=0, total_repeat_length=G * W)
    glob_rpt2 = jnp.broadcast_to(global_embeddings, (G * W, D))
    dag_inputs = jnp.concatenate([dag_emb_rpt2, glob_rpt2, worker_actions_rpt], axis=1)
    dag_scores = _mlp(dag_inputs, params['dag_score'])[:, 0].reshape(G, W)
    return (node_scores, dag_scores)

if __name__ == "__main__":
    import jax
    _d = setup_inputs()
    print(jax.jit(kernel)(*tuple(_d.values())))

</pallas_src>

<mosaic_0001>
#map = affine_map<(d0, d1) -> (0, 0)>
#map1 = affine_map<(d0, d1) -> (0, 0, 0)>
module attributes {stable_mosaic.version = 14 : i64} {
  func.func @_sc_body(%arg0: i32, %arg1: i32, %arg2: memref<100000x16xf32, #tpu.memory_space<hbm>>, %arg3: memref<25344x128xi32, #tpu.memory_space<hbm>>, %arg4: memref<25344x128xi32, #tpu.memory_space<hbm>>, %arg5: memref<6256x16xf32, #tpu.memory_space<hbm>>, %arg6: memref<2x100096x16xf32, #tpu.memory_space<hbm>>, %arg7: memref<100096x16xf32, #tpu.memory_space<vmem_shared>>, %arg8: memref<2x6x128xi32, #tpu.memory_space<vmem>>, %arg9: memref<2x6x128xi32, #tpu.memory_space<vmem>>, %arg10: memref<2x768x16xf32, #tpu.memory_space<vmem>>, %arg11: memref<!tpu.dma_semaphore, #tpu.memory_space<semaphore_mem>>, %arg12: memref<!tpu.dma_semaphore, #tpu.memory_space<semaphore_mem>>, %arg13: memref<!tpu.dma_semaphore, #tpu.memory_space<semaphore_mem>>) attributes {dimension_semantics = [#tpu.dimension_semantics<core_parallel>, #tpu.dimension_semantics<subcore_parallel>], iteration_bounds = array<i64: 2, 16>, scalar_prefetch = 0 : i64, scratch_operands = 7 : i64, tpu.core_type = #tpu.core_type<sc_vector_subcore>, window_params = [{transform_indices = #map}, {transform_indices = #map}, {transform_indices = #map}, {transform_indices = #map}, {transform_indices = #map1}]} {
    %mul3A = arith.constant 16 : i32
    %mul3A_0 = arith.muli %arg0, %mul3A : i32
    %add3A = arith.addi %mul3A_0, %arg1 : i32
    %mul3A_1 = arith.constant 792 : i32
    %mul3A_2 = arith.muli %add3A, %mul3A_1 : i32
    %mul3A_3 = arith.constant 6256 : i32
    %mul3A_4 = arith.muli %arg1, %mul3A_3 : i32
    "tpu.region"() ({
      %run_scoped3A_231 = tpu.sem_alloc : memref<!tpu.dma_semaphore, #tpu.memory_space<semaphore_mem>>
      %dma_start3A_232 = arith.constant 0 : i32
      %dma_start3A_233 = tpu.memref_slice %arg7[%mul3A_4, %dma_start3A_232] : memref<100096x16xf32, #tpu.memory_space<vmem_shared>> -> memref<6256x16xf32, #tpu.memory_space<vmem_shared>>
      tpu.enqueue_dma source(%arg5 : memref<6256x16xf32, #tpu.memory_space<hbm>>) target(%dma_start3A_233 : memref<6256x16xf32, #tpu.memory_space<vmem_shared>>) target_semaphore(%run_scoped3A_231 : memref<!tpu.dma_semaphore, #tpu.memory_space<semaphore_mem>>)
      %dma_wait3A_234 = arith.constant 0 : i32
      %dma_wait3A_235 = tpu.memref_slice %arg7[%mul3A_4, %dma_wait3A_234] : memref<100096x16xf32, #tpu.memory_space<vmem_shared>> -> memref<6256x16xf32, #tpu.memory_space<vmem_shared>>
      tpu.wait_dma2 semaphore(%run_scoped3A_231 : memref<!tpu.dma_semaphore, #tpu.memory_space<semaphore_mem>>) src(%arg5 : memref<6256x16xf32, #tpu.memory_space<hbm>>) dst(%dma_wait3A_235 : memref<6256x16xf32, #tpu.memory_space<vmem_shared>>)
      tpu.yield
    }) : () -> ()
    %barrier3A = arith.constant 0 : index
    tpu.barrier barrier_id(%barrier3A)
    %run_scoped3A = arith.constant 1 : i32
    "tpu.region"() ({
      %run_scoped3A_231 = tpu.sem_alloc : memref<!tpu.dma_semaphore, #tpu.memory_space<semaphore_mem>>
      %dma_start3A_232 = arith.constant 0 : i32
      %dma_start3A_233 = arith.constant 0 : i32
      %dma_start3A_234 = tpu.memref_slice %arg10[%run_scoped3A, %dma_start3A_232, %dma_start3A_233] : memref<2x768x16xf32, #tpu.memory_space<vmem>> -> memref<1x768x16xf32, #tpu.memory_space<vmem>>
      %dma_start3A_235 = tpu.memref_squeeze %dma_start3A_234 : memref<1x768x16xf32, #tpu.memory_space<vmem>> -> memref<768x16xf32, #tpu.memory_space<vmem>>
      %dma_start3A_236 = arith.constant 0 : i32
      %dma_start3A_237 = arith.constant 0 : i32
      %dma_start3A_238 = tpu.memref_slice %arg5[%dma_start3A_236, %dma_start3A_237] : memref<6256x16xf32, #tpu.memory_space<hbm>> -> memref<768x16xf32, #tpu.memory_space<hbm>>
      %dma_start3A_239 = arith.constant 0 : i32
      %dma_start3A_240 = arith.constant 0 : i32
      %dma_start3A_241 = tpu.memref_slice %arg10[%run_scoped3A, %dma_start3A_239, %dma_start3A_240] : memref<2x768x16xf32, #tpu.memory_space<vmem>> -> memref<1x768x16xf32, #tpu.memory_space<vmem>>
      %dma_start3A_242 = tpu.memref_squeeze %dma_start3A_241 : memref<1x768x16xf32, #tpu.memory_space<vmem>> -> memref<768x16xf32, #tpu.memory_space<vmem>>
      %dma_start3A_243 = arith.constant 0 : i32
      %dma_start3A_244 = arith.constant 0 : i32
      %dma_start3A_245 = tpu.memref_slice %arg5[%dma_start3A_243, %dma_start3A_244] : memref<6256x16xf32, #tpu.memory_space<hbm>> -> memref<768x16xf32, #tpu.memory_space<hbm>>
      tpu.enqueue_dma source(%dma_start3A_245 : memref<768x16xf32, #tpu.memory_space<hbm>>) target(%dma_start3A_242 : memref<768x16xf32, #tpu.memory_space<vmem>>) target_semaphore(%run_scoped3A_231 : memref<!tpu.dma_semaphore, #tpu.memory_space<semaphore_mem>>)
      %dma_wait3A_246 = arith.constant 0 : i32
      %dma_wait3A_247 = arith.constant 0 : i32
      %dma_wait3A_248 = tpu.memref_slice %arg10[%run_scoped3A, %dma_wait3A_246, %dma_wait3A_247] : memref<2x768x16xf32, #tpu.memory_space<vmem>> -> memref<1x768x16xf32, #tpu.memory_space<vmem>>
      %dma_wait3A_249 = tpu.memref_squeeze %dma_wait3A_248 : memref<1x768x16xf32, #tpu.memory_space<vmem>> -> memref<768x16xf32, #tpu.memory_space<vmem>>
      %dma_wait3A_250 = arith.constant 0 : i32
      %dma_wait3A_251 = arith.constant 0 : i32
      %dma_wait3A_252 = tpu.memref_slice %arg5[%dma_wait3A_250, %dma_wait3A_251] : memref<6256x16xf32, #tpu.memory_space<hbm>> -> memref<768x16xf32, #tpu.memory_space<hbm>>
      %dma_wait3A_253 = arith.constant 0 : i32
      %dma_wait3A_254 = arith.constant 0 : i32
      %dma_wait3A_255 = tpu.memref_slice %arg10[%run_scoped3A, %dma_wait3A_253, %dma_wait3A_254] : memref<2x768x16xf32, #tpu.memory_space<vmem>> -> memref<1x768x16xf32, #tpu.memory_space<vmem>>
      %dma_wait3A_256 = tpu.memref_squeeze %dma_wait3A_255 : memref<1x768x16xf32, #tpu.memory_space<vmem>> -> memref<768x16xf32, #tpu.memory_space<vmem>>
      %dma_wait3A_257 = arith.constant 0 : i32
      %dma_wait3A_258 = arith.constant 0 : i32
      %dma_wait3A_259 = tpu.memref_slice %arg5[%dma_wait3A_257, %dma_wait3A_258] : memref<6256x16xf32, #tpu.memory_space<hbm>> -> memref<768x16xf32, #tpu.memory_space<hbm>>
      tpu.wait_dma2 semaphore(%run_scoped3A_231 : memref<!tpu.dma_semaphore, #tpu.memory_space<semaphore_mem>>) src(%dma_wait3A_259 : memref<768x16xf32, #tpu.memory_space<hbm>>) dst(%dma_wait3A_256 : memref<768x16xf32, #tpu.memory_space<vmem>>)
      tpu.yield
    }) : () -> ()
    %add3A_5 = arith.constant 6 : i32
    %add3A_6 = arith.addi %mul3A_2, %add3A_5 : i32
    %run_scoped3A_7 = arith.constant 1 : i32
    "tpu.region"() ({
      %run_scoped3A_231 = tpu.sem_alloc : memref<!tpu.dma_semaphore, #tpu.memory_space<semaphore_mem>>
      %dma_start3A_232 = arith.constant 0 : i32
      %dma_start3A_233 = arith.constant 0 : i32
      %dma_start3A_234 = tpu.memref_slice %arg8[%run_scoped3A_7, %dma_start3A_232, %dma_start3A_233] : memref<2x6x128xi32, #tpu.memory_space<vmem>> -> memref<1x6x128xi32, #tpu.memory_space<vmem>>
      %dma_start3A_235 = tpu.memref_squeeze %dma_start3A_234 : memref<1x6x128xi32, #tpu.memory_space<vmem>> -> memref<6x128xi32, #tpu.memory_space<vmem>>
      %dma_start3A_236 = arith.constant 0 : i32
      %dma_start3A_237 = tpu.memref_slice %arg3[%add3A_6, %dma_start3A_236] : memref<25344x128xi32, #tpu.memory_space<hbm>> -> memref<6x128xi32, #tpu.memory_space<hbm>>
      %dma_start3A_238 = arith.constant 0 : i32
      %dma_start3A_239 = arith.constant 0 : i32
      %dma_start3A_240 = tpu.memref_slice %arg8[%run_scoped3A_7, %dma_start3A_238, %dma_start3A_239] : memref<2x6x128xi32, #tpu.memory_space<vmem>> -> memref<1x6x128xi32, #tpu.memory_space<vmem>>
      %dma_start3A_241 = tpu.memref_squeeze %dma_start3A_240 : memref<1x6x128xi32, #tpu.memory_space<vmem>> -> memref<6x128xi32, #tpu.memory_space<vmem>>
      %dma_start3A_242 = arith.constant 0 : i32
      %dma_start3A_243 = tpu.memref_slice %arg3[%add3A_6, %dma_start3A_242] : memref<25344x128xi32, #tpu.memory_space<hbm>> -> memref<6x128xi32, #tpu.memory_space<hbm>>
      tpu.enqueue_dma source(%dma_start3A_243 : memref<6x128xi32, #tpu.memory_space<hbm>>) target(%dma_start3A_241 : memref<6x128xi32, #tpu.memory_space<vmem>>) target_semaphore(%run_scoped3A_231 : memref<!tpu.dma_semaphore, #tpu.memory_space<semaphore_mem>>)
      %dma_wait3A_244 = arith.constant 0 : i32
      %dma_wait3A_245 = arith.constant 0 : i32
      %dma_wait3A_246 = tpu.memref_slice %arg8[%run_scoped3A_7, %dma_wait3A_244, %dma_wait3A_245] : memref<2x6x128xi32, #tpu.memory_space<vmem>> -> memref<1x6x128xi32, #tpu.memory_space<vmem>>
      %dma_wait3A_247 = tpu.memref_squeeze %dma_wait3A_246 : memref<1x6x128xi32, #tpu.memory_space<vmem>> -> memref<6x128xi32, #tpu.memory_space<vmem>>
      %dma_wait3A_248 = arith.constant 0 : i32
      %dma_wait3A_249 = tpu.memref_slice %arg3[%add3A_6, %dma_wait3A_248] : memref<25344x128xi32, #tpu.memory_space<hbm>> -> memref<6x128xi32, #tpu.memory_space<hbm>>
      %dma_wait3A_250 = arith.constant 0 : i32
      %dma_wait3A_251 = arith.constant 0 : i32
      %dma_wait3A_252 = tpu.memref_slice %arg8[%run_scoped3A_7, %dma_wait3A_250, %dma_wait3A_251] : memref<2x6x128xi32, #tpu.memory_space<vmem>> -> memref<1x6x128xi32, #tpu.memory_space<vmem>>
      %dma_wait3A_253 = tpu.memref_squeeze %dma_wait3A_252 : memref<1x6x128xi32, #tpu.memory_space<vmem>> -> memref<6x128xi32, #tpu.memory_space<vmem>>
      %dma_wait3A_254 = arith.constant 0 : i32
      %dma_wait3A_255 = tpu.memref_slice %arg3[%add3A_6, %dma_wait3A_254] : memref<25344x128xi32, #tpu.memory_space<hbm>> -> memref<6x128xi32, #tpu.memory_space<hbm>>
      tpu.wait_dma2 semaphore(%run_scoped3A_231 : memref<!tpu.dma_semaphore, #tpu.memory_space<semaphore_mem>>) src(%dma_wait3A_255 : memref<6x128xi32, #tpu.memory_space<hbm>>) dst(%dma_wait3A_253 : memref<6x128xi32, #tpu.memory_space<vmem>>)
      tpu.yield
    }) : () -> ()
    %add3A_8 = arith.constant 6 : i32
    %add3A_9 = arith.addi %mul3A_2, %add3A_8 : i32
    %run_scoped3A_10 = arith.constant 1 : i32
    "tpu.region"() ({
      %run_scoped3A_231 = tpu.sem_alloc : memref<!tpu.dma_semaphore, #tpu.memory_space<semaphore_mem>>
      %dma_start3A_232 = arith.constant 0 : i32
      %dma_start3A_233 = arith.constant 0 : i32
      %dma_start3A_234 = tpu.memref_slice %arg9[%run_scoped3A_10, %dma_start3A_232, %dma_start3A_233] : memref<2x6x128xi32, #tpu.memory_space<vmem>> -> memref<1x6x128xi32, #tpu.memory_space<vmem>>
      %dma_start3A_235 = tpu.memref_squeeze %dma_start3A_234 : memref<1x6x128xi32, #tpu.memory_space<vmem>> -> memref<6x128xi32, #tpu.memory_space<vmem>>
      %dma_start3A_236 = arith.constant 0 : i32
      %dma_start3A_237 = tpu.memref_slice %arg4[%add3A_9, %dma_start3A_236] : memref<25344x128xi32, #tpu.memory_space<hbm>> -> memref<6x128xi32, #tpu.memory_space<hbm>>
      %dma_start3A_238 = arith.constant 0 : i32
      %dma_start3A_239 = arith.constant 0 : i32
      %dma_start3A_240 = tpu.memref_slice %arg9[%run_scoped3A_10, %dma_start3A_238, %dma_start3A_239] : memref<2x6x128xi32, #tpu.memory_space<vmem>> -> memref<1x6x128xi32, #tpu.memory_space<vmem>>
      %dma_start3A_241 = tpu.memref_squeeze %dma_start3A_240 : memref<1x6x128xi32, #tpu.memory_space<vmem>> -> memref<6x128xi32, #tpu.memory_space<vmem>>
      %dma_start3A_242 = arith.constant 0 : i32
      %dma_start3A_243 = tpu.memref_slice %arg4[%add3A_9, %dma_start3A_242] : memref<25344x128xi32, #tpu.memory_space<hbm>> -> memref<6x128xi32, #tpu.memory_space<hbm>>
      tpu.enqueue_dma source(%dma_start3A_243 : memref<6x128xi32, #tpu.memory_space<hbm>>) target(%dma_start3A_241 : memref<6x128xi32, #tpu.memory_space<vmem>>) target_semaphore(%run_scoped3A_231 : memref<!tpu.dma_semaphore, #tpu.memory_space<semaphore_mem>>)
      %dma_wait3A_244 = arith.constant 0 : i32
      %dma_wait3A_245 = arith.constant 0 : i32
      %dma_wait3A_246 = tpu.memref_slice %arg9[%run_scoped3A_10, %dma_wait3A_244, %dma_wait3A_245] : memref<2x6x128xi32, #tpu.memory_space<vmem>> -> memref<1x6x128xi32, #tpu.memory_space<vmem>>
      %dma_wait3A_247 = tpu.memref_squeeze %dma_wait3A_246 : memref<1x6x128xi32, #tpu.memory_space<vmem>> -> memref<6x128xi32, #tpu.memory_space<vmem>>
      %dma_wait3A_248 = arith.constant 0 : i32
      %dma_wait3A_249 = tpu.memref_slice %arg4[%add3A_9, %dma_wait3A_248] : memref<25344x128xi32, #tpu.memory_space<hbm>> -> memref<6x128xi32, #tpu.memory_space<hbm>>
      %dma_wait3A_250 = arith.constant 0 : i32
      %dma_wait3A_251 = arith.constant 0 : i32
      %dma_wait3A_252 = tpu.memref_slice %arg9[%run_scoped3A_10, %dma_wait3A_250, %dma_wait3A_251] : memref<2x6x128xi32, #tpu.memory_space<vmem>> -> memref<1x6x128xi32, #tpu.memory_space<vmem>>
      %dma_wait3A_253 = tpu.memref_squeeze %dma_wait3A_252 : memref<1x6x128xi32, #tpu.memory_space<vmem>> -> memref<6x128xi32, #tpu.memory_space<vmem>>
      %dma_wait3A_254 = arith.constant 0 : i32
      %dma_wait3A_255 = tpu.memref_slice %arg4[%add3A_9, %dma_wait3A_254] : memref<25344x128xi32, #tpu.memory_space<hbm>> -> memref<6x128xi32, #tpu.memory_space<hbm>>
      tpu.wait_dma2 semaphore(%run_scoped3A_231 : memref<!tpu.dma_semaphore, #tpu.memory_space<semaphore_mem>>) src(%dma_wait3A_255 : memref<6x128xi32, #tpu.memory_space<hbm>>) dst(%dma_wait3A_253 : memref<6x128xi32, #tpu.memory_space<vmem>>)
      tpu.yield
    }) : () -> ()
    %dma_start3A = arith.constant 1 : i32
    %dma_start3A_11 = arith.constant 1 : i32
    %dma_start3A_12 = arith.constant 0 : i32
    %dma_start3A_13 = arith.constant 0 : i32
    %dma_start3A_14 = arith.constant 0 : i32
    %dma_start3A_15 = tpu.memref_slice %arg10[%dma_start3A, %dma_start3A_13, %dma_start3A_14] : memref<2x768x16xf32, #tpu.memory_space<vmem>> -> memref<1x128x16xf32, #tpu.memory_space<vmem>>
    %dma_start3A_16 = tpu.memref_squeeze %dma_start3A_15 : memref<1x128x16xf32, #tpu.memory_space<vmem>> -> memref<128x16xf32, #tpu.memory_space<vmem>>
    %dma_start3A_17 = arith.constant 0 : i32
    %dma_start3A_18 = tpu.memref_slice %arg9[%dma_start3A_11, %dma_start3A_12, %dma_start3A_17] : memref<2x6x128xi32, #tpu.memory_space<vmem>> -> memref<1x1x128xi32, #tpu.memory_space<vmem>>
    %dma_start3A_19 = tpu.memref_squeeze %dma_start3A_18 : memref<1x1x128xi32, #tpu.memory_space<vmem>> -> memref<128xi32, #tpu.memory_space<vmem>>
    %dma_start3A_20 = arith.constant 0 : i32
    %dma_start3A_21 = arith.constant 0 : i32
    %dma_start3A_22 = tpu.memref_slice %arg7[%dma_start3A_20, %dma_start3A_21] : memref<100096x16xf32, #tpu.memory_space<vmem_shared>> -> memref<100096x16xf32, #tpu.memory_space<vmem_shared>>
    tpu.enqueue_indirect_dma source(%dma_start3A_16 : memref<128x16xf32, #tpu.memory_space<vmem>>) target(%dma_start3A_22 : memref<100096x16xf32, #tpu.memory_space<vmem_shared>>) offsets(%dma_start3A_19 : memref<128xi32, #tpu.memory_space<vmem>>) semaphore(%arg12 : memref<!tpu.dma_semaphore, #tpu.memory_space<semaphore_mem>>) {add = true}
    %dma_start3A_23 = arith.constant 1 : i32
    %dma_start3A_24 = arith.constant 1 : i32
    %dma_start3A_25 = arith.constant 1 : i32
    %dma_start3A_26 = arith.constant 128 : i32
    %dma_start3A_27 = arith.constant 0 : i32
    %dma_start3A_28 = tpu.memref_slice %arg10[%dma_start3A_23, %dma_start3A_26, %dma_start3A_27] : memref<2x768x16xf32, #tpu.memory_space<vmem>> -> memref<1x128x16xf32, #tpu.memory_space<vmem>>
    %dma_start3A_29 = tpu.memref_squeeze %dma_start3A_28 : memref<1x128x16xf32, #tpu.memory_space<vmem>> -> memref<128x16xf32, #tpu.memory_space<vmem>>
    %dma_start3A_30 = arith.constant 0 : i32
    %dma_start3A_31 = tpu.memref_slice %arg9[%dma_start3A_24, %dma_start3A_25, %dma_start3A_30] : memref<2x6x128xi32, #tpu.memory_space<vmem>> -> memref<1x1x128xi32, #tpu.memory_space<vmem>>
    %dma_start3A_32 = tpu.memref_squeeze %dma_start3A_31 : memref<1x1x128xi32, #tpu.memory_space<vmem>> -> memref<128xi32, #tpu.memory_space<vmem>>
    %dma_start3A_33 = arith.constant 0 : i32
    %dma_start3A_34 = arith.constant 0 : i32
    %dma_start3A_35 = tpu.memref_slice %arg7[%dma_start3A_33, %dma_start3A_34] : memref<100096x16xf32, #tpu.memory_space<vmem_shared>> -> memref<100096x16xf32, #tpu.memory_space<vmem_shared>>
    tpu.enqueue_indirect_dma source(%dma_start3A_29 : memref<128x16xf32, #tpu.memory_space<vmem>>) target(%dma_start3A_35 : memref<100096x16xf32, #tpu.memory_space<vmem_shared>>) offsets(%dma_start3A_32 : memref<128xi32, #tpu.memory_space<vmem>>) semaphore(%arg12 : memref<!tpu.dma_semaphore, #tpu.memory_space<semaphore_mem>>) {add = true}
    %dma_start3A_36 = arith.constant 1 : i32
    %dma_start3A_37 = arith.constant 1 : i32
    %dma_start3A_38 = arith.constant 2 : i32
    %dma_start3A_39 = arith.constant 256 : i32
    %dma_start3A_40 = arith.constant 0 : i32
    %dma_start3A_41 = tpu.memref_slice %arg10[%dma_start3A_36, %dma_start3A_39, %dma_start3A_40] : memref<2x768x16xf32, #tpu.memory_space<vmem>> -> memref<1x128x16xf32, #tpu.memory_space<vmem>>
    %dma_start3A_42 = tpu.memref_squeeze %dma_start3A_41 : memref<1x128x16xf32, #tpu.memory_space<vmem>> -> memref<128x16xf32, #tpu.memory_space<vmem>>
    %dma_start3A_43 = arith.constant 0 : i32
    %dma_start3A_44 = tpu.memref_slice %arg9[%dma_start3A_37, %dma_start3A_38, %dma_start3A_43] : memref<2x6x128xi32, #tpu.memory_space<vmem>> -> memref<1x1x128xi32, #tpu.memory_space<vmem>>
    %dma_start3A_45 = tpu.memref_squeeze %dma_start3A_44 : memref<1x1x128xi32, #tpu.memory_space<vmem>> -> memref<128xi32, #tpu.memory_space<vmem>>
    %dma_start3A_46 = arith.constant 0 : i32
    %dma_start3A_47 = arith.constant 0 : i32
    %dma_start3A_48 = tpu.memref_slice %arg7[%dma_start3A_46, %dma_start3A_47] : memref<100096x16xf32, #tpu.memory_space<vmem_shared>> -> memref<100096x16xf32, #tpu.memory_space<vmem_shared>>
    tpu.enqueue_indirect_dma source(%dma_start3A_42 : memref<128x16xf32, #tpu.memory_space<vmem>>) target(%dma_start3A_48 : memref<100096x16xf32, #tpu.memory_space<vmem_shared>>) offsets(%dma_start3A_45 : memref<128xi32, #tpu.memory_space<vmem>>) semaphore(%arg12 : memref<!tpu.dma_semaphore, #tpu.memory_space<semaphore_mem>>) {add = true}
    %dma_start3A_49 = arith.constant 1 : i32
    %dma_start3A_50 = arith.constant 1 : i32
    %dma_start3A_51 = arith.constant 3 : i32
    %dma_start3A_52 = arith.constant 384 : i32
    %dma_start3A_53 = arith.constant 0 : i32
    %dma_start3A_54 = tpu.memref_slice %arg10[%dma_start3A_49, %dma_start3A_52, %dma_start3A_53] : memref<2x768x16xf32, #tpu.memory_space<vmem>> -> memref<1x128x16xf32, #tpu.memory_space<vmem>>
    %dma_start3A_55 = tpu.memref_squeeze %dma_start3A_54 : memref<1x128x16xf32, #tpu.memory_space<vmem>> -> memref<128x16xf32, #tpu.memory_space<vmem>>
    %dma_start3A_56 = arith.constant 0 : i32
    %dma_start3A_57 = tpu.memref_slice %arg9[%dma_start3A_50, %dma_start3A_51, %dma_start3A_56] : memref<2x6x128xi32, #tpu.memory_space<vmem>> -> memref<1x1x128xi32, #tpu.memory_space<vmem>>
    %dma_start3A_58 = tpu.memref_squeeze %dma_start3A_57 : memref<1x1x128xi32, #tpu.memory_space<vmem>> -> memref<128xi32, #tpu.memory_space<vmem>>
    %dma_start3A_59 = arith.constant 0 : i32
    %dma_start3A_60 = arith.constant 0 : i32
    %dma_start3A_61 = tpu.memref_slice %arg7[%dma_start3A_59, %dma_start3A_60] : memref<100096x16xf32, #tpu.memory_space<vmem_shared>> -> memref<100096x16xf32, #tpu.memory_space<vmem_shared>>
    tpu.enqueue_indirect_dma source(%dma_start3A_55 : memref<128x16xf32, #tpu.memory_space<vmem>>) target(%dma_start3A_61 : memref<100096x16xf32, #tpu.memory_space<vmem_shared>>) offsets(%dma_start3A_58 : memref<128xi32, #tpu.memory_space<vmem>>) semaphore(%arg12 : memref<!tpu.dma_semaphore, #tpu.memory_space<semaphore_mem>>) {add = true}
    %dma_start3A_62 = arith.constant 1 : i32
    %dma_start3A_63 = arith.constant 1 : i32
    %dma_start3A_64 = arith.constant 4 : i32
    %dma_start3A_65 = arith.constant 512 : i32
    %dma_start3A_66 = arith.constant 0 : i32
    %dma_start3A_67 = tpu.memref_slice %arg10[%dma_start3A_62, %dma_start3A_65, %dma_start3A_66] : memref<2x768x16xf32, #tpu.memory_space<vmem>> -> memref<1x128x16xf32, #tpu.memory_space<vmem>>
    %dma_start3A_68 = tpu.memref_squeeze %dma_start3A_67 : memref<1x128x16xf32, #tpu.memory_space<vmem>> -> memref<128x16xf32, #tpu.memory_space<vmem>>
    %dma_start3A_69 = arith.constant 0 : i32
    %dma_start3A_70 = tpu.memref_slice %arg9[%dma_start3A_63, %dma_start3A_64, %dma_start3A_69] : memref<2x6x128xi32, #tpu.memory_space<vmem>> -> memref<1x1x128xi32, #tpu.memory_space<vmem>>
    %dma_start3A_71 = tpu.memref_squeeze %dma_start3A_70 : memref<1x1x128xi32, #tpu.memory_space<vmem>> -> memref<128xi32, #tpu.memory_space<vmem>>
    %dma_start3A_72 = arith.constant 0 : i32
    %dma_start3A_73 = arith.constant 0 : i32
    %dma_start3A_74 = tpu.memref_slice %arg7[%dma_start3A_72, %dma_start3A_73] : memref<100096x16xf32, #tpu.memory_space<vmem_shared>> -> memref<100096x16xf32, #tpu.memory_space<vmem_shared>>
    tpu.enqueue_indirect_dma source(%dma_start3A_68 : memref<128x16xf32, #tpu.memory_space<vmem>>) target(%dma_start3A_74 : memref<100096x16xf32, #tpu.memory_space<vmem_shared>>) offsets(%dma_start3A_71 : memref<128xi32, #tpu.memory_space<vmem>>) semaphore(%arg12 : memref<!tpu.dma_semaphore, #tpu.memory_space<semaphore_mem>>) {add = true}
    %dma_start3A_75 = arith.constant 1 : i32
    %dma_start3A_76 = arith.constant 1 : i32
    %dma_start3A_77 = arith.constant 5 : i32
    %dma_start3A_78 = arith.constant 640 : i32
    %dma_start3A_79 = arith.constant 0 : i32
    %dma_start3A_80 = tpu.memref_slice %arg10[%dma_start3A_75, %dma_start3A_78, %dma_start3A_79] : memref<2x768x16xf32, #tpu.memory_space<vmem>> -> memref<1x128x16xf32, #tpu.memory_space<vmem>>
    %dma_start3A_81 = tpu.memref_squeeze %dma_start3A_80 : memref<1x128x16xf32, #tpu.memory_space<vmem>> -> memref<128x16xf32, #tpu.memory_space<vmem>>
    %dma_start3A_82 = arith.constant 0 : i32
    %dma_start3A_83 = tpu.memref_slice %arg9[%dma_start3A_76, %dma_start3A_77, %dma_start3A_82] : memref<2x6x128xi32, #tpu.memory_space<vmem>> -> memref<1x1x128xi32, #tpu.memory_space<vmem>>
    %dma_start3A_84 = tpu.memref_squeeze %dma_start3A_83 : memref<1x1x128xi32, #tpu.memory_space<vmem>> -> memref<128xi32, #tpu.memory_space<vmem>>
    %dma_start3A_85 = arith.constant 0 : i32
    %dma_start3A_86 = arith.constant 0 : i32
    %dma_start3A_87 = tpu.memref_slice %arg7[%dma_start3A_85, %dma_start3A_86] : memref<100096x16xf32, #tpu.memory_space<vmem_shared>> -> memref<100096x16xf32, #tpu.memory_space<vmem_shared>>
    tpu.enqueue_indirect_dma source(%dma_start3A_81 : memref<128x16xf32, #tpu.memory_space<vmem>>) target(%dma_start3A_87 : memref<100096x16xf32, #tpu.memory_space<vmem_shared>>) offsets(%dma_start3A_84 : memref<128xi32, #tpu.memory_space<vmem>>) semaphore(%arg12 : memref<!tpu.dma_semaphore, #tpu.memory_space<semaphore_mem>>) {add = true}
    %dma_start3A_88 = arith.constant 0 : i32
    %dma_start3A_89 = arith.constant 0 : i32
    %dma_start3A_90 = arith.constant 0 : i32
    %dma_start3A_91 = tpu.memref_slice %arg8[%dma_start3A_88, %dma_start3A_89, %dma_start3A_90] : memref<2x6x128xi32, #tpu.memory_space<vmem>> -> memref<1x6x128xi32, #tpu.memory_space<vmem>>
    %dma_start3A_92 = tpu.memref_squeeze %dma_start3A_91 : memref<1x6x128xi32, #tpu.memory_space<vmem>> -> memref<6x128xi32, #tpu.memory_space<vmem>>
    %dma_start3A_93 = arith.constant 0 : i32
    %dma_start3A_94 = tpu.memref_slice %arg3[%mul3A_2, %dma_start3A_93] : memref<25344x128xi32, #tpu.memory_space<hbm>> -> memref<6x128xi32, #tpu.memory_space<hbm>>
    %dma_start3A_95 = arith.constant 0 : i32
    %dma_start3A_96 = arith.constant 0 : i32
    %dma_start3A_97 = tpu.memref_slice %arg8[%dma_start3A_88, %dma_start3A_95, %dma_start3A_96] : memref<2x6x128xi32, #tpu.memory_space<vmem>> -> memref<1x6x128xi32, #tpu.memory_space<vmem>>
    %dma_start3A_98 = tpu.memref_squeeze %dma_start3A_97 : memref<1x6x128xi32, #tpu.memory_space<vmem>> -> memref<6x128xi32, #tpu.memory_space<vmem>>
    %dma_start3A_99 = arith.constant 0 : i32
    %dma_start3A_100 = tpu.memref_slice %arg3[%mul3A_2, %dma_start3A_99] : memref<25344x128xi32, #tpu.memory_space<hbm>> -> memref<6x128xi32, #tpu.memory_space<hbm>>
    tpu.enqueue_dma source(%dma_start3A_100 : memref<6x128xi32, #tpu.memory_space<hbm>>) target(%dma_start3A_98 : memref<6x128xi32, #tpu.memory_space<vmem>>) target_semaphore(%arg13 : memref<!tpu.dma_semaphore, #tpu.memory_space<semaphore_mem>>)
    %dma_start3A_101 = arith.constant 0 : i32
    %dma_start3A_102 = arith.constant 0 : i32
    %dma_start3A_103 = arith.constant 0 : i32
    %dma_start3A_104 = tpu.memref_slice %arg9[%dma_start3A_101, %dma_start3A_102, %dma_start3A_103] : memref<2x6x128xi32, #tpu.memory_space<vmem>> -> memref<1x6x128xi32, #tpu.memory_space<vmem>>
    %dma_start3A_105 = tpu.memref_squeeze %dma_start3A_104 : memref<1x6x128xi32, #tpu.memory_space<vmem>> -> memref<6x128xi32, #tpu.memory_space<vmem>>
    %dma_start3A_106 = arith.constant 0 : i32
    %dma_start3A_107 = tpu.memref_slice %arg4[%mul3A_2, %dma_start3A_106] : memref<25344x128xi32, #tpu.memory_space<hbm>> -> memref<6x128xi32, #tpu.memory_space<hbm>>
    %dma_start3A_108 = arith.constant 0 : i32
    %dma_start3A_109 = arith.constant 0 : i32
    %dma_start3A_110 = tpu.memref_slice %arg9[%dma_start3A_101, %dma_start3A_108, %dma_start3A_109] : memref<2x6x128xi32, #tpu.memory_space<vmem>> -> memref<1x6x128xi32, #tpu.memory_space<vmem>>
    %dma_start3A_111 = tpu.memref_squeeze %dma_start3A_110 : memref<1x6x128xi32, #tpu.memory_space<vmem>> -> memref<6x128xi32, #tpu.memory_space<vmem>>
    %dma_start3A_112 = arith.constant 0 : i32
    %dma_start3A_113 = tpu.memref_slice %arg4[%mul3A_2, %dma_start3A_112] : memref<25344x128xi32, #tpu.memory_space<hbm>> -> memref<6x128xi32, #tpu.memory_space<hbm>>
    tpu.enqueue_dma source(%dma_start3A_113 : memref<6x128xi32, #tpu.memory_space<hbm>>) target(%dma_start3A_111 : memref<6x128xi32, #tpu.memory_space<vmem>>) target_semaphore(%arg13 : memref<!tpu.dma_semaphore, #tpu.memory_space<semaphore_mem>>)
    %scan3A = arith.constant 0 : i32
    %scan3A_114 = arith.constant 0 : i32
    %scan3A_115 = arith.constant 66 : i32
    %scan3A_116 = arith.addi %scan3A_114, %scan3A_115 : i32
    %scan3A_117 = arith.constant 1 : i32
    scf.for %scan3A_231 = %scan3A_114 to %scan3A_116 step %scan3A_117  : i32 {
      %mul3A_232 = arith.constant 2 : i32
      %mul3A_233 = arith.muli %mul3A_232, %scan3A_231 : i32
      %add3A_234 = arith.constant 0 : i32
      %add3A_235 = arith.addi %mul3A_233, %add3A_234 : i32
      %dma_wait3A_236 = arith.constant 0 : i32
      %dma_wait3A_237 = arith.constant 0 : i32
      %dma_wait3A_238 = arith.constant 0 : i32
      %dma_wait3A_239 = tpu.memref_slice %arg8[%dma_wait3A_236, %dma_wait3A_237, %dma_wait3A_238] : memref<2x6x128xi32, #tpu.memory_space<vmem>> -> memref<1x6x128xi32, #tpu.memory_space<vmem>>
      %dma_wait3A_240 = tpu.memref_squeeze %dma_wait3A_239 : memref<1x6x128xi32, #tpu.memory_space<vmem>> -> memref<6x128xi32, #tpu.memory_space<vmem>>
      %dma_wait3A_241 = arith.constant 0 : i32
      %dma_wait3A_242 = arith.constant 0 : i32
      %dma_wait3A_243 = tpu.memref_slice %arg3[%dma_wait3A_241, %dma_wait3A_242] : memref<25344x128xi32, #tpu.memory_space<hbm>> -> memref<6x128xi32, #tpu.memory_space<hbm>>
      %dma_wait3A_244 = arith.constant 0 : i32
      %dma_wait3A_245 = arith.constant 0 : i32
      %dma_wait3A_246 = tpu.memref_slice %arg8[%dma_wait3A_236, %dma_wait3A_244, %dma_wait3A_245] : memref<2x6x128xi32, #tpu.memory_space<vmem>> -> memref<1x6x128xi32, #tpu.memory_space<vmem>>
      %dma_wait3A_247 = tpu.memref_squeeze %dma_wait3A_246 : memref<1x6x128xi32, #tpu.memory_space<vmem>> -> memref<6x128xi32, #tpu.memory_space<vmem>>
      %dma_wait3A_248 = arith.constant 0 : i32
      %dma_wait3A_249 = arith.constant 0 : i32
      %dma_wait3A_250 = tpu.memref_slice %arg3[%dma_wait3A_248, %dma_wait3A_249] : memref<25344x128xi32, #tpu.memory_space<hbm>> -> memref<6x128xi32, #tpu.memory_space<hbm>>
      tpu.wait_dma2 semaphore(%arg13 : memref<!tpu.dma_semaphore, #tpu.memory_space<semaphore_mem>>) src(%dma_wait3A_250 : memref<6x128xi32, #tpu.memory_space<hbm>>) dst(%dma_wait3A_247 : memref<6x128xi32, #tpu.memory_space<vmem>>)
      %dma_wait3A_251 = arith.constant 0 : i32
      %dma_wait3A_252 = arith.constant 0 : i32
      %dma_wait3A_253 = arith.constant 0 : i32
      %dma_wait3A_254 = tpu.memref_slice %arg9[%dma_wait3A_251, %dma_wait3A_252, %dma_wait3A_253] : memref<2x6x128xi32, #tpu.memory_space<vmem>> -> memref<1x6x128xi32, #tpu.memory_space<vmem>>
      %dma_wait3A_255 = tpu.memref_squeeze %dma_wait3A_254 : memref<1x6x128xi32, #tpu.memory_space<vmem>> -> memref<6x128xi32, #tpu.memory_space<vmem>>
      %dma_wait3A_256 = arith.constant 0 : i32
      %dma_wait3A_257 = arith.constant 0 : i32
      %dma_wait3A_258 = tpu.memref_slice %arg4[%dma_wait3A_256, %dma_wait3A_257] : memref<25344x128xi32, #tpu.memory_space<hbm>> -> memref<6x128xi32, #tpu.memory_space<hbm>>
      %dma_wait3A_259 = arith.constant 0 : i32
      %dma_wait3A_260 = arith.constant 0 : i32
      %dma_wait3A_261 = tpu.memref_slice %arg9[%dma_wait3A_251, %dma_wait3A_259, %dma_wait3A_260] : memref<2x6x128xi32, #tpu.memory_space<vmem>> -> memref<1x6x128xi32, #tpu.memory_space<vmem>>
      %dma_wait3A_262 = tpu.memref_squeeze %dma_wait3A_261 : memref<1x6x128xi32, #tpu.memory_space<vmem>> -> memref<6x128xi32, #tpu.memory_space<vmem>>
      %dma_wait3A_263 = arith.constant 0 : i32
      %dma_wait3A_264 = arith.constant 0 : i32
      %dma_wait3A_265 = tpu.memref_slice %arg4[%dma_wait3A_263, %dma_wait3A_264] : memref<25344x128xi32, #tpu.memory_space<hbm>> -> memref<6x128xi32, #tpu.memory_space<hbm>>
      tpu.wait_dma2 semaphore(%arg13 : memref<!tpu.dma_semaphore, #tpu.memory_space<semaphore_mem>>) src(%dma_wait3A_265 : memref<6x128xi32, #tpu.memory_space<hbm>>) dst(%dma_wait3A_262 : memref<6x128xi32, #tpu.memory_space<vmem>>)
      %dma_start3A_266 = arith.constant 0 : i32
      %dma_start3A_267 = arith.constant 0 : i32
      %dma_start3A_268 = arith.constant 0 : i32
      %dma_start3A_269 = arith.constant 0 : i32
      %dma_start3A_270 = arith.constant 0 : i32
      %dma_start3A_271 = tpu.memref_slice %arg10[%dma_start3A_268, %dma_start3A_269, %dma_start3A_270] : memref<2x768x16xf32, #tpu.memory_space<vmem>> -> memref<1x128x16xf32, #tpu.memory_space<vmem>>
      %dma_start3A_272 = tpu.memref_squeeze %dma_start3A_271 : memref<1x128x16xf32, #tpu.memory_space<vmem>> -> memref<128x16xf32, #tpu.memory_space<vmem>>
      %dma_start3A_273 = arith.constant 0 : i32
      %dma_start3A_274 = tpu.memref_slice %arg8[%dma_start3A_266, %dma_start3A_267, %dma_start3A_273] : memref<2x6x128xi32, #tpu.memory_space<vmem>> -> memref<1x1x128xi32, #tpu.memory_space<vmem>>
      %dma_start3A_275 = tpu.memref_squeeze %dma_start3A_274 : memref<1x1x128xi32, #tpu.memory_space<vmem>> -> memref<128xi32, #tpu.memory_space<vmem>>
      %dma_start3A_276 = arith.constant 0 : i32
      %dma_start3A_277 = arith.constant 0 : i32
      %dma_start3A_278 = tpu.memref_slice %arg2[%dma_start3A_276, %dma_start3A_277] : memref<100000x16xf32, #tpu.memory_space<hbm>> -> memref<100000x16xf32, #tpu.memory_space<hbm>>
      tpu.enqueue_indirect_dma source(%dma_start3A_278 : memref<100000x16xf32, #tpu.memory_space<hbm>>) target(%dma_start3A_272 : memref<128x16xf32, #tpu.memory_space<vmem>>) offsets(%dma_start3A_275 : memref<128xi32, #tpu.memory_space<vmem>>) semaphore(%arg11 : memref<!tpu.dma_semaphore, #tpu.memory_space<semaphore_mem>>)
      %dma_start3A_279 = arith.constant 0 : i32
      %dma_start3A_280 = arith.constant 1 : i32
      %dma_start3A_281 = arith.constant 0 : i32
      %dma_start3A_282 = arith.constant 128 : i32
      %dma_start3A_283 = arith.constant 0 : i32
      %dma_start3A_284 = tpu.memref_slice %arg10[%dma_start3A_281, %dma_start3A_282, %dma_start3A_283] : memref<2x768x16xf32, #tpu.memory_space<vmem>> -> memref<1x128x16xf32, #tpu.memory_space<vmem>>
      %dma_start3A_285 = tpu.memref_squeeze %dma_start3A_284 : memref<1x128x16xf32, #tpu.memory_space<vmem>> -> memref<128x16xf32, #tpu.memory_space<vmem>>
      %dma_start3A_286 = arith.constant 0 : i32
      %dma_start3A_287 = tpu.memref_slice %arg8[%dma_start3A_279, %dma_start3A_280, %dma_start3A_286] : memref<2x6x128xi32, #tpu.memory_space<vmem>> -> memref<1x1x128xi32, #tpu.memory_space<vmem>>
      %dma_start3A_288 = tpu.memref_squeeze %dma_start3A_287 : memref<1x1x128xi32, #tpu.memory_space<vmem>> -> memref<128xi32, #tpu.memory_space<vmem>>
      %dma_start3A_289 = arith.constant 0 : i32
      %dma_start3A_290 = arith.constant 0 : i32
      %dma_start3A_291 = tpu.memref_slice %arg2[%dma_start3A_289, %dma_start3A_290] : memref<100000x16xf32, #tpu.memory_space<hbm>> -> memref<100000x16xf32, #tpu.memory_space<hbm>>
      tpu.enqueue_indirect_dma source(%dma_start3A_291 : memref<100000x16xf32, #tpu.memory_space<hbm>>) target(%dma_start3A_285 : memref<128x16xf32, #tpu.memory_space<vmem>>) offsets(%dma_start3A_288 : memref<128xi32, #tpu.memory_space<vmem>>) semaphore(%arg11 : memref<!tpu.dma_semaphore, #tpu.memory_space<semaphore_mem>>)
      %dma_start3A_292 = arith.constant 0 : i32
      %dma_start3A_293 = arith.constant 2 : i32
      %dma_start3A_294 = arith.constant 0 : i32
      %dma_start3A_295 = arith.constant 256 : i32
      %dma_start3A_296 = arith.constant 0 : i32
      %dma_start3A_297 = tpu.memref_slice %arg10[%dma_start3A_294, %dma_start3A_295, %dma_start3A_296] : memref<2x768x16xf32, #tpu.memory_space<vmem>> -> memref<1x128x16xf32, #tpu.memory_space<vmem>>
      %dma_start3A_298 = tpu.memref_squeeze %dma_start3A_297 : memref<1x128x16xf32, #tpu.memory_space<vmem>> -> memref<128x16xf32, #tpu.memory_space<vmem>>
      %dma_start3A_299 = arith.constant 0 : i32
      %dma_start3A_300 = tpu.memref_slice %arg8[%dma_start3A_292, %dma_start3A_293, %dma_start3A_299] : memref<2x6x128xi32, #tpu.memory_space<vmem>> -> memref<1x1x128xi32, #tpu.memory_space<vmem>>
      %dma_start3A_301 = tpu.memref_squeeze %dma_start3A_300 : memref<1x1x128xi32, #tpu.memory_space<vmem>> -> memref<128xi32, #tpu.memory_space<vmem>>
      %dma_start3A_302 = arith.constant 0 : i32
      %dma_start3A_303 = arith.constant 0 : i32
      %dma_start3A_304 = tpu.memref_slice %arg2[%dma_start3A_302, %dma_start3A_303] : memref<100000x16xf32, #tpu.memory_space<hbm>> -> memref<100000x16xf32, #tpu.memory_space<hbm>>
      tpu.enqueue_indirect_dma source(%dma_start3A_304 : memref<100000x16xf32, #tpu.memory_space<hbm>>) target(%dma_start3A_298 : memref<128x16xf32, #tpu.memory_space<vmem>>) offsets(%dma_start3A_301 : memref<128xi32, #tpu.memory_space<vmem>>) semaphore(%arg11 : memref<!tpu.dma_semaphore, #tpu.memory_space<semaphore_mem>>)
      %dma_start3A_305 = arith.constant 0 : i32
      %dma_start3A_306 = arith.constant 3 : i32
      %dma_start3A_307 = arith.constant 0 : i32
      %dma_start3A_308 = arith.constant 384 : i32
      %dma_start3A_309 = arith.constant 0 : i32
      %dma_start3A_310 = tpu.memref_slice %arg10[%dma_start3A_307, %dma_start3A_308, %dma_start3A_309] : memref<2x768x16xf32, #tpu.memory_space<vmem>> -> memref<1x128x16xf32, #tpu.memory_space<vmem>>
      %dma_start3A_311 = tpu.memref_squeeze %dma_start3A_310 : memref<1x128x16xf32, #tpu.memory_space<vmem>> -> memref<128x16xf32, #tpu.memory_space<vmem>>
      %dma_start3A_312 = arith.constant 0 : i32
      %dma_start3A_313 = tpu.memref_slice %arg8[%dma_start3A_305, %dma_start3A_306, %dma_start3A_312] : memref<2x6x128xi32, #tpu.memory_space<vmem>> -> memref<1x1x128xi32, #tpu.memory_space<vmem>>
      %dma_start3A_314 = tpu.memref_squeeze %dma_start3A_313 : memref<1x1x128xi32, #tpu.memory_space<vmem>> -> memref<128xi32, #tpu.memory_space<vmem>>
      %dma_start3A_315 = arith.constant 0 : i32
      %dma_start3A_316 = arith.constant 0 : i32
      %dma_start3A_317 = tpu.memref_slice %arg2[%dma_start3A_315, %dma_start3A_316] : memref<100000x16xf32, #tpu.memory_space<hbm>> -> memref<100000x16xf32, #tpu.memory_space<hbm>>
      tpu.enqueue_indirect_dma source(%dma_start3A_317 : memref<100000x16xf32, #tpu.memory_space<hbm>>) target(%dma_start3A_311 : memref<128x16xf32, #tpu.memory_space<vmem>>) offsets(%dma_start3A_314 : memref<128xi32, #tpu.memory_space<vmem>>) semaphore(%arg11 : memref<!tpu.dma_semaphore, #tpu.memory_space<semaphore_mem>>)
      %dma_start3A_318 = arith.constant 0 : i32
      %dma_start3A_319 = arith.constant 4 : i32
      %dma_start3A_320 = arith.constant 0 : i32
      %dma_start3A_321 = arith.constant 512 : i32
      %dma_start3A_322 = arith.constant 0 : i32
      %dma_start3A_323 = tpu.memref_slice %arg10[%dma_start3A_320, %dma_start3A_321, %dma_start3A_322] : memref<2x768x16xf32, #tpu.memory_space<vmem>> -> memref<1x128x16xf32, #tpu.memory_space<vmem>>
      %dma_start3A_324 = tpu.memref_squeeze %dma_start3A_323 : memref<1x128x16xf32, #tpu.memory_space<vmem>> -> memref<128x16xf32, #tpu.memory_space<vmem>>
      %dma_start3A_325 = arith.constant 0 : i32
      %dma_start3A_326 = tpu.memref_slice %arg8[%dma_start3A_318, %dma_start3A_319, %dma_start3A_325] : memref<2x6x128xi32, #tpu.memory_space<vmem>> -> memref<1x1x128xi32, #tpu.memory_space<vmem>>
      %dma_start3A_327 = tpu.memref_squeeze %dma_start3A_326 : memref<1x1x128xi32, #tpu.memory_space<vmem>> -> memref<128xi32, #tpu.memory_space<vmem>>
      %dma_start3A_328 = arith.constant 0 : i32
      %dma_start3A_329 = arith.constant 0 : i32
      %dma_start3A_330 = tpu.memref_slice %arg2[%dma_start3A_328, %dma_start3A_329] : memref<100000x16xf32, #tpu.memory_space<hbm>> -> memref<100000x16xf32, #tpu.memory_space<hbm>>
      tpu.enqueue_indirect_dma source(%dma_start3A_330 : memref<100000x16xf32, #tpu.memory_space<hbm>>) target(%dma_start3A_324 : memref<128x16xf32, #tpu.memory_space<vmem>>) offsets(%dma_start3A_327 : memref<128xi32, #tpu.memory_space<vmem>>) semaphore(%arg11 : memref<!tpu.dma_semaphore, #tpu.memory_space<semaphore_mem>>)
      %dma_start3A_331 = arith.constant 0 : i32
      %dma_start3A_332 = arith.constant 5 : i32
      %dma_start3A_333 = arith.constant 0 : i32
      %dma_start3A_334 = arith.constant 640 : i32
      %dma_start3A_335 = arith.constant 0 : i32
      %dma_start3A_336 = tpu.memref_slice %arg10[%dma_start3A_333, %dma_start3A_334, %dma_start3A_335] : memref<2x768x16xf32, #tpu.memory_space<vmem>> -> memref<1x128x16xf32, #tpu.memory_space<vmem>>
      %dma_start3A_337 = tpu.memref_squeeze %dma_start3A_336 : memref<1x128x16xf32, #tpu.memory_space<vmem>> -> memref<128x16xf32, #tpu.memory_space<vmem>>
      %dma_start3A_338 = arith.constant 0 : i32
      %dma_start3A_339 = tpu.memref_slice %arg8[%dma_start3A_331, %dma_start3A_332, %dma_start3A_338] : memref<2x6x128xi32, #tpu.memory_space<vmem>> -> memref<1x1x128xi32, #tpu.memory_space<vmem>>
      %dma_start3A_340 = tpu.memref_squeeze %dma_start3A_339 : memref<1x1x128xi32, #tpu.memory_space<vmem>> -> memref<128xi32, #tpu.memory_space<vmem>>
      %dma_start3A_341 = arith.constant 0 : i32
      %dma_start3A_342 = arith.constant 0 : i32
      %dma_start3A_343 = tpu.memref_slice %arg2[%dma_start3A_341, %dma_start3A_342] : memref<100000x16xf32, #tpu.memory_space<hbm>> -> memref<100000x16xf32, #tpu.memory_space<hbm>>
      tpu.enqueue_indirect_dma source(%dma_start3A_343 : memref<100000x16xf32, #tpu.memory_space<hbm>>) target(%dma_start3A_337 : memref<128x16xf32, #tpu.memory_space<vmem>>) offsets(%dma_start3A_340 : memref<128xi32, #tpu.memory_space<vmem>>) semaphore(%arg11 : memref<!tpu.dma_semaphore, #tpu.memory_space<semaphore_mem>>)
      %dma_wait3A_344 = arith.constant 1 : i32
      %dma_wait3A_345 = arith.constant 1 : i32
      %dma_wait3A_346 = arith.constant 0 : i32
      %dma_wait3A_347 = arith.constant 0 : i32
      %dma_wait3A_348 = arith.constant 0 : i32
      %dma_wait3A_349 = tpu.memref_slice %arg10[%dma_wait3A_344, %dma_wait3A_347, %dma_wait3A_348] : memref<2x768x16xf32, #tpu.memory_space<vmem>> -> memref<1x128x16xf32, #tpu.memory_space<vmem>>
      %dma_wait3A_350 = tpu.memref_squeeze %dma_wait3A_349 : memref<1x128x16xf32, #tpu.memory_space<vmem>> -> memref<128x16xf32, #tpu.memory_space<vmem>>
      %dma_wait3A_351 = arith.constant 0 : i32
      %dma_wait3A_352 = tpu.memref_slice %arg9[%dma_wait3A_345, %dma_wait3A_346, %dma_wait3A_351] : memref<2x6x128xi32, #tpu.memory_space<vmem>> -> memref<1x1x128xi32, #tpu.memory_space<vmem>>
      %dma_wait3A_353 = tpu.memref_squeeze %dma_wait3A_352 : memref<1x1x128xi32, #tpu.memory_space<vmem>> -> memref<128xi32, #tpu.memory_space<vmem>>
      %dma_wait3A_354 = arith.constant 0 : i32
      %dma_wait3A_355 = arith.constant 0 : i32
      %dma_wait3A_356 = tpu.memref_slice %arg7[%dma_wait3A_354, %dma_wait3A_355] : memref<100096x16xf32, #tpu.memory_space<vmem_shared>> -> memref<100096x16xf32, #tpu.memory_space<vmem_shared>>
      tpu.wait_indirect_dma semaphore(%arg12 : memref<!tpu.dma_semaphore, #tpu.memory_space<semaphore_mem>>) src(%dma_wait3A_350 : memref<128x16xf32, #tpu.memory_space<vmem>>) dst(%dma_wait3A_356 : memref<100096x16xf32, #tpu.memory_space<vmem_shared>>)
      %dma_wait3A_357 = arith.constant 1 : i32
      %dma_wait3A_358 = arith.constant 1 : i32
      %dma_wait3A_359 = arith.constant 1 : i32
      %dma_wait3A_360 = arith.constant 128 : i32
      %dma_wait3A_361 = arith.constant 0 : i32
      %dma_wait3A_362 = tpu.memref_slice %arg10[%dma_wait3A_357, %dma_wait3A_360, %dma_wait3A_361] : memref<2x768x16xf32, #tpu.memory_space<vmem>> -> memref<1x128x16xf32, #tpu.memory_space<vmem>>
      %dma_wait3A_363 = tpu.memref_squeeze %dma_wait3A_362 : memref<1x128x16xf32, #tpu.memory_space<vmem>> -> memref<128x16xf32, #tpu.memory_space<vmem>>
      %dma_wait3A_364 = arith.constant 0 : i32
      %dma_wait3A_365 = tpu.memref_slice %arg9[%dma_wait3A_358, %dma_wait3A_359, %dma_wait3A_364] : memref<2x6x128xi32, #tpu.memory_space<vmem>> -> memref<1x1x128xi32, #tpu.memory_space<vmem>>
      %dma_wait3A_366 = tpu.memref_squeeze %dma_wait3A_365 : memref<1x1x128xi32, #tpu.memory_space<vmem>> -> memref<128xi32, #tpu.memory_space<vmem>>
      %dma_wait3A_367 = arith.constant 0 : i32
      %dma_wait3A_368 = arith.constant 0 : i32
      %dma_wait3A_369 = tpu.memref_slice %arg7[%dma_wait3A_367, %dma_wait3A_368] : memref<100096x16xf32, #tpu.memory_space<vmem_shared>> -> memref<100096x16xf32, #tpu.memory_space<vmem_shared>>
      tpu.wait_indirect_dma semaphore(%arg12 : memref<!tpu.dma_semaphore, #tpu.memory_space<semaphore_mem>>) src(%dma_wait3A_363 : memref<128x16xf32, #tpu.memory_space<vmem>>) dst(%dma_wait3A_369 : memref<100096x16xf32, #tpu.memory_space<vmem_shared>>)
      %dma_wait3A_370 = arith.constant 1 : i32
      %dma_wait3A_371 = arith.constant 1 : i32
      %dma_wait3A_372 = arith.constant 2 : i32
      %dma_wait3A_373 = arith.constant 256 : i32
      %dma_wait3A_374 = arith.constant 0 : i32
      %dma_wait3A_375 = tpu.memref_slice %arg10[%dma_wait3A_370, %dma_wait3A_373, %dma_wait3A_374] : memref<2x768x16xf32, #tpu.memory_space<vmem>> -> memref<1x128x16xf32, #tpu.memory_space<vmem>>
      %dma_wait3A_376 = tpu.memref_squeeze %dma_wait3A_375 : memref<1x128x16xf32, #tpu.memory_space<vmem>> -> memref<128x16xf32, #tpu.memory_space<vmem>>
      %dma_wait3A_377 = arith.constant 0 : i32
      %dma_wait3A_378 = tpu.memref_slice %arg9[%dma_wait3A_371, %dma_wait3A_372, %dma_wait3A_377] : memref<2x6x128xi32, #tpu.memory_space<vmem>> -> memref<1x1x128xi32, #tpu.memory_space<vmem>>
      %dma_wait3A_379 = tpu.memref_squeeze %dma_wait3A_378 : memref<1x1x128xi32, #tpu.memory_space<vmem>> -> memref<128xi32, #tpu.memory_space<vmem>>
      %dma_wait3A_380 = arith.constant 0 : i32
      %dma_wait3A_381 = arith.constant 0 : i32
      %dma_wait3A_382 = tpu.memref_slice %arg7[%dma_wait3A_380, %dma_wait3A_381] : memref<100096x16xf32, #tpu.memory_space<vmem_shared>> -> memref<100096x16xf32, #tpu.memory_space<vmem_shared>>
      tpu.wait_indirect_dma semaphore(%arg12 : memref<!tpu.dma_semaphore, #tpu.memory_space<semaphore_mem>>) src(%dma_wait3A_376 : memref<128x16xf32, #tpu.memory_space<vmem>>) dst(%dma_wait3A_382 : memref<100096x16xf32, #tpu.memory_space<vmem_shared>>)
      %dma_wait3A_383 = arith.constant 1 : i32
      %dma_wait3A_384 = arith.constant 1 : i32
      %dma_wait3A_385 = arith.constant 3 : i32
      %dma_wait3A_386 = arith.constant 384 : i32
      %dma_wait3A_387 = arith.constant 0 : i32
      %dma_wait3A_388 = tpu.memref_slice %arg10[%dma_wait3A_383, %dma_wait3A_386, %dma_wait3A_387] : memref<2x768x16xf32, #tpu.memory_space<vmem>> -> memref<1x128x16xf32, #tpu.memory_space<vmem>>
      %dma_wait3A_389 = tpu.memref_squeeze %dma_wait3A_388 : memref<1x128x16xf32, #tpu.memory_space<vmem>> -> memref<128x16xf32, #tpu.memory_space<vmem>>
      %dma_wait3A_390 = arith.constant 0 : i32
      %dma_wait3A_391 = tpu.memref_slice %arg9[%dma_wait3A_384, %dma_wait3A_385, %dma_wait3A_390] : memref<2x6x128xi32, #tpu.memory_space<vmem>> -> memref<1x1x128xi32, #tpu.memory_space<vmem>>
      %dma_wait3A_392 = tpu.memref_squeeze %dma_wait3A_391 : memref<1x1x128xi32, #tpu.memory_space<vmem>> -> memref<128xi32, #tpu.memory_space<vmem>>
      %dma_wait3A_393 = arith.constant 0 : i32
      %dma_wait3A_394 = arith.constant 0 : i32
      %dma_wait3A_395 = tpu.memref_slice %arg7[%dma_wait3A_393, %dma_wait3A_394] : memref<100096x16xf32, #tpu.memory_space<vmem_shared>> -> memref<100096x16xf32, #tpu.memory_space<vmem_shared>>
      tpu.wait_indirect_dma semaphore(%arg12 : memref<!tpu.dma_semaphore, #tpu.memory_space<semaphore_mem>>) src(%dma_wait3A_389 : memref<128x16xf32, #tpu.memory_space<vmem>>) dst(%dma_wait3A_395 : memref<100096x16xf32, #tpu.memory_space<vmem_shared>>)
      %dma_wait3A_396 = arith.constant 1 : i32
      %dma_wait3A_397 = arith.constant 1 : i32
      %dma_wait3A_398 = arith.constant 4 : i32
      %dma_wait3A_399 = arith.constant 512 : i32
      %dma_wait3A_400 = arith.constant 0 : i32
      %dma_wait3A_401 = tpu.memref_slice %arg10[%dma_wait3A_396, %dma_wait3A_399, %dma_wait3A_400] : memref<2x768x16xf32, #tpu.memory_space<vmem>> -> memref<1x128x16xf32, #tpu.memory_space<vmem>>
      %dma_wait3A_402 = tpu.memref_squeeze %dma_wait3A_401 : memref<1x128x16xf32, #tpu.memory_space<vmem>> -> memref<128x16xf32, #tpu.memory_space<vmem>>
      %dma_wait3A_403 = arith.constant 0 : i32
      %dma_wait3A_404 = tpu.memref_slice %arg9[%dma_wait3A_397, %dma_wait3A_398, %dma_wait3A_403] : memref<2x6x128xi32, #tpu.memory_space<vmem>> -> memref<1x1x128xi32, #tpu.memory_space<vmem>>
      %dma_wait3A_405 = tpu.memref_squeeze %dma_wait3A_404 : memref<1x1x128xi32, #tpu.memory_space<vmem>> -> memref<128xi32, #tpu.memory_space<vmem>>
      %dma_wait3A_406 = arith.constant 0 : i32
      %dma_wait3A_407 = arith.constant 0 : i32
      %dma_wait3A_408 = tpu.memref_slice %arg7[%dma_wait3A_406, %dma_wait3A_407] : memref<100096x16xf32, #tpu.memory_space<vmem_shared>> -> memref<100096x16xf32, #tpu.memory_space<vmem_shared>>
      tpu.wait_indirect_dma semaphore(%arg12 : memref<!tpu.dma_semaphore, #tpu.memory_space<semaphore_mem>>) src(%dma_wait3A_402 : memref<128x16xf32, #tpu.memory_space<vmem>>) dst(%dma_wait3A_408 : memref<100096x16xf32, #tpu.memory_space<vmem_shared>>)
      %dma_wait3A_409 = arith.constant 1 : i32
      %dma_wait3A_410 = arith.constant 1 : i32
      %dma_wait3A_411 = arith.constant 5 : i32
      %dma_wait3A_412 = arith.constant 640 : i32
      %dma_wait3A_413 = arith.constant 0 : i32
      %dma_wait3A_414 = tpu.memref_slice %arg10[%dma_wait3A_409, %dma_wait3A_412, %dma_wait3A_413] : memref<2x768x16xf32, #tpu.memory_space<vmem>> -> memref<1x128x16xf32, #tpu.memory_space<vmem>>
      %dma_wait3A_415 = tpu.memref_squeeze %dma_wait3A_414 : memref<1x128x16xf32, #tpu.memory_space<vmem>> -> memref<128x16xf32, #tpu.memory_space<vmem>>
      %dma_wait3A_416 = arith.constant 0 : i32
      %dma_wait3A_417 = tpu.memref_slice %arg9[%dma_wait3A_410, %dma_wait3A_411, %dma_wait3A_416] : memref<2x6x128xi32, #tpu.memory_space<vmem>> -> memref<1x1x128xi32, #tpu.memory_space<vmem>>
      %dma_wait3A_418 = tpu.memref_squeeze %dma_wait3A_417 : memref<1x1x128xi32, #tpu.memory_space<vmem>> -> memref<128xi32, #tpu.memory_space<vmem>>
      %dma_wait3A_419 = arith.constant 0 : i32
      %dma_wait3A_420 = arith.constant 0 : i32
      %dma_wait3A_421 = tpu.memref_slice %arg7[%dma_wait3A_419, %dma_wait3A_420] : memref<100096x16xf32, #tpu.memory_space<vmem_shared>> -> memref<100096x16xf32, #tpu.memory_space<vmem_shared>>
      tpu.wait_indirect_dma semaphore(%arg12 : memref<!tpu.dma_semaphore, #tpu.memory_space<semaphore_mem>>) src(%dma_wait3A_415 : memref<128x16xf32, #tpu.memory_space<vmem>>) dst(%dma_wait3A_421 : memref<100096x16xf32, #tpu.memory_space<vmem_shared>>)
      %add3A_422 = arith.constant 1 : i32
      %add3A_423 = arith.addi %add3A_235, %add3A_422 : i32
      %min3A = arith.constant 131 : i32
      %min3A_424 = arith.minsi %add3A_423, %min3A : i32
      %mul3A_425 = arith.constant 6 : i32
      %mul3A_426 = arith.muli %min3A_424, %mul3A_425 : i32
      %add3A_427 = arith.addi %mul3A_2, %mul3A_426 : i32
      %dma_start3A_428 = arith.constant 1 : i32
      %dma_start3A_429 = arith.constant 0 : i32
      %dma_start3A_430 = arith.constant 0 : i32
      %dma_start3A_431 = tpu.memref_slice %arg8[%dma_start3A_428, %dma_start3A_429, %dma_start3A_430] : memref<2x6x128xi32, #tpu.memory_space<vmem>> -> memref<1x6x128xi32, #tpu.memory_space<vmem>>
      %dma_start3A_432 = tpu.memref_squeeze %dma_start3A_431 : memref<1x6x128xi32, #tpu.memory_space<vmem>> -> memref<6x128xi32, #tpu.memory_space<vmem>>
      %dma_start3A_433 = arith.constant 0 : i32
      %dma_start3A_434 = tpu.memref_slice %arg3[%add3A_427, %dma_start3A_433] : memref<25344x128xi32, #tpu.memory_space<hbm>> -> memref<6x128xi32, #tpu.memory_space<hbm>>
      %dma_start3A_435 = arith.constant 0 : i32
      %dma_start3A_436 = arith.constant 0 : i32
      %dma_start3A_437 = tpu.memref_slice %arg8[%dma_start3A_428, %dma_start3A_435, %dma_start3A_436] : memref<2x6x128xi32, #tpu.memory_space<vmem>> -> memref<1x6x128xi32, #tpu.memory_space<vmem>>
      %dma_start3A_438 = tpu.memref_squeeze %dma_start3A_437 : memref<1x6x128xi32, #tpu.memory_space<vmem>> -> memref<6x128xi32, #tpu.memory_space<vmem>>
      %dma_start3A_439 = arith.constant 0 : i32
      %dma_start3A_440 = tpu.memref_slice %arg3[%add3A_427, %dma_start3A_439] : memref<25344x128xi32, #tpu.memory_space<hbm>> -> memref<6x128xi32, #tpu.memory_space<hbm>>
      tpu.enqueue_dma source(%dma_start3A_440 : memref<6x128xi32, #tpu.memory_space<hbm>>) target(%dma_start3A_438 : memref<6x128xi32, #tpu.memory_space<vmem>>) target_semaphore(%arg13 : memref<!tpu.dma_semaphore, #tpu.memory_space<semaphore_mem>>)
      %dma_start3A_441 = arith.constant 1 : i32
      %dma_start3A_442 = arith.constant 0 : i32
      %dma_start3A_443 = arith.constant 0 : i32
      %dma_start3A_444 = tpu.memref_slice %arg9[%dma_start3A_441, %dma_start3A_442, %dma_start3A_443] : memref<2x6x128xi32, #tpu.memory_space<vmem>> -> memref<1x6x128xi32, #tpu.memory_space<vmem>>
      %dma_start3A_445 = tpu.memref_squeeze %dma_start3A_444 : memref<1x6x128xi32, #tpu.memory_space<vmem>> -> memref<6x128xi32, #tpu.memory_space<vmem>>
      %dma_start3A_446 = arith.constant 0 : i32
      %dma_start3A_447 = tpu.memref_slice %arg4[%add3A_427, %dma_start3A_446] : memref<25344x128xi32, #tpu.memory_space<hbm>> -> memref<6x128xi32, #tpu.memory_space<hbm>>
      %dma_start3A_448 = arith.constant 0 : i32
      %dma_start3A_449 = arith.constant 0 : i32
      %dma_start3A_450 = tpu.memref_slice %arg9[%dma_start3A_441, %dma_start3A_448, %dma_start3A_449] : memref<2x6x128xi32, #tpu.memory_space<vmem>> -> memref<1x6x128xi32, #tpu.memory_space<vmem>>
      %dma_start3A_451 = tpu.memref_squeeze %dma_start3A_450 : memref<1x6x128xi32, #tpu.memory_space<vmem>> -> memref<6x128xi32, #tpu.memory_space<vmem>>
      %dma_start3A_452 = arith.constant 0 : i32
      %dma_start3A_453 = tpu.memref_slice %arg4[%add3A_427, %dma_start3A_452] : memref<25344x128xi32, #tpu.memory_space<hbm>> -> memref<6x128xi32, #tpu.memory_space<hbm>>
      tpu.enqueue_dma source(%dma_start3A_453 : memref<6x128xi32, #tpu.memory_space<hbm>>) target(%dma_start3A_451 : memref<6x128xi32, #tpu.memory_space<vmem>>) target_semaphore(%arg13 : memref<!tpu.dma_semaphore, #tpu.memory_space<semaphore_mem>>)
      %dma_wait3A_454 = arith.constant 0 : i32
      %dma_wait3A_455 = arith.constant 0 : i32
      %dma_wait3A_456 = arith.constant 0 : i32
      %dma_wait3A_457 = arith.constant 0 : i32
      %dma_wait3A_458 = arith.constant 0 : i32
      %dma_wait3A_459 = tpu.memref_slice %arg10[%dma_wait3A_456, %dma_wait3A_457, %dma_wait3A_458] : memref<2x768x16xf32, #tpu.memory_space<vmem>> -> memref<1x128x16xf32, #tpu.memory_space<vmem>>
      %dma_wait3A_460 = tpu.memref_squeeze %dma_wait3A_459 : memref<1x128x16xf32, #tpu.memory_space<vmem>> -> memref<128x16xf32, #tpu.memory_space<vmem>>
      %dma_wait3A_461 = arith.constant 0 : i32
      %dma_wait3A_462 = tpu.memref_slice %arg8[%dma_wait3A_454, %dma_wait3A_455, %dma_wait3A_461] : memref<2x6x128xi32, #tpu.memory_space<vmem>> -> memref<1x1x128xi32, #tpu.memory_space<vmem>>
      %dma_wait3A_463 = tpu.memref_squeeze %dma_wait3A_462 : memref<1x1x128xi32, #tpu.memory_space<vmem>> -> memref<128xi32, #tpu.memory_space<vmem>>
      %dma_wait3A_464 = arith.constant 0 : i32
      %dma_wait3A_465 = arith.constant 0 : i32
      %dma_wait3A_466 = tpu.memref_slice %arg2[%dma_wait3A_464, %dma_wait3A_465] : memref<100000x16xf32, #tpu.memory_space<hbm>> -> memref<100000x16xf32, #tpu.memory_space<hbm>>
      tpu.wait_indirect_dma semaphore(%arg11 : memref<!tpu.dma_semaphore, #tpu.memory_space<semaphore_mem>>) src(%dma_wait3A_466 : memref<100000x16xf32, #tpu.memory_space<hbm>>) dst(%dma_wait3A_460 : memref<128x16xf32, #tpu.memory_space<vmem>>)
      %dma_wait3A_467 = arith.constant 0 : i32
      %dma_wait3A_468 = arith.constant 1 : i32
      %dma_wait3A_469 = arith.constant 0 : i32
      %dma_wait3A_470 = arith.constant 128 : i32
      %dma_wait3A_471 = arith.constant 0 : i32
      %dma_wait3A_472 = tpu.memref_slice %arg10[%dma_wait3A_469, %dma_wait3A_470, %dma_wait3A_471] : memref<2x768x16xf32, #tpu.memory_space<vmem>> -> memref<1x128x16xf32, #tpu.memory_space<vmem>>
      %dma_wait3A_473 = tpu.memref_squeeze %dma_wait3A_472 : memref<1x128x16xf32, #tpu.memory_space<vmem>> -> memref<128x16xf32, #tpu.memory_space<vmem>>
      %dma_wait3A_474 = arith.constant 0 : i32
      %dma_wait3A_475 = tpu.memref_slice %arg8[%dma_wait3A_467, %dma_wait3A_468, %dma_wait3A_474] : memref<2x6x128xi32, #tpu.memory_space<vmem>> -> memref<1x1x128xi32, #tpu.memory_space<vmem>>
      %dma_wait3A_476 = tpu.memref_squeeze %dma_wait3A_475 : memref<1x1x128xi32, #tpu.memory_space<vmem>> -> memref<128xi32, #tpu.memory_space<vmem>>
      %dma_wait3A_477 = arith.constant 0 : i32
      %dma_wait3A_478 = arith.constant 0 : i32
      %dma_wait3A_479 = tpu.memref_slice %arg2[%dma_wait3A_477, %dma_wait3A_478] : memref<100000x16xf32, #tpu.memory_space<hbm>> -> memref<100000x16xf32, #tpu.memory_space<hbm>>
      tpu.wait_indirect_dma semaphore(%arg11 : memref<!tpu.dma_semaphore, #tpu.memory_space<semaphore_mem>>) src(%dma_wait3A_479 : memref<100000x16xf32, #tpu.memory_space<hbm>>) dst(%dma_wait3A_473 : memref<128x16xf32, #tpu.memory_space<vmem>>)
      %dma_wait3A_480 = arith.constant 0 : i32
      %dma_wait3A_481 = arith.constant 2 : i32
      %dma_wait3A_482 = arith.constant 0 : i32
      %dma_wait3A_483 = arith.constant 256 : i32
      %dma_wait3A_484 = arith.constant 0 : i32
      %dma_wait3A_485 = tpu.memref_slice %arg10[%dma_wait3A_482, %dma_wait3A_483, %dma_wait3A_484] : memref<2x768x16xf32, #tpu.memory_space<vmem>> -> memref<1x128x16xf32, #tpu.memory_space<vmem>>
      %dma_wait3A_486 = tpu.memref_squeeze %dma_wait3A_485 : memref<1x128x16xf32, #tpu.memory_space<vmem>> -> memref<128x16xf32, #tpu.memory_space<vmem>>
      %dma_wait3A_487 = arith.constant 0 : i32
      %dma_wait3A_488 = tpu.memref_slice %arg8[%dma_wait3A_480, %dma_wait3A_481, %dma_wait3A_487] : memref<2x6x128xi32, #tpu.memory_space<vmem>> -> memref<1x1x128xi32, #tpu.memory_space<vmem>>
      %dma_wait3A_489 = tpu.memref_squeeze %dma_wait3A_488 : memref<1x1x128xi32, #tpu.memory_space<vmem>> -> memref<128xi32, #tpu.memory_space<vmem>>
      %dma_wait3A_490 = arith.constant 0 : i32
      %dma_wait3A_491 = arith.constant 0 : i32
      %dma_wait3A_492 = tpu.memref_slice %arg2[%dma_wait3A_490, %dma_wait3A_491] : memref<100000x16xf32, #tpu.memory_space<hbm>> -> memref<100000x16xf32, #tpu.memory_space<hbm>>
      tpu.wait_indirect_dma semaphore(%arg11 : memref<!tpu.dma_semaphore, #tpu.memory_space<semaphore_mem>>) src(%dma_wait3A_492 : memref<100000x16xf32, #tpu.memory_space<hbm>>) dst(%dma_wait3A_486 : memref<128x16xf32, #tpu.memory_space<vmem>>)
      %dma_wait3A_493 = arith.constant 0 : i32
      %dma_wait3A_494 = arith.constant 3 : i32
      %dma_wait3A_495 = arith.constant 0 : i32
      %dma_wait3A_496 = arith.constant 384 : i32
      %dma_wait3A_497 = arith.constant 0 : i32
      %dma_wait3A_498 = tpu.memref_slice %arg10[%dma_wait3A_495, %dma_wait3A_496, %dma_wait3A_497] : memref<2x768x16xf32, #tpu.memory_space<vmem>> -> memref<1x128x16xf32, #tpu.memory_space<vmem>>
      %dma_wait3A_499 = tpu.memref_squeeze %dma_wait3A_498 : memref<1x128x16xf32, #tpu.memory_space<vmem>> -> memref<128x16xf32, #tpu.memory_space<vmem>>
      %dma_wait3A_500 = arith.constant 0 : i32
      %dma_wait3A_501 = tpu.memref_slice %arg8[%dma_wait3A_493, %dma_wait3A_494, %dma_wait3A_500] : memref<2x6x128xi32, #tpu.memory_space<vmem>> -> memref<1x1x128xi32, #tpu.memory_space<vmem>>
      %dma_wait3A_502 = tpu.memref_squeeze %dma_wait3A_501 : memref<1x1x128xi32, #tpu.memory_space<vmem>> -> memref<128xi32, #tpu.memory_space<vmem>>
      %dma_wait3A_503 = arith.constant 0 : i32
      %dma_wait3A_504 = arith.constant 0 : i32
      %dma_wait3A_505 = tpu.memref_slice %arg2[%dma_wait3A_503, %dma_wait3A_504] : memref<100000x16xf32, #tpu.memory_space<hbm>> -> memref<100000x16xf32, #tpu.memory_space<hbm>>
      tpu.wait_indirect_dma semaphore(%arg11 : memref<!tpu.dma_semaphore, #tpu.memory_space<semaphore_mem>>) src(%dma_wait3A_505 : memref<100000x16xf32, #tpu.memory_space<hbm>>) dst(%dma_wait3A_499 : memref<128x16xf32, #tpu.memory_space<vmem>>)
      %dma_wait3A_506 = arith.constant 0 : i32
      %dma_wait3A_507 = arith.constant 4 : i32
      %dma_wait3A_508 = arith.constant 0 : i32
      %dma_wait3A_509 = arith.constant 512 : i32
      %dma_wait3A_510 = arith.constant 0 : i32
      %dma_wait3A_511 = tpu.memref_slice %arg10[%dma_wait3A_508, %dma_wait3A_509, %dma_wait3A_510] : memref<2x768x16xf32, #tpu.memory_space<vmem>> -> memref<1x128x16xf32, #tpu.memory_space<vmem>>
      %dma_wait3A_512 = tpu.memref_squeeze %dma_wait3A_511 : memref<1x128x16xf32, #tpu.memory_space<vmem>> -> memref<128x16xf32, #tpu.memory_space<vmem>>
      %dma_wait3A_513 = arith.constant 0 : i32
      %dma_wait3A_514 = tpu.memref_slice %arg8[%dma_wait3A_506, %dma_wait3A_507, %dma_wait3A_513] : memref<2x6x128xi32, #tpu.memory_space<vmem>> -> memref<1x1x128xi32, #tpu.memory_space<vmem>>
      %dma_wait3A_515 = tpu.memref_squeeze %dma_wait3A_514 : memref<1x1x128xi32, #tpu.memory_space<vmem>> -> memref<128xi32, #tpu.memory_space<vmem>>
      %dma_wait3A_516 = arith.constant 0 : i32
      %dma_wait3A_517 = arith.constant 0 : i32
      %dma_wait3A_518 = tpu.memref_slice %arg2[%dma_wait3A_516, %dma_wait3A_517] : memref<100000x16xf32, #tpu.memory_space<hbm>> -> memref<100000x16xf32, #tpu.memory_space<hbm>>
      tpu.wait_indirect_dma semaphore(%arg11 : memref<!tpu.dma_semaphore, #tpu.memory_space<semaphore_mem>>) src(%dma_wait3A_518 : memref<100000x16xf32, #tpu.memory_space<hbm>>) dst(%dma_wait3A_512 : memref<128x16xf32, #tpu.memory_space<vmem>>)
      %dma_wait3A_519 = arith.constant 0 : i32
      %dma_wait3A_520 = arith.constant 5 : i32
      %dma_wait3A_521 = arith.constant 0 : i32
      %dma_wait3A_522 = arith.constant 640 : i32
      %dma_wait3A_523 = arith.constant 0 : i32
      %dma_wait3A_524 = tpu.memref_slice %arg10[%dma_wait3A_521, %dma_wait3A_522, %dma_wait3A_523] : memref<2x768x16xf32, #tpu.memory_space<vmem>> -> memref<1x128x16xf32, #tpu.memory_space<vmem>>
      %dma_wait3A_525 = tpu.memref_squeeze %dma_wait3A_524 : memref<1x128x16xf32, #tpu.memory_space<vmem>> -> memref<128x16xf32, #tpu.memory_space<vmem>>
      %dma_wait3A_526 = arith.constant 0 : i32
      %dma_wait3A_527 = tpu.memref_slice %arg8[%dma_wait3A_519, %dma_wait3A_520, %dma_wait3A_526] : memref<2x6x128xi32, #tpu.memory_space<vmem>> -> memref<1x1x128xi32, #tpu.memory_space<vmem>>
      %dma_wait3A_528 = tpu.memref_squeeze %dma_wait3A_527 : memref<1x1x128xi32, #tpu.memory_space<vmem>> -> memref<128xi32, #tpu.memory_space<vmem>>
      %dma_wait3A_529 = arith.constant 0 : i32
      %dma_wait3A_530 = arith.constant 0 : i32
      %dma_wait3A_531 = tpu.memref_slice %arg2[%dma_wait3A_529, %dma_wait3A_530] : memref<100000x16xf32, #tpu.memory_space<hbm>> -> memref<100000x16xf32, #tpu.memory_space<hbm>>
      tpu.wait_indirect_dma semaphore(%arg11 : memref<!tpu.dma_semaphore, #tpu.memory_space<semaphore_mem>>) src(%dma_wait3A_531 : memref<100000x16xf32, #tpu.memory_space<hbm>>) dst(%dma_wait3A_525 : memref<128x16xf32, #tpu.memory_space<vmem>>)
      %dma_start3A_532 = arith.constant 0 : i32
      %dma_start3A_533 = arith.constant 0 : i32
      %dma_start3A_534 = arith.constant 0 : i32
      %dma_start3A_535 = arith.constant 0 : i32
      %dma_start3A_536 = arith.constant 0 : i32
      %dma_start3A_537 = tpu.memref_slice %arg10[%dma_start3A_532, %dma_start3A_535, %dma_start3A_536] : memref<2x768x16xf32, #tpu.memory_space<vmem>> -> memref<1x128x16xf32, #tpu.memory_space<vmem>>
      %dma_start3A_538 = tpu.memref_squeeze %dma_start3A_537 : memref<1x128x16xf32, #tpu.memory_space<vmem>> -> memref<128x16xf32, #tpu.memory_space<vmem>>
      %dma_start3A_539 = arith.constant 0 : i32
      %dma_start3A_540 = tpu.memref_slice %arg9[%dma_start3A_533, %dma_start3A_534, %dma_start3A_539] : memref<2x6x128xi32, #tpu.memory_space<vmem>> -> memref<1x1x128xi32, #tpu.memory_space<vmem>>
      %dma_start3A_541 = tpu.memref_squeeze %dma_start3A_540 : memref<1x1x128xi32, #tpu.memory_space<vmem>> -> memref<128xi32, #tpu.memory_space<vmem>>
      %dma_start3A_542 = arith.constant 0 : i32
      %dma_start3A_543 = arith.constant 0 : i32
      %dma_start3A_544 = tpu.memref_slice %arg7[%dma_start3A_542, %dma_start3A_543] : memref<100096x16xf32, #tpu.memory_space<vmem_shared>> -> memref<100096x16xf32, #tpu.memory_space<vmem_shared>>
      tpu.enqueue_indirect_dma source(%dma_start3A_538 : memref<128x16xf32, #tpu.memory_space<vmem>>) target(%dma_start3A_544 : memref<100096x16xf32, #tpu.memory_space<vmem_shared>>) offsets(%dma_start3A_541 : memref<128xi32, #tpu.memory_space<vmem>>) semaphore(%arg12 : memref<!tpu.dma_semaphore, #tpu.memory_space<semaphore_mem>>) {add = true}
      %dma_start3A_545 = arith.constant 0 : i32
      %dma_start3A_546 = arith.constant 0 : i32
      %dma_start3A_547 = arith.constant 1 : i32
      %dma_start3A_548 = arith.constant 128 : i32
      %dma_start3A_549 = arith.constant 0 : i32
      %dma_start3A_550 = tpu.memref_slice %arg10[%dma_start3A_545, %dma_start3A_548, %dma_start3A_549] : memref<2x768x16xf32, #tpu.memory_space<vmem>> -> memref<1x128x16xf32, #tpu.memory_space<vmem>>
      %dma_start3A_551 = tpu.memref_squeeze %dma_start3A_550 : memref<1x128x16xf32, #tpu.memory_space<vmem>> -> memref<128x16xf32, #tpu.memory_space<vmem>>
      %dma_start3A_552 = arith.constant 0 : i32
      %dma_start3A_553 = tpu.memref_slice %arg9[%dma_start3A_546, %dma_start3A_547, %dma_start3A_552] : memref<2x6x128xi32, #tpu.memory_space<vmem>> -> memref<1x1x128xi32, #tpu.memory_space<vmem>>
      %dma_start3A_554 = tpu.memref_squeeze %dma_start3A_553 : memref<1x1x128xi32, #tpu.memory_space<vmem>> -> memref<128xi32, #tpu.memory_space<vmem>>
      %dma_start3A_555 = arith.constant 0 : i32
      %dma_start3A_556 = arith.constant 0 : i32
      %dma_start3A_557 = tpu.memref_slice %arg7[%dma_start3A_555, %dma_start3A_556] : memref<100096x16xf32, #tpu.memory_space<vmem_shared>> -> memref<100096x16xf32, #tpu.memory_space<vmem_shared>>
      tpu.enqueue_indirect_dma source(%dma_start3A_551 : memref<128x16xf32, #tpu.memory_space<vmem>>) target(%dma_start3A_557 : memref<100096x16xf32, #tpu.memory_space<vmem_shared>>) offsets(%dma_start3A_554 : memref<128xi32, #tpu.memory_space<vmem>>) semaphore(%arg12 : memref<!tpu.dma_semaphore, #tpu.memory_space<semaphore_mem>>) {add = true}
      %dma_start3A_558 = arith.constant 0 : i32
      %dma_start3A_559 = arith.constant 0 : i32
      %dma_start3A_560 = arith.constant 2 : i32
      %dma_start3A_561 = arith.constant 256 : i32
      %dma_start3A_562 = arith.constant 0 : i32
      %dma_start3A_563 = tpu.memref_slice %arg10[%dma_start3A_558, %dma_start3A_561, %dma_start3A_562] : memref<2x768x16xf32, #tpu.memory_space<vmem>> -> memref<1x128x16xf32, #tpu.memory_space<vmem>>
      %dma_start3A_564 = tpu.memref_squeeze %dma_start3A_563 : memref<1x128x16xf32, #tpu.memory_space<vmem>> -> memref<128x16xf32, #tpu.memory_space<vmem>>
      %dma_start3A_565 = arith.constant 0 : i32
      %dma_start3A_566 = tpu.memref_slice %arg9[%dma_start3A_559, %dma_start3A_560, %dma_start3A_565] : memref<2x6x128xi32, #tpu.memory_space<vmem>> -> memref<1x1x128xi32, #tpu.memory_space<vmem>>
      %dma_start3A_567 = tpu.memref_squeeze %dma_start3A_566 : memref<1x1x128xi32, #tpu.memory_space<vmem>> -> memref<128xi32, #tpu.memory_space<vmem>>
      %dma_start3A_568 = arith.constant 0 : i32
      %dma_start3A_569 = arith.constant 0 : i32
      %dma_start3A_570 = tpu.memref_slice %arg7[%dma_start3A_568, %dma_start3A_569] : memref<100096x16xf32, #tpu.memory_space<vmem_shared>> -> memref<100096x16xf32, #tpu.memory_space<vmem_shared>>
      tpu.enqueue_indirect_dma source(%dma_start3A_564 : memref<128x16xf32, #tpu.memory_space<vmem>>) target(%dma_start3A_570 : memref<100096x16xf32, #tpu.memory_space<vmem_shared>>) offsets(%dma_start3A_567 : memref<128xi32, #tpu.memory_space<vmem>>) semaphore(%arg12 : memref<!tpu.dma_semaphore, #tpu.memory_space<semaphore_mem>>) {add = true}
      %dma_start3A_571 = arith.constant 0 : i32
      %dma_start3A_572 = arith.constant 0 : i32
      %dma_start3A_573 = arith.constant 3 : i32
      %dma_start3A_574 = arith.constant 384 : i32
      %dma_start3A_575 = arith.constant 0 : i32
      %dma_start3A_576 = tpu.memref_slice %arg10[%dma_start3A_571, %dma_start3A_574, %dma_start3A_575] : memref<2x768x16xf32, #tpu.memory_space<vmem>> -> memref<1x128x16xf32, #tpu.memory_space<vmem>>
      %dma_start3A_577 = tpu.memref_squeeze %dma_start3A_576 : memref<1x128x16xf32, #tpu.memory_space<vmem>> -> memref<128x16xf32, #tpu.memory_space<vmem>>
      %dma_start3A_578 = arith.constant 0 : i32
      %dma_start3A_579 = tpu.memref_slice %arg9[%dma_start3A_572, %dma_start3A_573, %dma_start3A_578] : memref<2x6x128xi32, #tpu.memory_space<vmem>> -> memref<1x1x128xi32, #tpu.memory_space<vmem>>
      %dma_start3A_580 = tpu.memref_squeeze %dma_start3A_579 : memref<1x1x128xi32, #tpu.memory_space<vmem>> -> memref<128xi32, #tpu.memory_space<vmem>>
      %dma_start3A_581 = arith.constant 0 : i32
      %dma_start3A_582 = arith.constant 0 : i32
      %dma_start3A_583 = tpu.memref_slice %arg7[%dma_start3A_581, %dma_start3A_582] : memref<100096x16xf32, #tpu.memory_space<vmem_shared>> -> memref<100096x16xf32, #tpu.memory_space<vmem_shared>>
      tpu.enqueue_indirect_dma source(%dma_start3A_577 : memref<128x16xf32, #tpu.memory_space<vmem>>) target(%dma_start3A_583 : memref<100096x16xf32, #tpu.memory_space<vmem_shared>>) offsets(%dma_start3A_580 : memref<128xi32, #tpu.memory_space<vmem>>) semaphore(%arg12 : memref<!tpu.dma_semaphore, #tpu.memory_space<semaphore_mem>>) {add = true}
      %dma_start3A_584 = arith.constant 0 : i32
      %dma_start3A_585 = arith.constant 0 : i32
      %dma_start3A_586 = arith.constant 4 : i32
      %dma_start3A_587 = arith.constant 512 : i32
      %dma_start3A_588 = arith.constant 0 : i32
      %dma_start3A_589 = tpu.memref_slice %arg10[%dma_start3A_584, %dma_start3A_587, %dma_start3A_588] : memref<2x768x16xf32, #tpu.memory_space<vmem>> -> memref<1x128x16xf32, #tpu.memory_space<vmem>>
      %dma_start3A_590 = tpu.memref_squeeze %dma_start3A_589 : memref<1x128x16xf32, #tpu.memory_space<vmem>> -> memref<128x16xf32, #tpu.memory_space<vmem>>
      %dma_start3A_591 = arith.constant 0 : i32
      %dma_start3A_592 = tpu.memref_slice %arg9[%dma_start3A_585, %dma_start3A_586, %dma_start3A_591] : memref<2x6x128xi32, #tpu.memory_space<vmem>> -> memref<1x1x128xi32, #tpu.memory_space<vmem>>
      %dma_start3A_593 = tpu.memref_squeeze %dma_start3A_592 : memref<1x1x128xi32, #tpu.memory_space<vmem>> -> memref<128xi32, #tpu.memory_space<vmem>>
      %dma_start3A_594 = arith.constant 0 : i32
      %dma_start3A_595 = arith.constant 0 : i32
      %dma_start3A_596 = tpu.memref_slice %arg7[%dma_start3A_594, %dma_start3A_595] : memref<100096x16xf32, #tpu.memory_space<vmem_shared>> -> memref<100096x16xf32, #tpu.memory_space<vmem_shared>>
      tpu.enqueue_indirect_dma source(%dma_start3A_590 : memref<128x16xf32, #tpu.memory_space<vmem>>) target(%dma_start3A_596 : memref<100096x16xf32, #tpu.memory_space<vmem_shared>>) offsets(%dma_start3A_593 : memref<128xi32, #tpu.memory_space<vmem>>) semaphore(%arg12 : memref<!tpu.dma_semaphore, #tpu.memory_space<semaphore_mem>>) {add = true}
      %dma_start3A_597 = arith.constant 0 : i32
      %dma_start3A_598 = arith.constant 0 : i32
      %dma_start3A_599 = arith.constant 5 : i32
      %dma_start3A_600 = arith.constant 640 : i32
      %dma_start3A_601 = arith.constant 0 : i32
      %dma_start3A_602 = tpu.memref_slice %arg10[%dma_start3A_597, %dma_start3A_600, %dma_start3A_601] : memref<2x768x16xf32, #tpu.memory_space<vmem>> -> memref<1x128x16xf32, #tpu.memory_space<vmem>>
      %dma_start3A_603 = tpu.memref_squeeze %dma_start3A_602 : memref<1x128x16xf32, #tpu.memory_space<vmem>> -> memref<128x16xf32, #tpu.memory_space<vmem>>
      %dma_start3A_604 = arith.constant 0 : i32
      %dma_start3A_605 = tpu.memref_slice %arg9[%dma_start3A_598, %dma_start3A_599, %dma_start3A_604] : memref<2x6x128xi32, #tpu.memory_space<vmem>> -> memref<1x1x128xi32, #tpu.memory_space<vmem>>
      %dma_start3A_606 = tpu.memref_squeeze %dma_start3A_605 : memref<1x1x128xi32, #tpu.memory_space<vmem>> -> memref<128xi32, #tpu.memory_space<vmem>>
      %dma_start3A_607 = arith.constant 0 : i32
      %dma_start3A_608 = arith.constant 0 : i32
      %dma_start3A_609 = tpu.memref_slice %arg7[%dma_start3A_607, %dma_start3A_608] : memref<100096x16xf32, #tpu.memory_space<vmem_shared>> -> memref<100096x16xf32, #tpu.memory_space<vmem_shared>>
      tpu.enqueue_indirect_dma source(%dma_start3A_603 : memref<128x16xf32, #tpu.memory_space<vmem>>) target(%dma_start3A_609 : memref<100096x16xf32, #tpu.memory_space<vmem_shared>>) offsets(%dma_start3A_606 : memref<128xi32, #tpu.memory_space<vmem>>) semaphore(%arg12 : memref<!tpu.dma_semaphore, #tpu.memory_space<semaphore_mem>>) {add = true}
      %mul3A_610 = arith.constant 2 : i32
      %mul3A_611 = arith.muli %mul3A_610, %scan3A_231 : i32
      %add3A_612 = arith.constant 1 : i32
      %add3A_613 = arith.addi %mul3A_611, %add3A_612 : i32
      %dma_wait3A_614 = arith.constant 1 : i32
      %dma_wait3A_615 = arith.constant 0 : i32
      %dma_wait3A_616 = arith.constant 0 : i32
      %dma_wait3A_617 = tpu.memref_slice %arg8[%dma_wait3A_614, %dma_wait3A_615, %dma_wait3A_616] : memref<2x6x128xi32, #tpu.memory_space<vmem>> -> memref<1x6x128xi32, #tpu.memory_space<vmem>>
      %dma_wait3A_618 = tpu.memref_squeeze %dma_wait3A_617 : memref<1x6x128xi32, #tpu.memory_space<vmem>> -> memref<6x128xi32, #tpu.memory_space<vmem>>
      %dma_wait3A_619 = arith.constant 0 : i32
      %dma_wait3A_620 = arith.constant 0 : i32
      %dma_wait3A_621 = tpu.memref_slice %arg3[%dma_wait3A_619, %dma_wait3A_620] : memref<25344x128xi32, #tpu.memory_space<hbm>> -> memref<6x128xi32, #tpu.memory_space<hbm>>
      %dma_wait3A_622 = arith.constant 0 : i32
      %dma_wait3A_623 = arith.constant 0 : i32
      %dma_wait3A_624 = tpu.memref_slice %arg8[%dma_wait3A_614, %dma_wait3A_622, %dma_wait3A_623] : memref<2x6x128xi32, #tpu.memory_space<vmem>> -> memref<1x6x128xi32, #tpu.memory_space<vmem>>
      %dma_wait3A_625 = tpu.memref_squeeze %dma_wait3A_624 : memref<1x6x128xi32, #tpu.memory_space<vmem>> -> memref<6x128xi32, #tpu.memory_space<vmem>>
      %dma_wait3A_626 = arith.constant 0 : i32
      %dma_wait3A_627 = arith.constant 0 : i32
      %dma_wait3A_628 = tpu.memref_slice %arg3[%dma_wait3A_626, %dma_wait3A_627] : memref<25344x128xi32, #tpu.memory_space<hbm>> -> memref<6x128xi32, #tpu.memory_space<hbm>>
      tpu.wait_dma2 semaphore(%arg13 : memref<!tpu.dma_semaphore, #tpu.memory_space<semaphore_mem>>) src(%dma_wait3A_628 : memref<6x128xi32, #tpu.memory_space<hbm>>) dst(%dma_wait3A_625 : memref<6x128xi32, #tpu.memory_space<vmem>>)
      %dma_wait3A_629 = arith.constant 1 : i32
      %dma_wait3A_630 = arith.constant 0 : i32
      %dma_wait3A_631 = arith.constant 0 : i32
      %dma_wait3A_632 = tpu.memref_slice %arg9[%dma_wait3A_629, %dma_wait3A_630, %dma_wait3A_631] : memref<2x6x128xi32, #tpu.memory_space<vmem>> -> memref<1x6x128xi32, #tpu.memory_space<vmem>>
      %dma_wait3A_633 = tpu.memref_squeeze %dma_wait3A_632 : memref<1x6x128xi32, #tpu.memory_space<vmem>> -> memref<6x128xi32, #tpu.memory_space<vmem>>
      %dma_wait3A_634 = arith.constant 0 : i32
      %dma_wait3A_635 = arith.constant 0 : i32
      %dma_wait3A_636 = tpu.memref_slice %arg4[%dma_wait3A_634, %dma_wait3A_635] : memref<25344x128xi32, #tpu.memory_space<hbm>> -> memref<6x128xi32, #tpu.memory_space<hbm>>
      %dma_wait3A_637 = arith.constant 0 : i32
      %dma_wait3A_638 = arith.constant 0 : i32
      %dma_wait3A_639 = tpu.memref_slice %arg9[%dma_wait3A_629, %dma_wait3A_637, %dma_wait3A_638] : memref<2x6x128xi32, #tpu.memory_space<vmem>> -> memref<1x6x128xi32, #tpu.memory_space<vmem>>
      %dma_wait3A_640 = tpu.memref_squeeze %dma_wait3A_639 : memref<1x6x128xi32, #tpu.memory_space<vmem>> -> memref<6x128xi32, #tpu.memory_space<vmem>>
      %dma_wait3A_641 = arith.constant 0 : i32
      %dma_wait3A_642 = arith.constant 0 : i32
      %dma_wait3A_643 = tpu.memref_slice %arg4[%dma_wait3A_641, %dma_wait3A_642] : memref<25344x128xi32, #tpu.memory_space<hbm>> -> memref<6x128xi32, #tpu.memory_space<hbm>>
      tpu.wait_dma2 semaphore(%arg13 : memref<!tpu.dma_semaphore, #tpu.memory_space<semaphore_mem>>) src(%dma_wait3A_643 : memref<6x128xi32, #tpu.memory_space<hbm>>) dst(%dma_wait3A_640 : memref<6x128xi32, #tpu.memory_space<vmem>>)
      %dma_start3A_644 = arith.constant 1 : i32
      %dma_start3A_645 = arith.constant 0 : i32
      %dma_start3A_646 = arith.constant 1 : i32
      %dma_start3A_647 = arith.constant 0 : i32
      %dma_start3A_648 = arith.constant 0 : i32
      %dma_start3A_649 = tpu.memref_slice %arg10[%dma_start3A_646, %dma_start3A_647, %dma_start3A_648] : memref<2x768x16xf32, #tpu.memory_space<vmem>> -> memref<1x128x16xf32, #tpu.memory_space<vmem>>
      %dma_start3A_650 = tpu.memref_squeeze %dma_start3A_649 : memref<1x128x16xf32, #tpu.memory_space<vmem>> -> memref<128x16xf32, #tpu.memory_space<vmem>>
      %dma_start3A_651 = arith.constant 0 : i32
      %dma_start3A_652 = tpu.memref_slice %arg8[%dma_start3A_644, %dma_start3A_645, %dma_start3A_651] : memref<2x6x128xi32, #tpu.memory_space<vmem>> -> memref<1x1x128xi32, #tpu.memory_space<vmem>>
      %dma_start3A_653 = tpu.memref_squeeze %dma_start3A_652 : memref<1x1x128xi32, #tpu.memory_space<vmem>> -> memref<128xi32, #tpu.memory_space<vmem>>
      %dma_start3A_654 = arith.constant 0 : i32
      %dma_start3A_655 = arith.constant 0 : i32
      %dma_start3A_656 = tpu.memref_slice %arg2[%dma_start3A_654, %dma_start3A_655] : memref<100000x16xf32, #tpu.memory_space<hbm>> -> memref<100000x16xf32, #tpu.memory_space<hbm>>
      tpu.enqueue_indirect_dma source(%dma_start3A_656 : memref<100000x16xf32, #tpu.memory_space<hbm>>) target(%dma_start3A_650 : memref<128x16xf32, #tpu.memory_space<vmem>>) offsets(%dma_start3A_653 : memref<128xi32, #tpu.memory_space<vmem>>) semaphore(%arg11 : memref<!tpu.dma_semaphore, #tpu.memory_space<semaphore_mem>>)
      %dma_start3A_657 = arith.constant 1 : i32
      %dma_start3A_658 = arith.constant 1 : i32
      %dma_start3A_659 = arith.constant 1 : i32
      %dma_start3A_660 = arith.constant 128 : i32
      %dma_start3A_661 = arith.constant 0 : i32
      %dma_start3A_662 = tpu.memref_slice %arg10[%dma_start3A_659, %dma_start3A_660, %dma_start3A_661] : memref<2x768x16xf32, #tpu.memory_space<vmem>> -> memref<1x128x16xf32, #tpu.memory_space<vmem>>
      %dma_start3A_663 = tpu.memref_squeeze %dma_start3A_662 : memref<1x128x16xf32, #tpu.memory_space<vmem>> -> memref<128x16xf32, #tpu.memory_space<vmem>>
      %dma_start3A_664 = arith.constant 0 : i32
      %dma_start3A_665 = tpu.memref_slice %arg8[%dma_start3A_657, %dma_start3A_658, %dma_start3A_664] : memref<2x6x128xi32, #tpu.memory_space<vmem>> -> memref<1x1x128xi32, #tpu.memory_space<vmem>>
      %dma_start3A_666 = tpu.memref_squeeze %dma_start3A_665 : memref<1x1x128xi32, #tpu.memory_space<vmem>> -> memref<128xi32, #tpu.memory_space<vmem>>
      %dma_start3A_667 = arith.constant 0 : i32
      %dma_start3A_668 = arith.constant 0 : i32
      %dma_start3A_669 = tpu.memref_slice %arg2[%dma_start3A_667, %dma_start3A_668] : memref<100000x16xf32, #tpu.memory_space<hbm>> -> memref<100000x16xf32, #tpu.memory_space<hbm>>
      tpu.enqueue_indirect_dma source(%dma_start3A_669 : memref<100000x16xf32, #tpu.memory_space<hbm>>) target(%dma_start3A_663 : memref<128x16xf32, #tpu.memory_space<vmem>>) offsets(%dma_start3A_666 : memref<128xi32, #tpu.memory_space<vmem>>) semaphore(%arg11 : memref<!tpu.dma_semaphore, #tpu.memory_space<semaphore_mem>>)
      %dma_start3A_670 = arith.constant 1 : i32
      %dma_start3A_671 = arith.constant 2 : i32
      %dma_start3A_672 = arith.constant 1 : i32
      %dma_start3A_673 = arith.constant 256 : i32
      %dma_start3A_674 = arith.constant 0 : i32
      %dma_start3A_675 = tpu.memref_slice %arg10[%dma_start3A_672, %dma_start3A_673, %dma_start3A_674] : memref<2x768x16xf32, #tpu.memory_space<vmem>> -> memref<1x128x16xf32, #tpu.memory_space<vmem>>
      %dma_start3A_676 = tpu.memref_squeeze %dma_start3A_675 : memref<1x128x16xf32, #tpu.memory_space<vmem>> -> memref<128x16xf32, #tpu.memory_space<vmem>>
      %dma_start3A_677 = arith.constant 0 : i32
      %dma_start3A_678 = tpu.memref_slice %arg8[%dma_start3A_670, %dma_start3A_671, %dma_start3A_677] : memref<2x6x128xi32, #tpu.memory_space<vmem>> -> memref<1x1x128xi32, #tpu.memory_space<vmem>>
      %dma_start3A_679 = tpu.memref_squeeze %dma_start3A_678 : memref<1x1x128xi32, #tpu.memory_space<vmem>> -> memref<128xi32, #tpu.memory_space<vmem>>
      %dma_start3A_680 = arith.constant 0 : i32
      %dma_start3A_681 = arith.constant 0 : i32
      %dma_start3A_682 = tpu.memref_slice %arg2[%dma_start3A_680, %dma_start3A_681] : memref<100000x16xf32, #tpu.memory_space<hbm>> -> memref<100000x16xf32, #tpu.memory_space<hbm>>
      tpu.enqueue_indirect_dma source(%dma_start3A_682 : memref<100000x16xf32, #tpu.memory_space<hbm>>) target(%dma_start3A_676 : memref<128x16xf32, #tpu.memory_space<vmem>>) offsets(%dma_start3A_679 : memref<128xi32, #tpu.memory_space<vmem>>) semaphore(%arg11 : memref<!tpu.dma_semaphore, #tpu.memory_space<semaphore_mem>>)
      %dma_start3A_683 = arith.constant 1 : i32
      %dma_start3A_684 = arith.constant 3 : i32
      %dma_start3A_685 = arith.constant 1 : i32
      %dma_start3A_686 = arith.constant 384 : i32
      %dma_start3A_687 = arith.constant 0 : i32
      %dma_start3A_688 = tpu.memref_slice %arg10[%dma_start3A_685, %dma_start3A_686, %dma_start3A_687] : memref<2x768x16xf32, #tpu.memory_space<vmem>> -> memref<1x128x16xf32, #tpu.memory_space<vmem>>
      %dma_start3A_689 = tpu.memref_squeeze %dma_start3A_688 : memref<1x128x16xf32, #tpu.memory_space<vmem>> -> memref<128x16xf32, #tpu.memory_space<vmem>>
      %dma_start3A_690 = arith.constant 0 : i32
      %dma_start3A_691 = tpu.memref_slice %arg8[%dma_start3A_683, %dma_start3A_684, %dma_start3A_690] : memref<2x6x128xi32, #tpu.memory_space<vmem>> -> memref<1x1x128xi32, #tpu.memory_space<vmem>>
      %dma_start3A_692 = tpu.memref_squeeze %dma_start3A_691 : memref<1x1x128xi32, #tpu.memory_space<vmem>> -> memref<128xi32, #tpu.memory_space<vmem>>
      %dma_start3A_693 = arith.constant 0 : i32
      %dma_start3A_694 = arith.constant 0 : i32
      %dma_start3A_695 = tpu.memref_slice %arg2[%dma_start3A_693, %dma_start3A_694] : memref<100000x16xf32, #tpu.memory_space<hbm>> -> memref<100000x16xf32, #tpu.memory_space<hbm>>
      tpu.enqueue_indirect_dma source(%dma_start3A_695 : memref<100000x16xf32, #tpu.memory_space<hbm>>) target(%dma_start3A_689 : memref<128x16xf32, #tpu.memory_space<vmem>>) offsets(%dma_start3A_692 : memref<128xi32, #tpu.memory_space<vmem>>) semaphore(%arg11 : memref<!tpu.dma_semaphore, #tpu.memory_space<semaphore_mem>>)
      %dma_start3A_696 = arith.constant 1 : i32
      %dma_start3A_697 = arith.constant 4 : i32
      %dma_start3A_698 = arith.constant 1 : i32
      %dma_start3A_699 = arith.constant 512 : i32
      %dma_start3A_700 = arith.constant 0 : i32
      %dma_start3A_701 = tpu.memref_slice %arg10[%dma_start3A_698, %dma_start3A_699, %dma_start3A_700] : memref<2x768x16xf32, #tpu.memory_space<vmem>> -> memref<1x128x16xf32, #tpu.memory_space<vmem>>
      %dma_start3A_702 = tpu.memref_squeeze %dma_start3A_701 : memref<1x128x16xf32, #tpu.memory_space<vmem>> -> memref<128x16xf32, #tpu.memory_space<vmem>>
      %dma_start3A_703 = arith.constant 0 : i32
      %dma_start3A_704 = tpu.memref_slice %arg8[%dma_start3A_696, %dma_start3A_697, %dma_start3A_703] : memref<2x6x128xi32, #tpu.memory_space<vmem>> -> memref<1x1x128xi32, #tpu.memory_space<vmem>>
      %dma_start3A_705 = tpu.memref_squeeze %dma_start3A_704 : memref<1x1x128xi32, #tpu.memory_space<vmem>> -> memref<128xi32, #tpu.memory_space<vmem>>
      %dma_start3A_706 = arith.constant 0 : i32
      %dma_start3A_707 = arith.constant 0 : i32
      %dma_start3A_708 = tpu.memref_slice %arg2[%dma_start3A_706, %dma_start3A_707] : memref<100000x16xf32, #tpu.memory_space<hbm>> -> memref<100000x16xf32, #tpu.memory_space<hbm>>
      tpu.enqueue_indirect_dma source(%dma_start3A_708 : memref<100000x16xf32, #tpu.memory_space<hbm>>) target(%dma_start3A_702 : memref<128x16xf32, #tpu.memory_space<vmem>>) offsets(%dma_start3A_705 : memref<128xi32, #tpu.memory_space<vmem>>) semaphore(%arg11 : memref<!tpu.dma_semaphore, #tpu.memory_space<semaphore_mem>>)
      %dma_start3A_709 = arith.constant 1 : i32
      %dma_start3A_710 = arith.constant 5 : i32
      %dma_start3A_711 = arith.constant 1 : i32
      %dma_start3A_712 = arith.constant 640 : i32
      %dma_start3A_713 = arith.constant 0 : i32
      %dma_start3A_714 = tpu.memref_slice %arg10[%dma_start3A_711, %dma_start3A_712, %dma_start3A_713] : memref<2x768x16xf32, #tpu.memory_space<vmem>> -> memref<1x128x16xf32, #tpu.memory_space<vmem>>
      %dma_start3A_715 = tpu.memref_squeeze %dma_start3A_714 : memref<1x128x16xf32, #tpu.memory_space<vmem>> -> memref<128x16xf32, #tpu.memory_space<vmem>>
      %dma_start3A_716 = arith.constant 0 : i32
      %dma_start3A_717 = tpu.memref_slice %arg8[%dma_start3A_709, %dma_start3A_710, %dma_start3A_716] : memref<2x6x128xi32, #tpu.memory_space<vmem>> -> memref<1x1x128xi32, #tpu.memory_space<vmem>>
      %dma_start3A_718 = tpu.memref_squeeze %dma_start3A_717 : memref<1x1x128xi32, #tpu.memory_space<vmem>> -> memref<128xi32, #tpu.memory_space<vmem>>
      %dma_start3A_719 = arith.constant 0 : i32
      %dma_start3A_720 = arith.constant 0 : i32
      %dma_start3A_721 = tpu.memref_slice %arg2[%dma_start3A_719, %dma_start3A_720] : memref<100000x16xf32, #tpu.memory_space<hbm>> -> memref<100000x16xf32, #tpu.memory_space<hbm>>
      tpu.enqueue_indirect_dma source(%dma_start3A_721 : memref<100000x16xf32, #tpu.memory_space<hbm>>) target(%dma_start3A_715 : memref<128x16xf32, #tpu.memory_space<vmem>>) offsets(%dma_start3A_718 : memref<128xi32, #tpu.memory_space<vmem>>) semaphore(%arg11 : memref<!tpu.dma_semaphore, #tpu.memory_space<semaphore_mem>>)
      %dma_wait3A_722 = arith.constant 0 : i32
      %dma_wait3A_723 = arith.constant 0 : i32
      %dma_wait3A_724 = arith.constant 0 : i32
      %dma_wait3A_725 = arith.constant 0 : i32
      %dma_wait3A_726 = arith.constant 0 : i32
      %dma_wait3A_727 = tpu.memref_slice %arg10[%dma_wait3A_722, %dma_wait3A_725, %dma_wait3A_726] : memref<2x768x16xf32, #tpu.memory_space<vmem>> -> memref<1x128x16xf32, #tpu.memory_space<vmem>>
      %dma_wait3A_728 = tpu.memref_squeeze %dma_wait3A_727 : memref<1x128x16xf32, #tpu.memory_space<vmem>> -> memref<128x16xf32, #tpu.memory_space<vmem>>
      %dma_wait3A_729 = arith.constant 0 : i32
      %dma_wait3A_730 = tpu.memref_slice %arg9[%dma_wait3A_723, %dma_wait3A_724, %dma_wait3A_729] : memref<2x6x128xi32, #tpu.memory_space<vmem>> -> memref<1x1x128xi32, #tpu.memory_space<vmem>>
      %dma_wait3A_731 = tpu.memref_squeeze %dma_wait3A_730 : memref<1x1x128xi32, #tpu.memory_space<vmem>> -> memref<128xi32, #tpu.memory_space<vmem>>
      %dma_wait3A_732 = arith.constant 0 : i32
      %dma_wait3A_733 = arith.constant 0 : i32
      %dma_wait3A_734 = tpu.memref_slice %arg7[%dma_wait3A_732, %dma_wait3A_733] : memref<100096x16xf32, #tpu.memory_space<vmem_shared>> -> memref<100096x16xf32, #tpu.memory_space<vmem_shared>>
      tpu.wait_indirect_dma semaphore(%arg12 : memref<!tpu.dma_semaphore, #tpu.memory_space<semaphore_mem>>) src(%dma_wait3A_728 : memref<128x16xf32, #tpu.memory_space<vmem>>) dst(%dma_wait3A_734 : memref<100096x16xf32, #tpu.memory_space<vmem_shared>>)
      %dma_wait3A_735 = arith.constant 0 : i32
      %dma_wait3A_736 = arith.constant 0 : i32
      %dma_wait3A_737 = arith.constant 1 : i32
      %dma_wait3A_738 = arith.constant 128 : i32
      %dma_wait3A_739 = arith.constant 0 : i32
      %dma_wait3A_740 = tpu.memref_slice %arg10[%dma_wait3A_735, %dma_wait3A_738, %dma_wait3A_739] : memref<2x768x16xf32, #tpu.memory_space<vmem>> -> memref<1x128x16xf32, #tpu.memory_space<vmem>>
      %dma_wait3A_741 = tpu.memref_squeeze %dma_wait3A_740 : memref<1x128x16xf32, #tpu.memory_space<vmem>> -> memref<128x16xf32, #tpu.memory_space<vmem>>
      %dma_wait3A_742 = arith.constant 0 : i32
      %dma_wait3A_743 = tpu.memref_slice %arg9[%dma_wait3A_736, %dma_wait3A_737, %dma_wait3A_742] : memref<2x6x128xi32, #tpu.memory_space<vmem>> -> memref<1x1x128xi32, #tpu.memory_space<vmem>>
      %dma_wait3A_744 = tpu.memref_squeeze %dma_wait3A_743 : memref<1x1x128xi32, #tpu.memory_space<vmem>> -> memref<128xi32, #tpu.memory_space<vmem>>
      %dma_wait3A_745 = arith.constant 0 : i32
      %dma_wait3A_746 = arith.constant 0 : i32
      %dma_wait3A_747 = tpu.memref_slice %arg7[%dma_wait3A_745, %dma_wait3A_746] : memref<100096x16xf32, #tpu.memory_space<vmem_shared>> -> memref<100096x16xf32, #tpu.memory_space<vmem_shared>>
      tpu.wait_indirect_dma semaphore(%arg12 : memref<!tpu.dma_semaphore, #tpu.memory_space<semaphore_mem>>) src(%dma_wait3A_741 : memref<128x16xf32, #tpu.memory_space<vmem>>) dst(%dma_wait3A_747 : memref<100096x16xf32, #tpu.memory_space<vmem_shared>>)
      %dma_wait3A_748 = arith.constant 0 : i32
      %dma_wait3A_749 = arith.constant 0 : i32
      %dma_wait3A_750 = arith.constant 2 : i32
      %dma_wait3A_751 = arith.constant 256 : i32
      %dma_wait3A_752 = arith.constant 0 : i32
      %dma_wait3A_753 = tpu.memref_slice %arg10[%dma_wait3A_748, %dma_wait3A_751, %dma_wait3A_752] : memref<2x768x16xf32, #tpu.memory_space<vmem>> -> memref<1x128x16xf32, #tpu.memory_space<vmem>>
      %dma_wait3A_754 = tpu.memref_squeeze %dma_wait3A_753 : memref<1x128x16xf32, #tpu.memory_space<vmem>> -> memref<128x16xf32, #tpu.memory_space<vmem>>
      %dma_wait3A_755 = arith.constant 0 : i32
      %dma_wait3A_756 = tpu.memref_slice %arg9[%dma_wait3A_749, %dma_wait3A_750, %dma_wait3A_755] : memref<2x6x128xi32, #tpu.memory_space<vmem>> -> memref<1x1x128xi32, #tpu.memory_space<vmem>>
      %dma_wait3A_757 = tpu.memref_squeeze %dma_wait3A_756 : memref<1x1x128xi32, #tpu.memory_space<vmem>> -> memref<128xi32, #tpu.memory_space<vmem>>
      %dma_wait3A_758 = arith.constant 0 : i32
      %dma_wait3A_759 = arith.constant 0 : i32
      %dma_wait3A_760 = tpu.memref_slice %arg7[%dma_wait3A_758, %dma_wait3A_759] : memref<100096x16xf32, #tpu.memory_space<vmem_shared>> -> memref<100096x16xf32, #tpu.memory_space<vmem_shared>>
      tpu.wait_indirect_dma semaphore(%arg12 : memref<!tpu.dma_semaphore, #tpu.memory_space<semaphore_mem>>) src(%dma_wait3A_754 : memref<128x16xf32, #tpu.memory_space<vmem>>) dst(%dma_wait3A_760 : memref<100096x16xf32, #tpu.memory_space<vmem_shared>>)
      %dma_wait3A_761 = arith.constant 0 : i32
      %dma_wait3A_762 = arith.constant 0 : i32
      %dma_wait3A_763 = arith.constant 3 : i32
      %dma_wait3A_764 = arith.constant 384 : i32
      %dma_wait3A_765 = arith.constant 0 : i32
      %dma_wait3A_766 = tpu.memref_slice %arg10[%dma_wait3A_761, %dma_wait3A_764, %dma_wait3A_765] : memref<2x768x16xf32, #tpu.memory_space<vmem>> -> memref<1x128x16xf32, #tpu.memory_space<vmem>>
      %dma_wait3A_767 = tpu.memref_squeeze %dma_wait3A_766 : memref<1x128x16xf32, #tpu.memory_space<vmem>> -> memref<128x16xf32, #tpu.memory_space<vmem>>
      %dma_wait3A_768 = arith.constant 0 : i32
      %dma_wait3A_769 = tpu.memref_slice %arg9[%dma_wait3A_762, %dma_wait3A_763, %dma_wait3A_768] : memref<2x6x128xi32, #tpu.memory_space<vmem>> -> memref<1x1x128xi32, #tpu.memory_space<vmem>>
      %dma_wait3A_770 = tpu.memref_squeeze %dma_wait3A_769 : memref<1x1x128xi32, #tpu.memory_space<vmem>> -> memref<128xi32, #tpu.memory_space<vmem>>
      %dma_wait3A_771 = arith.constant 0 : i32
      %dma_wait3A_772 = arith.constant 0 : i32
      %dma_wait3A_773 = tpu.memref_slice %arg7[%dma_wait3A_771, %dma_wait3A_772] : memref<100096x16xf32, #tpu.memory_space<vmem_shared>> -> memref<100096x16xf32, #tpu.memory_space<vmem_shared>>
      tpu.wait_indirect_dma semaphore(%arg12 : memref<!tpu.dma_semaphore, #tpu.memory_space<semaphore_mem>>) src(%dma_wait3A_767 : memref<128x16xf32, #tpu.memory_space<vmem>>) dst(%dma_wait3A_773 : memref<100096x16xf32, #tpu.memory_space<vmem_shared>>)
      %dma_wait3A_774 = arith.constant 0 : i32
      %dma_wait3A_775 = arith.constant 0 : i32
      %dma_wait3A_776 = arith.constant 4 : i32
      %dma_wait3A_777 = arith.constant 512 : i32
      %dma_wait3A_778 = arith.constant 0 : i32
      %dma_wait3A_779 = tpu.memref_slice %arg10[%dma_wait3A_774, %dma_wait3A_777, %dma_wait3A_778] : memref<2x768x16xf32, #tpu.memory_space<vmem>> -> memref<1x128x16xf32, #tpu.memory_space<vmem>>
      %dma_wait3A_780 = tpu.memref_squeeze %dma_wait3A_779 : memref<1x128x16xf32, #tpu.memory_space<vmem>> -> memref<128x16xf32, #tpu.memory_space<vmem>>
      %dma_wait3A_781 = arith.constant 0 : i32
      %dma_wait3A_782 = tpu.memref_slice %arg9[%dma_wait3A_775, %dma_wait3A_776, %dma_wait3A_781] : memref<2x6x128xi32, #tpu.memory_space<vmem>> -> memref<1x1x128xi32, #tpu.memory_space<vmem>>
      %dma_wait3A_783 = tpu.memref_squeeze %dma_wait3A_782 : memref<1x1x128xi32, #tpu.memory_space<vmem>> -> memref<128xi32, #tpu.memory_space<vmem>>
      %dma_wait3A_784 = arith.constant 0 : i32
      %dma_wait3A_785 = arith.constant 0 : i32
      %dma_wait3A_786 = tpu.memref_slice %arg7[%dma_wait3A_784, %dma_wait3A_785] : memref<100096x16xf32, #tpu.memory_space<vmem_shared>> -> memref<100096x16xf32, #tpu.memory_space<vmem_shared>>
      tpu.wait_indirect_dma semaphore(%arg12 : memref<!tpu.dma_semaphore, #tpu.memory_space<semaphore_mem>>) src(%dma_wait3A_780 : memref<128x16xf32, #tpu.memory_space<vmem>>) dst(%dma_wait3A_786 : memref<100096x16xf32, #tpu.memory_space<vmem_shared>>)
      %dma_wait3A_787 = arith.constant 0 : i32
      %dma_wait3A_788 = arith.constant 0 : i32
      %dma_wait3A_789 = arith.constant 5 : i32
      %dma_wait3A_790 = arith.constant 640 : i32
      %dma_wait3A_791 = arith.constant 0 : i32
      %dma_wait3A_792 = tpu.memref_slice %arg10[%dma_wait3A_787, %dma_wait3A_790, %dma_wait3A_791] : memref<2x768x16xf32, #tpu.memory_space<vmem>> -> memref<1x128x16xf32, #tpu.memory_space<vmem>>
      %dma_wait3A_793 = tpu.memref_squeeze %dma_wait3A_792 : memref<1x128x16xf32, #tpu.memory_space<vmem>> -> memref<128x16xf32, #tpu.memory_space<vmem>>
      %dma_wait3A_794 = arith.constant 0 : i32
      %dma_wait3A_795 = tpu.memref_slice %arg9[%dma_wait3A_788, %dma_wait3A_789, %dma_wait3A_794] : memref<2x6x128xi32, #tpu.memory_space<vmem>> -> memref<1x1x128xi32, #tpu.memory_space<vmem>>
      %dma_wait3A_796 = tpu.memref_squeeze %dma_wait3A_795 : memref<1x1x128xi32, #tpu.memory_space<vmem>> -> memref<128xi32, #tpu.memory_space<vmem>>
      %dma_wait3A_797 = arith.constant 0 : i32
      %dma_wait3A_798 = arith.constant 0 : i32
      %dma_wait3A_799 = tpu.memref_slice %arg7[%dma_wait3A_797, %dma_wait3A_798] : memref<100096x16xf32, #tpu.memory_space<vmem_shared>> -> memref<100096x16xf32, #tpu.memory_space<vmem_shared>>
      tpu.wait_indirect_dma semaphore(%arg12 : memref<!tpu.dma_semaphore, #tpu.memory_space<semaphore_mem>>) src(%dma_wait3A_793 : memref<128x16xf32, #tpu.memory_space<vmem>>) dst(%dma_wait3A_799 : memref<100096x16xf32, #tpu.memory_space<vmem_shared>>)
      %add3A_800 = arith.constant 1 : i32
      %add3A_801 = arith.addi %add3A_613, %add3A_800 : i32
      %min3A_802 = arith.constant 131 : i32
      %min3A_803 = arith.minsi %add3A_801, %min3A_802 : i32
      %mul3A_804 = arith.constant 6 : i32
      %mul3A_805 = arith.muli %min3A_803, %mul3A_804 : i32
      %add3A_806 = arith.addi %mul3A_2, %mul3A_805 : i32
      %dma_start3A_807 = arith.constant 0 : i32
      %dma_start3A_808 = arith.constant 0 : i32
      %dma_start3A_809 = arith.constant 0 : i32
      %dma_start3A_810 = tpu.memref_slice %arg8[%dma_start3A_807, %dma_start3A_808, %dma_start3A_809] : memref<2x6x128xi32, #tpu.memory_space<vmem>> -> memref<1x6x128xi32, #tpu.memory_space<vmem>>
      %dma_start3A_811 = tpu.memref_squeeze %dma_start3A_810 : memref<1x6x128xi32, #tpu.memory_space<vmem>> -> memref<6x128xi32, #tpu.memory_space<vmem>>
      %dma_start3A_812 = arith.constant 0 : i32
      %dma_start3A_813 = tpu.memref_slice %arg3[%add3A_806, %dma_start3A_812] : memref<25344x128xi32, #tpu.memory_space<hbm>> -> memref<6x128xi32, #tpu.memory_space<hbm>>
      %dma_start3A_814 = arith.constant 0 : i32
      %dma_start3A_815 = arith.constant 0 : i32
      %dma_start3A_816 = tpu.memref_slice %arg8[%dma_start3A_807, %dma_start3A_814, %dma_start3A_815] : memref<2x6x128xi32, #tpu.memory_space<vmem>> -> memref<1x6x128xi32, #tpu.memory_space<vmem>>
      %dma_start3A_817 = tpu.memref_squeeze %dma_start3A_816 : memref<1x6x128xi32, #tpu.memory_space<vmem>> -> memref<6x128xi32, #tpu.memory_space<vmem>>
      %dma_start3A_818 = arith.constant 0 : i32
      %dma_start3A_819 = tpu.memref_slice %arg3[%add3A_806, %dma_start3A_818] : memref<25344x128xi32, #tpu.memory_space<hbm>> -> memref<6x128xi32, #tpu.memory_space<hbm>>
      tpu.enqueue_dma source(%dma_start3A_819 : memref<6x128xi32, #tpu.memory_space<hbm>>) target(%dma_start3A_817 : memref<6x128xi32, #tpu.memory_space<vmem>>) target_semaphore(%arg13 : memref<!tpu.dma_semaphore, #tpu.memory_space<semaphore_mem>>)
      %dma_start3A_820 = arith.constant 0 : i32
      %dma_start3A_821 = arith.constant 0 : i32
      %dma_start3A_822 = arith.constant 0 : i32
      %dma_start3A_823 = tpu.memref_slice %arg9[%dma_start3A_820, %dma_start3A_821, %dma_start3A_822] : memref<2x6x128xi32, #tpu.memory_space<vmem>> -> memref<1x6x128xi32, #tpu.memory_space<vmem>>
      %dma_start3A_824 = tpu.memref_squeeze %dma_start3A_823 : memref<1x6x128xi32, #tpu.memory_space<vmem>> -> memref<6x128xi32, #tpu.memory_space<vmem>>
      %dma_start3A_825 = arith.constant 0 : i32
      %dma_start3A_826 = tpu.memref_slice %arg4[%add3A_806, %dma_start3A_825] : memref<25344x128xi32, #tpu.memory_space<hbm>> -> memref<6x128xi32, #tpu.memory_space<hbm>>
      %dma_start3A_827 = arith.constant 0 : i32
      %dma_start3A_828 = arith.constant 0 : i32
      %dma_start3A_829 = tpu.memref_slice %arg9[%dma_start3A_820, %dma_start3A_827, %dma_start3A_828] : memref<2x6x128xi32, #tpu.memory_space<vmem>> -> memref<1x6x128xi32, #tpu.memory_space<vmem>>
      %dma_start3A_830 = tpu.memref_squeeze %dma_start3A_829 : memref<1x6x128xi32, #tpu.memory_space<vmem>> -> memref<6x128xi32, #tpu.memory_space<vmem>>
      %dma_start3A_831 = arith.constant 0 : i32
      %dma_start3A_832 = tpu.memref_slice %arg4[%add3A_806, %dma_start3A_831] : memref<25344x128xi32, #tpu.memory_space<hbm>> -> memref<6x128xi32, #tpu.memory_space<hbm>>
      tpu.enqueue_dma source(%dma_start3A_832 : memref<6x128xi32, #tpu.memory_space<hbm>>) target(%dma_start3A_830 : memref<6x128xi32, #tpu.memory_space<vmem>>) target_semaphore(%arg13 : memref<!tpu.dma_semaphore, #tpu.memory_space<semaphore_mem>>)
      %dma_wait3A_833 = arith.constant 1 : i32
      %dma_wait3A_834 = arith.constant 0 : i32
      %dma_wait3A_835 = arith.constant 1 : i32
      %dma_wait3A_836 = arith.constant 0 : i32
      %dma_wait3A_837 = arith.constant 0 : i32
      %dma_wait3A_838 = tpu.memref_slice %arg10[%dma_wait3A_835, %dma_wait3A_836, %dma_wait3A_837] : memref<2x768x16xf32, #tpu.memory_space<vmem>> -> memref<1x128x16xf32, #tpu.memory_space<vmem>>
      %dma_wait3A_839 = tpu.memref_squeeze %dma_wait3A_838 : memref<1x128x16xf32, #tpu.memory_space<vmem>> -> memref<128x16xf32, #tpu.memory_space<vmem>>
      %dma_wait3A_840 = arith.constant 0 : i32
      %dma_wait3A_841 = tpu.memref_slice %arg8[%dma_wait3A_833, %dma_wait3A_834, %dma_wait3A_840] : memref<2x6x128xi32, #tpu.memory_space<vmem>> -> memref<1x1x128xi32, #tpu.memory_space<vmem>>
      %dma_wait3A_842 = tpu.memref_squeeze %dma_wait3A_841 : memref<1x1x128xi32, #tpu.memory_space<vmem>> -> memref<128xi32, #tpu.memory_space<vmem>>
      %dma_wait3A_843 = arith.constant 0 : i32
      %dma_wait3A_844 = arith.constant 0 : i32
      %dma_wait3A_845 = tpu.memref_slice %arg2[%dma_wait3A_843, %dma_wait3A_844] : memref<100000x16xf32, #tpu.memory_space<hbm>> -> memref<100000x16xf32, #tpu.memory_space<hbm>>
      tpu.wait_indirect_dma semaphore(%arg11 : memref<!tpu.dma_semaphore, #tpu.memory_space<semaphore_mem>>) src(%dma_wait3A_845 : memref<100000x16xf32, #tpu.memory_space<hbm>>) dst(%dma_wait3A_839 : memref<128x16xf32, #tpu.memory_space<vmem>>)
      %dma_wait3A_846 = arith.constant 1 : i32
      %dma_wait3A_847 = arith.constant 1 : i32
      %dma_wait3A_848 = arith.constant 1 : i32
      %dma_wait3A_849 = arith.constant 128 : i32
      %dma_wait3A_850 = arith.constant 0 : i32
      %dma_wait3A_851 = tpu.memref_slice %arg10[%dma_wait3A_848, %dma_wait3A_849, %dma_wait3A_850] : memref<2x768x16xf32, #tpu.memory_space<vmem>> -> memref<1x128x16xf32, #tpu.memory_space<vmem>>
      %dma_wait3A_852 = tpu.memref_squeeze %dma_wait3A_851 : memref<1x128x16xf32, #tpu.memory_space<vmem>> -> memref<128x16xf32, #tpu.memory_space<vmem>>
      %dma_wait3A_853 = arith.constant 0 : i32
      %dma_wait3A_854 = tpu.memref_slice %arg8[%dma_wait3A_846, %dma_wait3A_847, %dma_wait3A_853] : memref<2x6x128xi32, #tpu.memory_space<vmem>> -> memref<1x1x128xi32, #tpu.memory_space<vmem>>
      %dma_wait3A_855 = tpu.memref_squeeze %dma_wait3A_854 : memref<1x1x128xi32, #tpu.memory_space<vmem>> -> memref<128xi32, #tpu.memory_space<vmem>>
      %dma_wait3A_856 = arith.constant 0 : i32
      %dma_wait3A_857 = arith.constant 0 : i32
      %dma_wait3A_858 = tpu.memref_slice %arg2[%dma_wait3A_856, %dma_wait3A_857] : memref<100000x16xf32, #tpu.memory_space<hbm>> -> memref<100000x16xf32, #tpu.memory_space<hbm>>
      tpu.wait_indirect_dma semaphore(%arg11 : memref<!tpu.dma_semaphore, #tpu.memory_space<semaphore_mem>>) src(%dma_wait3A_858 : memref<100000x16xf32, #tpu.memory_space<hbm>>) dst(%dma_wait3A_852 : memref<128x16xf32, #tpu.memory_space<vmem>>)
      %dma_wait3A_859 = arith.constant 1 : i32
      %dma_wait3A_860 = arith.constant 2 : i32
      %dma_wait3A_861 = arith.constant 1 : i32
      %dma_wait3A_862 = arith.constant 256 : i32
      %dma_wait3A_863 = arith.constant 0 : i32
      %dma_wait3A_864 = tpu.memref_slice %arg10[%dma_wait3A_861, %dma_wait3A_862, %dma_wait3A_863] : memref<2x768x16xf32, #tpu.memory_space<vmem>> -> memref<1x128x16xf32, #tpu.memory_space<vmem>>
      %dma_wait3A_865 = tpu.memref_squeeze %dma_wait3A_864 : memref<1x128x16xf32, #tpu.memory_space<vmem>> -> memref<128x16xf32, #tpu.memory_space<vmem>>
      %dma_wait3A_866 = arith.constant 0 : i32
      %dma_wait3A_867 = tpu.memref_slice %arg8[%dma_wait3A_859, %dma_wait3A_860, %dma_wait3A_866] : memref<2x6x128xi32, #tpu.memory_space<vmem>> -> memref<1x1x128xi32, #tpu.memory_space<vmem>>
      %dma_wait3A_868 = tpu.memref_squeeze %dma_wait3A_867 : memref<1x1x128xi32, #tpu.memory_space<vmem>> -> memref<128xi32, #tpu.memory_space<vmem>>
      %dma_wait3A_869 = arith.constant 0 : i32
      %dma_wait3A_870 = arith.constant 0 : i32
      %dma_wait3A_871 = tpu.memref_slice %arg2[%dma_wait3A_869, %dma_wait3A_870] : memref<100000x16xf32, #tpu.memory_space<hbm>> -> memref<100000x16xf32, #tpu.memory_space<hbm>>
      tpu.wait_indirect_dma semaphore(%arg11 : memref<!tpu.dma_semaphore, #tpu.memory_space<semaphore_mem>>) src(%dma_wait3A_871 : memref<100000x16xf32, #tpu.memory_space<hbm>>) dst(%dma_wait3A_865 : memref<128x16xf32, #tpu.memory_space<vmem>>)
      %dma_wait3A_872 = arith.constant 1 : i32
      %dma_wait3A_873 = arith.constant 3 : i32
      %dma_wait3A_874 = arith.constant 1 : i32
      %dma_wait3A_875 = arith.constant 384 : i32
      %dma_wait3A_876 = arith.constant 0 : i32
      %dma_wait3A_877 = tpu.memref_slice %arg10[%dma_wait3A_874, %dma_wait3A_875, %dma_wait3A_876] : memref<2x768x16xf32, #tpu.memory_space<vmem>> -> memref<1x128x16xf32, #tpu.memory_space<vmem>>
      %dma_wait3A_878 = tpu.memref_squeeze %dma_wait3A_877 : memref<1x128x16xf32, #tpu.memory_space<vmem>> -> memref<128x16xf32, #tpu.memory_space<vmem>>
      %dma_wait3A_879 = arith.constant 0 : i32
      %dma_wait3A_880 = tpu.memref_slice %arg8[%dma_wait3A_872, %dma_wait3A_873, %dma_wait3A_879] : memref<2x6x128xi32, #tpu.memory_space<vmem>> -> memref<1x1x128xi32, #tpu.memory_space<vmem>>
      %dma_wait3A_881 = tpu.memref_squeeze %dma_wait3A_880 : memref<1x1x128xi32, #tpu.memory_space<vmem>> -> memref<128xi32, #tpu.memory_space<vmem>>
      %dma_wait3A_882 = arith.constant 0 : i32
      %dma_wait3A_883 = arith.constant 0 : i32
      %dma_wait3A_884 = tpu.memref_slice %arg2[%dma_wait3A_882, %dma_wait3A_883] : memref<100000x16xf32, #tpu.memory_space<hbm>> -> memref<100000x16xf32, #tpu.memory_space<hbm>>
      tpu.wait_indirect_dma semaphore(%arg11 : memref<!tpu.dma_semaphore, #tpu.memory_space<semaphore_mem>>) src(%dma_wait3A_884 : memref<100000x16xf32, #tpu.memory_space<hbm>>) dst(%dma_wait3A_878 : memref<128x16xf32, #tpu.memory_space<vmem>>)
      %dma_wait3A_885 = arith.constant 1 : i32
      %dma_wait3A_886 = arith.constant 4 : i32
      %dma_wait3A_887 = arith.constant 1 : i32
      %dma_wait3A_888 = arith.constant 512 : i32
      %dma_wait3A_889 = arith.constant 0 : i32
      %dma_wait3A_890 = tpu.memref_slice %arg10[%dma_wait3A_887, %dma_wait3A_888, %dma_wait3A_889] : memref<2x768x16xf32, #tpu.memory_space<vmem>> -> memref<1x128x16xf32, #tpu.memory_space<vmem>>
      %dma_wait3A_891 = tpu.memref_squeeze %dma_wait3A_890 : memref<1x128x16xf32, #tpu.memory_space<vmem>> -> memref<128x16xf32, #tpu.memory_space<vmem>>
      %dma_wait3A_892 = arith.constant 0 : i32
      %dma_wait3A_893 = tpu.memref_slice %arg8[%dma_wait3A_885, %dma_wait3A_886, %dma_wait3A_892] : memref<2x6x128xi32, #tpu.memory_space<vmem>> -> memref<1x1x128xi32, #tpu.memory_space<vmem>>
      %dma_wait3A_894 = tpu.memref_squeeze %dma_wait3A_893 : memref<1x1x128xi32, #tpu.memory_space<vmem>> -> memref<128xi32, #tpu.memory_space<vmem>>
      %dma_wait3A_895 = arith.constant 0 : i32
      %dma_wait3A_896 = arith.constant 0 : i32
      %dma_wait3A_897 = tpu.memref_slice %arg2[%dma_wait3A_895, %dma_wait3A_896] : memref<100000x16xf32, #tpu.memory_space<hbm>> -> memref<100000x16xf32, #tpu.memory_space<hbm>>
      tpu.wait_indirect_dma semaphore(%arg11 : memref<!tpu.dma_semaphore, #tpu.memory_space<semaphore_mem>>) src(%dma_wait3A_897 : memref<100000x16xf32, #tpu.memory_space<hbm>>) dst(%dma_wait3A_891 : memref<128x16xf32, #tpu.memory_space<vmem>>)
      %dma_wait3A_898 = arith.constant 1 : i32
      %dma_wait3A_899 = arith.constant 5 : i32
      %dma_wait3A_900 = arith.constant 1 : i32
      %dma_wait3A_901 = arith.constant 640 : i32
      %dma_wait3A_902 = arith.constant 0 : i32
      %dma_wait3A_903 = tpu.memref_slice %arg10[%dma_wait3A_900, %dma_wait3A_901, %dma_wait3A_902] : memref<2x768x16xf32, #tpu.memory_space<vmem>> -> memref<1x128x16xf32, #tpu.memory_space<vmem>>
      %dma_wait3A_904 = tpu.memref_squeeze %dma_wait3A_903 : memref<1x128x16xf32, #tpu.memory_space<vmem>> -> memref<128x16xf32, #tpu.memory_space<vmem>>
      %dma_wait3A_905 = arith.constant 0 : i32
      %dma_wait3A_906 = tpu.memref_slice %arg8[%dma_wait3A_898, %dma_wait3A_899, %dma_wait3A_905] : memref<2x6x128xi32, #tpu.memory_space<vmem>> -> memref<1x1x128xi32, #tpu.memory_space<vmem>>
      %dma_wait3A_907 = tpu.memref_squeeze %dma_wait3A_906 : memref<1x1x128xi32, #tpu.memory_space<vmem>> -> memref<128xi32, #tpu.memory_space<vmem>>
      %dma_wait3A_908 = arith.constant 0 : i32
      %dma_wait3A_909 = arith.constant 0 : i32
      %dma_wait3A_910 = tpu.memref_slice %arg2[%dma_wait3A_908, %dma_wait3A_909] : memref<100000x16xf32, #tpu.memory_space<hbm>> -> memref<100000x16xf32, #tpu.memory_space<hbm>>
      tpu.wait_indirect_dma semaphore(%arg11 : memref<!tpu.dma_semaphore, #tpu.memory_space<semaphore_mem>>) src(%dma_wait3A_910 : memref<100000x16xf32, #tpu.memory_space<hbm>>) dst(%dma_wait3A_904 : memref<128x16xf32, #tpu.memory_space<vmem>>)
      %dma_start3A_911 = arith.constant 1 : i32
      %dma_start3A_912 = arith.constant 1 : i32
      %dma_start3A_913 = arith.constant 0 : i32
      %dma_start3A_914 = arith.constant 0 : i32
      %dma_start3A_915 = arith.constant 0 : i32
      %dma_start3A_916 = tpu.memref_slice %arg10[%dma_start3A_911, %dma_start3A_914, %dma_start3A_915] : memref<2x768x16xf32, #tpu.memory_space<vmem>> -> memref<1x128x16xf32, #tpu.memory_space<vmem>>
      %dma_start3A_917 = tpu.memref_squeeze %dma_start3A_916 : memref<1x128x16xf32, #tpu.memory_space<vmem>> -> memref<128x16xf32, #tpu.memory_space<vmem>>
      %dma_start3A_918 = arith.constant 0 : i32
      %dma_start3A_919 = tpu.memref_slice %arg9[%dma_start3A_912, %dma_start3A_913, %dma_start3A_918] : memref<2x6x128xi32, #tpu.memory_space<vmem>> -> memref<1x1x128xi32, #tpu.memory_space<vmem>>
      %dma_start3A_920 = tpu.memref_squeeze %dma_start3A_919 : memref<1x1x128xi32, #tpu.memory_space<vmem>> -> memref<128xi32, #tpu.memory_space<vmem>>
      %dma_start3A_921 = arith.constant 0 : i32
      %dma_start3A_922 = arith.constant 0 : i32
      %dma_start3A_923 = tpu.memref_slice %arg7[%dma_start3A_921, %dma_start3A_922] : memref<100096x16xf32, #tpu.memory_space<vmem_shared>> -> memref<100096x16xf32, #tpu.memory_space<vmem_shared>>
      tpu.enqueue_indirect_dma source(%dma_start3A_917 : memref<128x16xf32, #tpu.memory_space<vmem>>) target(%dma_start3A_923 : memref<100096x16xf32, #tpu.memory_space<vmem_shared>>) offsets(%dma_start3A_920 : memref<128xi32, #tpu.memory_space<vmem>>) semaphore(%arg12 : memref<!tpu.dma_semaphore, #tpu.memory_space<semaphore_mem>>) {add = true}
      %dma_start3A_924 = arith.constant 1 : i32
      %dma_start3A_925 = arith.constant 1 : i32
      %dma_start3A_926 = arith.constant 1 : i32
      %dma_start3A_927 = arith.constant 128 : i32
      %dma_start3A_928 = arith.constant 0 : i32
      %dma_start3A_929 = tpu.memref_slice %arg10[%dma_start3A_924, %dma_start3A_927, %dma_start3A_928] : memref<2x768x16xf32, #tpu.memory_space<vmem>> -> memref<1x128x16xf32, #tpu.memory_space<vmem>>
      %dma_start3A_930 = tpu.memref_squeeze %dma_start3A_929 : memref<1x128x16xf32, #tpu.memory_space<vmem>> -> memref<128x16xf32, #tpu.memory_space<vmem>>
      %dma_start3A_931 = arith.constant 0 : i32
      %dma_start3A_932 = tpu.memref_slice %arg9[%dma_start3A_925, %dma_start3A_926, %dma_start3A_931] : memref<2x6x128xi32, #tpu.memory_space<vmem>> -> memref<1x1x128xi32, #tpu.memory_space<vmem>>
      %dma_start3A_933 = tpu.memref_squeeze %dma_start3A_932 : memref<1x1x128xi32, #tpu.memory_space<vmem>> -> memref<128xi32, #tpu.memory_space<vmem>>
      %dma_start3A_934 = arith.constant 0 : i32
      %dma_start3A_935 = arith.constant 0 : i32
      %dma_start3A_936 = tpu.memref_slice %arg7[%dma_start3A_934, %dma_start3A_935] : memref<100096x16xf32, #tpu.memory_space<vmem_shared>> -> memref<100096x16xf32, #tpu.memory_space<vmem_shared>>
      tpu.enqueue_indirect_dma source(%dma_start3A_930 : memref<128x16xf32, #tpu.memory_space<vmem>>) target(%dma_start3A_936 : memref<100096x16xf32, #tpu.memory_space<vmem_shared>>) offsets(%dma_start3A_933 : memref<128xi32, #tpu.memory_space<vmem>>) semaphore(%arg12 : memref<!tpu.dma_semaphore, #tpu.memory_space<semaphore_mem>>) {add = true}
      %dma_start3A_937 = arith.constant 1 : i32
      %dma_start3A_938 = arith.constant 1 : i32
      %dma_start3A_939 = arith.constant 2 : i32
      %dma_start3A_940 = arith.constant 256 : i32
      %dma_start3A_941 = arith.constant 0 : i32
      %dma_start3A_942 = tpu.memref_slice %arg10[%dma_start3A_937, %dma_start3A_940, %dma_start3A_941] : memref<2x768x16xf32, #tpu.memory_space<vmem>> -> memref<1x128x16xf32, #tpu.memory_space<vmem>>
      %dma_start3A_943 = tpu.memref_squeeze %dma_start3A_942 : memref<1x128x16xf32, #tpu.memory_space<vmem>> -> memref<128x16xf32, #tpu.memory_space<vmem>>
      %dma_start3A_944 = arith.constant 0 : i32
      %dma_start3A_945 = tpu.memref_slice %arg9[%dma_start3A_938, %dma_start3A_939, %dma_start3A_944] : memref<2x6x128xi32, #tpu.memory_space<vmem>> -> memref<1x1x128xi32, #tpu.memory_space<vmem>>
      %dma_start3A_946 = tpu.memref_squeeze %dma_start3A_945 : memref<1x1x128xi32, #tpu.memory_space<vmem>> -> memref<128xi32, #tpu.memory_space<vmem>>
      %dma_start3A_947 = arith.constant 0 : i32
      %dma_start3A_948 = arith.constant 0 : i32
      %dma_start3A_949 = tpu.memref_slice %arg7[%dma_start3A_947, %dma_start3A_948] : memref<100096x16xf32, #tpu.memory_space<vmem_shared>> -> memref<100096x16xf32, #tpu.memory_space<vmem_shared>>
      tpu.enqueue_indirect_dma source(%dma_start3A_943 : memref<128x16xf32, #tpu.memory_space<vmem>>) target(%dma_start3A_949 : memref<100096x16xf32, #tpu.memory_space<vmem_shared>>) offsets(%dma_start3A_946 : memref<128xi32, #tpu.memory_space<vmem>>) semaphore(%arg12 : memref<!tpu.dma_semaphore, #tpu.memory_space<semaphore_mem>>) {add = true}
      %dma_start3A_950 = arith.constant 1 : i32
      %dma_start3A_951 = arith.constant 1 : i32
      %dma_start3A_952 = arith.constant 3 : i32
      %dma_start3A_953 = arith.constant 384 : i32
      %dma_start3A_954 = arith.constant 0 : i32
      %dma_start3A_955 = tpu.memref_slice %arg10[%dma_start3A_950, %dma_start3A_953, %dma_start3A_954] : memref<2x768x16xf32, #tpu.memory_space<vmem>> -> memref<1x128x16xf32, #tpu.memory_space<vmem>>
      %dma_start3A_956 = tpu.memref_squeeze %dma_start3A_955 : memref<1x128x16xf32, #tpu.memory_space<vmem>> -> memref<128x16xf32, #tpu.memory_space<vmem>>
      %dma_start3A_957 = arith.constant 0 : i32
      %dma_start3A_958 = tpu.memref_slice %arg9[%dma_start3A_951, %dma_start3A_952, %dma_start3A_957] : memref<2x6x128xi32, #tpu.memory_space<vmem>> -> memref<1x1x128xi32, #tpu.memory_space<vmem>>
      %dma_start3A_959 = tpu.memref_squeeze %dma_start3A_958 : memref<1x1x128xi32, #tpu.memory_space<vmem>> -> memref<128xi32, #tpu.memory_space<vmem>>
      %dma_start3A_960 = arith.constant 0 : i32
      %dma_start3A_961 = arith.constant 0 : i32
      %dma_start3A_962 = tpu.memref_slice %arg7[%dma_start3A_960, %dma_start3A_961] : memref<100096x16xf32, #tpu.memory_space<vmem_shared>> -> memref<100096x16xf32, #tpu.memory_space<vmem_shared>>
      tpu.enqueue_indirect_dma source(%dma_start3A_956 : memref<128x16xf32, #tpu.memory_space<vmem>>) target(%dma_start3A_962 : memref<100096x16xf32, #tpu.memory_space<vmem_shared>>) offsets(%dma_start3A_959 : memref<128xi32, #tpu.memory_space<vmem>>) semaphore(%arg12 : memref<!tpu.dma_semaphore, #tpu.memory_space<semaphore_mem>>) {add = true}
      %dma_start3A_963 = arith.constant 1 : i32
      %dma_start3A_964 = arith.constant 1 : i32
      %dma_start3A_965 = arith.constant 4 : i32
      %dma_start3A_966 = arith.constant 512 : i32
      %dma_start3A_967 = arith.constant 0 : i32
      %dma_start3A_968 = tpu.memref_slice %arg10[%dma_start3A_963, %dma_start3A_966, %dma_start3A_967] : memref<2x768x16xf32, #tpu.memory_space<vmem>> -> memref<1x128x16xf32, #tpu.memory_space<vmem>>
      %dma_start3A_969 = tpu.memref_squeeze %dma_start3A_968 : memref<1x128x16xf32, #tpu.memory_space<vmem>> -> memref<128x16xf32, #tpu.memory_space<vmem>>
      %dma_start3A_970 = arith.constant 0 : i32
      %dma_start3A_971 = tpu.memref_slice %arg9[%dma_start3A_964, %dma_start3A_965, %dma_start3A_970] : memref<2x6x128xi32, #tpu.memory_space<vmem>> -> memref<1x1x128xi32, #tpu.memory_space<vmem>>
      %dma_start3A_972 = tpu.memref_squeeze %dma_start3A_971 : memref<1x1x128xi32, #tpu.memory_space<vmem>> -> memref<128xi32, #tpu.memory_space<vmem>>
      %dma_start3A_973 = arith.constant 0 : i32
      %dma_start3A_974 = arith.constant 0 : i32
      %dma_start3A_975 = tpu.memref_slice %arg7[%dma_start3A_973, %dma_start3A_974] : memref<100096x16xf32, #tpu.memory_space<vmem_shared>> -> memref<100096x16xf32, #tpu.memory_space<vmem_shared>>
      tpu.enqueue_indirect_dma source(%dma_start3A_969 : memref<128x16xf32, #tpu.memory_space<vmem>>) target(%dma_start3A_975 : memref<100096x16xf32, #tpu.memory_space<vmem_shared>>) offsets(%dma_start3A_972 : memref<128xi32, #tpu.memory_space<vmem>>) semaphore(%arg12 : memref<!tpu.dma_semaphore, #tpu.memory_space<semaphore_mem>>) {add = true}
      %dma_start3A_976 = arith.constant 1 : i32
      %dma_start3A_977 = arith.constant 1 : i32
      %dma_start3A_978 = arith.constant 5 : i32
      %dma_start3A_979 = arith.constant 640 : i32
      %dma_start3A_980 = arith.constant 0 : i32
      %dma_start3A_981 = tpu.memref_slice %arg10[%dma_start3A_976, %dma_start3A_979, %dma_start3A_980] : memref<2x768x16xf32, #tpu.memory_space<vmem>> -> memref<1x128x16xf32, #tpu.memory_space<vmem>>
      %dma_start3A_982 = tpu.memref_squeeze %dma_start3A_981 : memref<1x128x16xf32, #tpu.memory_space<vmem>> -> memref<128x16xf32, #tpu.memory_space<vmem>>
      %dma_start3A_983 = arith.constant 0 : i32
      %dma_start3A_984 = tpu.memref_slice %arg9[%dma_start3A_977, %dma_start3A_978, %dma_start3A_983] : memref<2x6x128xi32, #tpu.memory_space<vmem>> -> memref<1x1x128xi32, #tpu.memory_space<vmem>>
      %dma_start3A_985 = tpu.memref_squeeze %dma_start3A_984 : memref<1x1x128xi32, #tpu.memory_space<vmem>> -> memref<128xi32, #tpu.memory_space<vmem>>
      %dma_start3A_986 = arith.constant 0 : i32
      %dma_start3A_987 = arith.constant 0 : i32
      %dma_start3A_988 = tpu.memref_slice %arg7[%dma_start3A_986, %dma_start3A_987] : memref<100096x16xf32, #tpu.memory_space<vmem_shared>> -> memref<100096x16xf32, #tpu.memory_space<vmem_shared>>
      tpu.enqueue_indirect_dma source(%dma_start3A_982 : memref<128x16xf32, #tpu.memory_space<vmem>>) target(%dma_start3A_988 : memref<100096x16xf32, #tpu.memory_space<vmem_shared>>) offsets(%dma_start3A_985 : memref<128xi32, #tpu.memory_space<vmem>>) semaphore(%arg12 : memref<!tpu.dma_semaphore, #tpu.memory_space<semaphore_mem>>) {add = true}
    }
    %scan3A_118 = arith.constant 66 : i32
    %dma_wait3A = arith.constant 1 : i32
    %dma_wait3A_119 = arith.constant 1 : i32
    %dma_wait3A_120 = arith.constant 0 : i32
    %dma_wait3A_121 = arith.constant 0 : i32
    %dma_wait3A_122 = arith.constant 0 : i32
    %dma_wait3A_123 = tpu.memref_slice %arg10[%dma_wait3A, %dma_wait3A_121, %dma_wait3A_122] : memref<2x768x16xf32, #tpu.memory_space<vmem>> -> memref<1x128x16xf32, #tpu.memory_space<vmem>>
    %dma_wait3A_124 = tpu.memref_squeeze %dma_wait3A_123 : memref<1x128x16xf32, #tpu.memory_space<vmem>> -> memref<128x16xf32, #tpu.memory_space<vmem>>
    %dma_wait3A_125 = arith.constant 0 : i32
    %dma_wait3A_126 = tpu.memref_slice %arg9[%dma_wait3A_119, %dma_wait3A_120, %dma_wait3A_125] : memref<2x6x128xi32, #tpu.memory_space<vmem>> -> memref<1x1x128xi32, #tpu.memory_space<vmem>>
    %dma_wait3A_127 = tpu.memref_squeeze %dma_wait3A_126 : memref<1x1x128xi32, #tpu.memory_space<vmem>> -> memref<128xi32, #tpu.memory_space<vmem>>
    %dma_wait3A_128 = arith.constant 0 : i32
    %dma_wait3A_129 = arith.constant 0 : i32
    %dma_wait3A_130 = tpu.memref_slice %arg7[%dma_wait3A_128, %dma_wait3A_129] : memref<100096x16xf32, #tpu.memory_space<vmem_shared>> -> memref<100096x16xf32, #tpu.memory_space<vmem_shared>>
    tpu.wait_indirect_dma semaphore(%arg12 : memref<!tpu.dma_semaphore, #tpu.memory_space<semaphore_mem>>) src(%dma_wait3A_124 : memref<128x16xf32, #tpu.memory_space<vmem>>) dst(%dma_wait3A_130 : memref<100096x16xf32, #tpu.memory_space<vmem_shared>>)
    %dma_wait3A_131 = arith.constant 1 : i32
    %dma_wait3A_132 = arith.constant 1 : i32
    %dma_wait3A_133 = arith.constant 1 : i32
    %dma_wait3A_134 = arith.constant 128 : i32
    %dma_wait3A_135 = arith.constant 0 : i32
    %dma_wait3A_136 = tpu.memref_slice %arg10[%dma_wait3A_131, %dma_wait3A_134, %dma_wait3A_135] : memref<2x768x16xf32, #tpu.memory_space<vmem>> -> memref<1x128x16xf32, #tpu.memory_space<vmem>>
    %dma_wait3A_137 = tpu.memref_squeeze %dma_wait3A_136 : memref<1x128x16xf32, #tpu.memory_space<vmem>> -> memref<128x16xf32, #tpu.memory_space<vmem>>
    %dma_wait3A_138 = arith.constant 0 : i32
    %dma_wait3A_139 = tpu.memref_slice %arg9[%dma_wait3A_132, %dma_wait3A_133, %dma_wait3A_138] : memref<2x6x128xi32, #tpu.memory_space<vmem>> -> memref<1x1x128xi32, #tpu.memory_space<vmem>>
    %dma_wait3A_140 = tpu.memref_squeeze %dma_wait3A_139 : memref<1x1x128xi32, #tpu.memory_space<vmem>> -> memref<128xi32, #tpu.memory_space<vmem>>
    %dma_wait3A_141 = arith.constant 0 : i32
    %dma_wait3A_142 = arith.constant 0 : i32
    %dma_wait3A_143 = tpu.memref_slice %arg7[%dma_wait3A_141, %dma_wait3A_142] : memref<100096x16xf32, #tpu.memory_space<vmem_shared>> -> memref<100096x16xf32, #tpu.memory_space<vmem_shared>>
    tpu.wait_indirect_dma semaphore(%arg12 : memref<!tpu.dma_semaphore, #tpu.memory_space<semaphore_mem>>) src(%dma_wait3A_137 : memref<128x16xf32, #tpu.memory_space<vmem>>) dst(%dma_wait3A_143 : memref<100096x16xf32, #tpu.memory_space<vmem_shared>>)
    %dma_wait3A_144 = arith.constant 1 : i32
    %dma_wait3A_145 = arith.constant 1 : i32
    %dma_wait3A_146 = arith.constant 2 : i32
    %dma_wait3A_147 = arith.constant 256 : i32
    %dma_wait3A_148 = arith.constant 0 : i32
    %dma_wait3A_149 = tpu.memref_slice %arg10[%dma_wait3A_144, %dma_wait3A_147, %dma_wait3A_148] : memref<2x768x16xf32, #tpu.memory_space<vmem>> -> memref<1x128x16xf32, #tpu.memory_space<vmem>>
    %dma_wait3A_150 = tpu.memref_squeeze %dma_wait3A_149 : memref<1x128x16xf32, #tpu.memory_space<vmem>> -> memref<128x16xf32, #tpu.memory_space<vmem>>
    %dma_wait3A_151 = arith.constant 0 : i32
    %dma_wait3A_152 = tpu.memref_slice %arg9[%dma_wait3A_145, %dma_wait3A_146, %dma_wait3A_151] : memref<2x6x128xi32, #tpu.memory_space<vmem>> -> memref<1x1x128xi32, #tpu.memory_space<vmem>>
    %dma_wait3A_153 = tpu.memref_squeeze %dma_wait3A_152 : memref<1x1x128xi32, #tpu.memory_space<vmem>> -> memref<128xi32, #tpu.memory_space<vmem>>
    %dma_wait3A_154 = arith.constant 0 : i32
    %dma_wait3A_155 = arith.constant 0 : i32
    %dma_wait3A_156 = tpu.memref_slice %arg7[%dma_wait3A_154, %dma_wait3A_155] : memref<100096x16xf32, #tpu.memory_space<vmem_shared>> -> memref<100096x16xf32, #tpu.memory_space<vmem_shared>>
    tpu.wait_indirect_dma semaphore(%arg12 : memref<!tpu.dma_semaphore, #tpu.memory_space<semaphore_mem>>) src(%dma_wait3A_150 : memref<128x16xf32, #tpu.memory_space<vmem>>) dst(%dma_wait3A_156 : memref<100096x16xf32, #tpu.memory_space<vmem_shared>>)
    %dma_wait3A_157 = arith.constant 1 : i32
    %dma_wait3A_158 = arith.constant 1 : i32
    %dma_wait3A_159 = arith.constant 3 : i32
    %dma_wait3A_160 = arith.constant 384 : i32
    %dma_wait3A_161 = arith.constant 0 : i32
    %dma_wait3A_162 = tpu.memref_slice %arg10[%dma_wait3A_157, %dma_wait3A_160, %dma_wait3A_161] : memref<2x768x16xf32, #tpu.memory_space<vmem>> -> memref<1x128x16xf32, #tpu.memory_space<vmem>>
    %dma_wait3A_163 = tpu.memref_squeeze %dma_wait3A_162 : memref<1x128x16xf32, #tpu.memory_space<vmem>> -> memref<128x16xf32, #tpu.memory_space<vmem>>
    %dma_wait3A_164 = arith.constant 0 : i32
    %dma_wait3A_165 = tpu.memref_slice %arg9[%dma_wait3A_158, %dma_wait3A_159, %dma_wait3A_164] : memref<2x6x128xi32, #tpu.memory_space<vmem>> -> memref<1x1x128xi32, #tpu.memory_space<vmem>>
    %dma_wait3A_166 = tpu.memref_squeeze %dma_wait3A_165 : memref<1x1x128xi32, #tpu.memory_space<vmem>> -> memref<128xi32, #tpu.memory_space<vmem>>
    %dma_wait3A_167 = arith.constant 0 : i32
    %dma_wait3A_168 = arith.constant 0 : i32
    %dma_wait3A_169 = tpu.memref_slice %arg7[%dma_wait3A_167, %dma_wait3A_168] : memref<100096x16xf32, #tpu.memory_space<vmem_shared>> -> memref<100096x16xf32, #tpu.memory_space<vmem_shared>>
    tpu.wait_indirect_dma semaphore(%arg12 : memref<!tpu.dma_semaphore, #tpu.memory_space<semaphore_mem>>) src(%dma_wait3A_163 : memref<128x16xf32, #tpu.memory_space<vmem>>) dst(%dma_wait3A_169 : memref<100096x16xf32, #tpu.memory_space<vmem_shared>>)
    %dma_wait3A_170 = arith.constant 1 : i32
    %dma_wait3A_171 = arith.constant 1 : i32
    %dma_wait3A_172 = arith.constant 4 : i32
    %dma_wait3A_173 = arith.constant 512 : i32
    %dma_wait3A_174 = arith.constant 0 : i32
    %dma_wait3A_175 = tpu.memref_slice %arg10[%dma_wait3A_170, %dma_wait3A_173, %dma_wait3A_174] : memref<2x768x16xf32, #tpu.memory_space<vmem>> -> memref<1x128x16xf32, #tpu.memory_space<vmem>>
    %dma_wait3A_176 = tpu.memref_squeeze %dma_wait3A_175 : memref<1x128x16xf32, #tpu.memory_space<vmem>> -> memref<128x16xf32, #tpu.memory_space<vmem>>
    %dma_wait3A_177 = arith.constant 0 : i32
    %dma_wait3A_178 = tpu.memref_slice %arg9[%dma_wait3A_171, %dma_wait3A_172, %dma_wait3A_177] : memref<2x6x128xi32, #tpu.memory_space<vmem>> -> memref<1x1x128xi32, #tpu.memory_space<vmem>>
    %dma_wait3A_179 = tpu.memref_squeeze %dma_wait3A_178 : memref<1x1x128xi32, #tpu.memory_space<vmem>> -> memref<128xi32, #tpu.memory_space<vmem>>
    %dma_wait3A_180 = arith.constant 0 : i32
    %dma_wait3A_181 = arith.constant 0 : i32
    %dma_wait3A_182 = tpu.memref_slice %arg7[%dma_wait3A_180, %dma_wait3A_181] : memref<100096x16xf32, #tpu.memory_space<vmem_shared>> -> memref<100096x16xf32, #tpu.memory_space<vmem_shared>>
    tpu.wait_indirect_dma semaphore(%arg12 : memref<!tpu.dma_semaphore, #tpu.memory_space<semaphore_mem>>) src(%dma_wait3A_176 : memref<128x16xf32, #tpu.memory_space<vmem>>) dst(%dma_wait3A_182 : memref<100096x16xf32, #tpu.memory_space<vmem_shared>>)
    %dma_wait3A_183 = arith.constant 1 : i32
    %dma_wait3A_184 = arith.constant 1 : i32
    %dma_wait3A_185 = arith.constant 5 : i32
    %dma_wait3A_186 = arith.constant 640 : i32
    %dma_wait3A_187 = arith.constant 0 : i32
    %dma_wait3A_188 = tpu.memref_slice %arg10[%dma_wait3A_183, %dma_wait3A_186, %dma_wait3A_187] : memref<2x768x16xf32, #tpu.memory_space<vmem>> -> memref<1x128x16xf32, #tpu.memory_space<vmem>>
    %dma_wait3A_189 = tpu.memref_squeeze %dma_wait3A_188 : memref<1x128x16xf32, #tpu.memory_space<vmem>> -> memref<128x16xf32, #tpu.memory_space<vmem>>
    %dma_wait3A_190 = arith.constant 0 : i32
    %dma_wait3A_191 = tpu.memref_slice %arg9[%dma_wait3A_184, %dma_wait3A_185, %dma_wait3A_190] : memref<2x6x128xi32, #tpu.memory_space<vmem>> -> memref<1x1x128xi32, #tpu.memory_space<vmem>>
    %dma_wait3A_192 = tpu.memref_squeeze %dma_wait3A_191 : memref<1x1x128xi32, #tpu.memory_space<vmem>> -> memref<128xi32, #tpu.memory_space<vmem>>
    %dma_wait3A_193 = arith.constant 0 : i32
    %dma_wait3A_194 = arith.constant 0 : i32
    %dma_wait3A_195 = tpu.memref_slice %arg7[%dma_wait3A_193, %dma_wait3A_194] : memref<100096x16xf32, #tpu.memory_space<vmem_shared>> -> memref<100096x16xf32, #tpu.memory_space<vmem_shared>>
    tpu.wait_indirect_dma semaphore(%arg12 : memref<!tpu.dma_semaphore, #tpu.memory_space<semaphore_mem>>) src(%dma_wait3A_189 : memref<128x16xf32, #tpu.memory_space<vmem>>) dst(%dma_wait3A_195 : memref<100096x16xf32, #tpu.memory_space<vmem_shared>>)
    %dma_wait3A_196 = arith.constant 0 : i32
    %dma_wait3A_197 = arith.constant 0 : i32
    %dma_wait3A_198 = arith.constant 0 : i32
    %dma_wait3A_199 = tpu.memref_slice %arg8[%dma_wait3A_196, %dma_wait3A_197, %dma_wait3A_198] : memref<2x6x128xi32, #tpu.memory_space<vmem>> -> memref<1x6x128xi32, #tpu.memory_space<vmem>>
    %dma_wait3A_200 = tpu.memref_squeeze %dma_wait3A_199 : memref<1x6x128xi32, #tpu.memory_space<vmem>> -> memref<6x128xi32, #tpu.memory_space<vmem>>
    %dma_wait3A_201 = arith.constant 0 : i32
    %dma_wait3A_202 = arith.constant 0 : i32
    %dma_wait3A_203 = tpu.memref_slice %arg3[%dma_wait3A_201, %dma_wait3A_202] : memref<25344x128xi32, #tpu.memory_space<hbm>> -> memref<6x128xi32, #tpu.memory_space<hbm>>
    %dma_wait3A_204 = arith.constant 0 : i32
    %dma_wait3A_205 = arith.constant 0 : i32
    %dma_wait3A_206 = tpu.memref_slice %arg8[%dma_wait3A_196, %dma_wait3A_204, %dma_wait3A_205] : memref<2x6x128xi32, #tpu.memory_space<vmem>> -> memref<1x6x128xi32, #tpu.memory_space<vmem>>
    %dma_wait3A_207 = tpu.memref_squeeze %dma_wait3A_206 : memref<1x6x128xi32, #tpu.memory_space<vmem>> -> memref<6x128xi32, #tpu.memory_space<vmem>>
    %dma_wait3A_208 = arith.constant 0 : i32
    %dma_wait3A_209 = arith.constant 0 : i32
    %dma_wait3A_210 = tpu.memref_slice %arg3[%dma_wait3A_208, %dma_wait3A_209] : memref<25344x128xi32, #tpu.memory_space<hbm>> -> memref<6x128xi32, #tpu.memory_space<hbm>>
    tpu.wait_dma2 semaphore(%arg13 : memref<!tpu.dma_semaphore, #tpu.memory_space<semaphore_mem>>) src(%dma_wait3A_210 : memref<6x128xi32, #tpu.memory_space<hbm>>) dst(%dma_wait3A_207 : memref<6x128xi32, #tpu.memory_space<vmem>>)
    %dma_wait3A_211 = arith.constant 0 : i32
    %dma_wait3A_212 = arith.constant 0 : i32
    %dma_wait3A_213 = arith.constant 0 : i32
    %dma_wait3A_214 = tpu.memref_slice %arg9[%dma_wait3A_211, %dma_wait3A_212, %dma_wait3A_213] : memref<2x6x128xi32, #tpu.memory_space<vmem>> -> memref<1x6x128xi32, #tpu.memory_space<vmem>>
    %dma_wait3A_215 = tpu.memref_squeeze %dma_wait3A_214 : memref<1x6x128xi32, #tpu.memory_space<vmem>> -> memref<6x128xi32, #tpu.memory_space<vmem>>
    %dma_wait3A_216 = arith.constant 0 : i32
    %dma_wait3A_217 = arith.constant 0 : i32
    %dma_wait3A_218 = tpu.memref_slice %arg4[%dma_wait3A_216, %dma_wait3A_217] : memref<25344x128xi32, #tpu.memory_space<hbm>> -> memref<6x128xi32, #tpu.memory_space<hbm>>
    %dma_wait3A_219 = arith.constant 0 : i32
    %dma_wait3A_220 = arith.constant 0 : i32
    %dma_wait3A_221 = tpu.memref_slice %arg9[%dma_wait3A_211, %dma_wait3A_219, %dma_wait3A_220] : memref<2x6x128xi32, #tpu.memory_space<vmem>> -> memref<1x6x128xi32, #tpu.memory_space<vmem>>
    %dma_wait3A_222 = tpu.memref_squeeze %dma_wait3A_221 : memref<1x6x128xi32, #tpu.memory_space<vmem>> -> memref<6x128xi32, #tpu.memory_space<vmem>>
    %dma_wait3A_223 = arith.constant 0 : i32
    %dma_wait3A_224 = arith.constant 0 : i32
    %dma_wait3A_225 = tpu.memref_slice %arg4[%dma_wait3A_223, %dma_wait3A_224] : memref<25344x128xi32, #tpu.memory_space<hbm>> -> memref<6x128xi32, #tpu.memory_space<hbm>>
    tpu.wait_dma2 semaphore(%arg13 : memref<!tpu.dma_semaphore, #tpu.memory_space<semaphore_mem>>) src(%dma_wait3A_225 : memref<6x128xi32, #tpu.memory_space<hbm>>) dst(%dma_wait3A_222 : memref<6x128xi32, #tpu.memory_space<vmem>>)
    %barrier3A_226 = arith.constant 0 : index
    tpu.barrier barrier_id(%barrier3A_226)
    %mul3A_227 = arith.constant 6256 : i32
    %mul3A_228 = arith.muli %arg1, %mul3A_227 : i32
    %mul3A_229 = arith.constant 6256 : i32
    %mul3A_230 = arith.muli %arg1, %mul3A_229 : i32
    "tpu.region"() ({
      %run_scoped3A_231 = tpu.sem_alloc : memref<!tpu.dma_semaphore, #tpu.memory_space<semaphore_mem>>
      %dma_start3A_232 = arith.constant 0 : i32
      %dma_start3A_233 = tpu.memref_slice %arg6[%arg0, %mul3A_230, %dma_start3A_232] : memref<2x100096x16xf32, #tpu.memory_space<hbm>> -> memref<1x6256x16xf32, #tpu.memory_space<hbm>>
      %dma_start3A_234 = tpu.memref_squeeze %dma_start3A_233 : memref<1x6256x16xf32, #tpu.memory_space<hbm>> -> memref<6256x16xf32, #tpu.memory_space<hbm>>
      %dma_start3A_235 = arith.constant 0 : i32
      %dma_start3A_236 = tpu.memref_slice %arg7[%mul3A_228, %dma_start3A_235] : memref<100096x16xf32, #tpu.memory_space<vmem_shared>> -> memref<6256x16xf32, #tpu.memory_space<vmem_shared>>
      tpu.enqueue_dma source(%dma_start3A_236 : memref<6256x16xf32, #tpu.memory_space<vmem_shared>>) target(%dma_start3A_234 : memref<6256x16xf32, #tpu.memory_space<hbm>>) target_semaphore(%run_scoped3A_231 : memref<!tpu.dma_semaphore, #tpu.memory_space<semaphore_mem>>)
      %dma_wait3A_237 = arith.constant 0 : i32
      %dma_wait3A_238 = tpu.memref_slice %arg6[%arg0, %mul3A_230, %dma_wait3A_237] : memref<2x100096x16xf32, #tpu.memory_space<hbm>> -> memref<1x6256x16xf32, #tpu.memory_space<hbm>>
      %dma_wait3A_239 = tpu.memref_squeeze %dma_wait3A_238 : memref<1x6256x16xf32, #tpu.memory_space<hbm>> -> memref<6256x16xf32, #tpu.memory_space<hbm>>
      %dma_wait3A_240 = arith.constant 0 : i32
      %dma_wait3A_241 = tpu.memref_slice %arg7[%mul3A_228, %dma_wait3A_240] : memref<100096x16xf32, #tpu.memory_space<vmem_shared>> -> memref<6256x16xf32, #tpu.memory_space<vmem_shared>>
      tpu.wait_dma2 semaphore(%run_scoped3A_231 : memref<!tpu.dma_semaphore, #tpu.memory_space<semaphore_mem>>) src(%dma_wait3A_241 : memref<6256x16xf32, #tpu.memory_space<vmem_shared>>) dst(%dma_wait3A_239 : memref<6256x16xf32, #tpu.memory_space<hbm>>)
      tpu.yield
    }) : () -> ()
    return
  }
}

module attributes {stable_mosaic.version = 14 : i64} {
  func.func @body(%arg0: i32, %arg1: memref<4000x2xf32, #tpu.memory_space<vmem>>, %arg2: memref<2x32xf32, #tpu.memory_space<vmem>>, %arg3: memref<1x32xf32, #tpu.memory_space<vmem>>, %arg4: memref<32x16xf32, #tpu.memory_space<vmem>>, %arg5: memref<1x16xf32, #tpu.memory_space<vmem>>, %arg6: memref<16x16xf32, #tpu.memory_space<vmem>>, %arg7: memref<1x16xf32, #tpu.memory_space<vmem>>, %arg8: memref<16x32xf32, #tpu.memory_space<vmem>>, %arg9: memref<1x32xf32, #tpu.memory_space<vmem>>, %arg10: memref<32x16xf32, #tpu.memory_space<vmem>>, %arg11: memref<1x16xf32, #tpu.memory_space<vmem>>, %arg12: memref<16x16xf32, #tpu.memory_space<vmem>>, %arg13: memref<1x16xf32, #tpu.memory_space<vmem>>, %arg14: memref<4000x16xf32, #tpu.memory_space<vmem>>, %arg15: memref<4000x16xf32, #tpu.memory_space<vmem>>) attributes {dimension_semantics = [#tpu.dimension_semantics<arbitrary>], iteration_bounds = array<i64: 25>, scalar_prefetch = 0 : i64, scratch_operands = 0 : i64, tpu.core_type = #tpu.core_type<tc>, window_params = [{transform_indices = @transform_0, window_bounds = array<i64: 4000, 2>}, {pipeline_mode = #tpu.pipeline_mode<synchronous>, transform_indices = @transform_1, window_bounds = array<i64: 2, 32>}, {pipeline_mode = #tpu.pipeline_mode<synchronous>, transform_indices = @transform_2, window_bounds = array<i64: 1, 32>}, {pipeline_mode = #tpu.pipeline_mode<synchronous>, transform_indices = @transform_3, window_bounds = array<i64: 32, 16>}, {pipeline_mode = #tpu.pipeline_mode<synchronous>, transform_indices = @transform_4, window_bounds = array<i64: 1, 16>}, {pipeline_mode = #tpu.pipeline_mode<synchronous>, transform_indices = @transform_5, window_bounds = array<i64: 16, 16>}, {pipeline_mode = #tpu.pipeline_mode<synchronous>, transform_indices = @transform_6, window_bounds = array<i64: 1, 16>}, {pipeline_mode = #tpu.pipeline_mode<synchronous>, transform_indices = @transform_7, window_bounds = array<i64: 16, 32>}, {pipeline_mode = #tpu.pipeline_mode<synchronous>, transform_indices = @transform_8, window_bounds = array<i64: 1, 32>}, {pipeline_mode = #tpu.pipeline_mode<synchronous>, transform_indices = @transform_9, window_bounds = array<i64: 32, 16>}, {pipeline_mode = #tpu.pipeline_mode<synchronous>, transform_indices = @transform_10, window_bounds = array<i64: 1, 16>}, {pipeline_mode = #tpu.pipeline_mode<synchronous>, transform_indices = @transform_11, window_bounds = array<i64: 16, 16>}, {pipeline_mode = #tpu.pipeline_mode<synchronous>, transform_indices = @transform_12, window_bounds = array<i64: 1, 16>}, {transform_indices = @transform_13, window_bounds = array<i64: 4000, 16>}, {transform_indices = @transform_14, window_bounds = array<i64: 4000, 16>}]} {
    %get3A = arith.constant 0 : index
    %get3A_0 = arith.constant 0 : index
    %get3A_1 = vector.load %arg1[%get3A, %get3A_0] : memref<4000x2xf32, #tpu.memory_space<vmem>>, vector<4000x2xf32>
    %get3A_2 = arith.constant 0 : index
    %get3A_3 = arith.constant 0 : index
    %get3A_4 = vector.load %arg2[%get3A_2, %get3A_3] : memref<2x32xf32, #tpu.memory_space<vmem>>, vector<2x32xf32>
    %get3A_5 = arith.constant 0 : index
    %get3A_6 = arith.constant 0 : index
    %get3A_7 = vector.load %arg3[%get3A_5, %get3A_6] : memref<1x32xf32, #tpu.memory_space<vmem>>, vector<1x32xf32>
    %get3A_8 = arith.constant 0 : index
    %get3A_9 = arith.constant 0 : index
    %get3A_10 = vector.load %arg4[%get3A_8, %get3A_9] : memref<32x16xf32, #tpu.memory_space<vmem>>, vector<32x16xf32>
    %get3A_11 = arith.constant 0 : index
    %get3A_12 = arith.constant 0 : index
    %get3A_13 = vector.load %arg5[%get3A_11, %get3A_12] : memref<1x16xf32, #tpu.memory_space<vmem>>, vector<1x16xf32>
    %get3A_14 = arith.constant 0 : index
    %get3A_15 = arith.constant 0 : index
    %get3A_16 = vector.load %arg6[%get3A_14, %get3A_15] : memref<16x16xf32, #tpu.memory_space<vmem>>, vector<16x16xf32>
    %get3A_17 = arith.constant 0 : index
    %get3A_18 = arith.constant 0 : index
    %get3A_19 = vector.load %arg7[%get3A_17, %get3A_18] : memref<1x16xf32, #tpu.memory_space<vmem>>, vector<1x16xf32>
    %convert_element_type3A = arith.truncf %get3A_1 : vector<4000x2xf32> to vector<4000x2xbf16>
    %convert_element_type3A_20 = arith.truncf %get3A_4 : vector<2x32xf32> to vector<2x32xbf16>
    %dot_general3A = arith.constant dense<0.000000e+00> : vector<4000x32xf32>
    %dot_general3A_21 = tpu.matmul %convert_element_type3A, %convert_element_type3A_20, %dot_general3A {dimension_numbers = #tpu.dot_dimension_numbers<[1], [0], [0], [1], [0, 0, 1, 1], [], []>, transpose_lhs_hint = false} : vector<4000x2xbf16>, vector<2x32xbf16>, vector<4000x32xf32> -> vector<4000x32xf32>
    %add3A = vector.broadcast %get3A_7 : vector<1x32xf32> to vector<4000x32xf32>
    %add3A_22 = arith.addf %dot_general3A_21, %add3A : vector<4000x32xf32>
    %tanh3A = math.tanh %add3A_22 : vector<4000x32xf32>
    %convert_element_type3A_23 = arith.truncf %tanh3A : vector<4000x32xf32> to vector<4000x32xbf16>
    %convert_element_type3A_24 = arith.truncf %get3A_10 : vector<32x16xf32> to vector<32x16xbf16>
    %dot_general3A_25 = arith.constant dense<0.000000e+00> : vector<4000x16xf32>
    %dot_general3A_26 = tpu.matmul %convert_element_type3A_23, %convert_element_type3A_24, %dot_general3A_25 {dimension_numbers = #tpu.dot_dimension_numbers<[1], [0], [0], [1], [0, 0, 1, 1], [], []>, transpose_lhs_hint = false} : vector<4000x32xbf16>, vector<32x16xbf16>, vector<4000x16xf32> -> vector<4000x16xf32>
    %add3A_27 = vector.broadcast %get3A_13 : vector<1x16xf32> to vector<4000x16xf32>
    %add3A_28 = arith.addf %dot_general3A_26, %add3A_27 : vector<4000x16xf32>
    %tanh3A_29 = math.tanh %add3A_28 : vector<4000x16xf32>
    %convert_element_type3A_30 = arith.truncf %tanh3A_29 : vector<4000x16xf32> to vector<4000x16xbf16>
    %convert_element_type3A_31 = arith.truncf %get3A_16 : vector<16x16xf32> to vector<16x16xbf16>
    %dot_general3A_32 = arith.constant dense<0.000000e+00> : vector<4000x16xf32>
    %dot_general3A_33 = tpu.matmul %convert_element_type3A_30, %convert_element_type3A_31, %dot_general3A_32 {dimension_numbers = #tpu.dot_dimension_numbers<[1], [0], [0], [1], [0, 0, 1, 1], [], []>, transpose_lhs_hint = false} : vector<4000x16xbf16>, vector<16x16xbf16>, vector<4000x16xf32> -> vector<4000x16xf32>
    %add3A_34 = vector.broadcast %get3A_19 : vector<1x16xf32> to vector<4000x16xf32>
    %add3A_35 = arith.addf %dot_general3A_33, %add3A_34 : vector<4000x16xf32>
    %swap3A = arith.constant 0 : index
    %swap3A_36 = arith.constant 0 : index
    %swap3A_37 = vector.load %arg14[%swap3A, %swap3A_36] : memref<4000x16xf32, #tpu.memory_space<vmem>>, vector<4000x16xf32>
    tpu.vector_store %arg14[%swap3A, %swap3A_36], %add3A_35 {strides = array<i32>} : memref<4000x16xf32, #tpu.memory_space<vmem>>, vector<4000x16xf32>,
    %get3A_38 = arith.constant 0 : index
    %get3A_39 = arith.constant 0 : index
    %get3A_40 = vector.load %arg8[%get3A_38, %get3A_39] : memref<16x32xf32, #tpu.memory_space<vmem>>, vector<16x32xf32>
    %get3A_41 = arith.constant 0 : index
    %get3A_42 = arith.constant 0 : index
    %get3A_43 = vector.load %arg9[%get3A_41, %get3A_42] : memref<1x32xf32, #tpu.memory_space<vmem>>, vector<1x32xf32>
    %get3A_44 = arith.constant 0 : index
    %get3A_45 = arith.constant 0 : index
    %get3A_46 = vector.load %arg10[%get3A_44, %get3A_45] : memref<32x16xf32, #tpu.memory_space<vmem>>, vector<32x16xf32>
    %get3A_47 = arith.constant 0 : index
    %get3A_48 = arith.constant 0 : index
    %get3A_49 = vector.load %arg11[%get3A_47, %get3A_48] : memref<1x16xf32, #tpu.memory_space<vmem>>, vector<1x16xf32>
    %get3A_50 = arith.constant 0 : index
    %get3A_51 = arith.constant 0 : index
    %get3A_52 = vector.load %arg12[%get3A_50, %get3A_51] : memref<16x16xf32, #tpu.memory_space<vmem>>, vector<16x16xf32>
    %get3A_53 = arith.constant 0 : index
    %get3A_54 = arith.constant 0 : index
    %get3A_55 = vector.load %arg13[%get3A_53, %get3A_54] : memref<1x16xf32, #tpu.memory_space<vmem>>, vector<1x16xf32>
    %convert_element_type3A_56 = arith.truncf %add3A_35 : vector<4000x16xf32> to vector<4000x16xbf16>
    %convert_element_type3A_57 = arith.truncf %get3A_40 : vector<16x32xf32> to vector<16x32xbf16>
    %dot_general3A_58 = arith.constant dense<0.000000e+00> : vector<4000x32xf32>
    %dot_general3A_59 = tpu.matmul %convert_element_type3A_56, %convert_element_type3A_57, %dot_general3A_58 {dimension_numbers = #tpu.dot_dimension_numbers<[1], [0], [0], [1], [0, 0, 1, 1], [], []>, transpose_lhs_hint = false} : vector<4000x16xbf16>, vector<16x32xbf16>, vector<4000x32xf32> -> vector<4000x32xf32>
    %add3A_60 = vector.broadcast %get3A_43 : vector<1x32xf32> to vector<4000x32xf32>
    %add3A_61 = arith.addf %dot_general3A_59, %add3A_60 : vector<4000x32xf32>
    %tanh3A_62 = math.tanh %add3A_61 : vector<4000x32xf32>
    %convert_element_type3A_63 = arith.truncf %tanh3A_62 : vector<4000x32xf32> to vector<4000x32xbf16>
    %convert_element_type3A_64 = arith.truncf %get3A_46 : vector<32x16xf32> to vector<32x16xbf16>
    %dot_general3A_65 = arith.constant dense<0.000000e+00> : vector<4000x16xf32>
    %dot_general3A_66 = tpu.matmul %convert_element_type3A_63, %convert_element_type3A_64, %dot_general3A_65 {dimension_numbers = #tpu.dot_dimension_numbers<[1], [0], [0], [1], [0, 0, 1, 1], [], []>, transpose_lhs_hint = false} : vector<4000x32xbf16>, vector<32x16xbf16>, vector<4000x16xf32> -> vector<4000x16xf32>
    %add3A_67 = vector.broadcast %get3A_49 : vector<1x16xf32> to vector<4000x16xf32>
    %add3A_68 = arith.addf %dot_general3A_66, %add3A_67 : vector<4000x16xf32>
    %tanh3A_69 = math.tanh %add3A_68 : vector<4000x16xf32>
    %convert_element_type3A_70 = arith.truncf %tanh3A_69 : vector<4000x16xf32> to vector<4000x16xbf16>
    %convert_element_type3A_71 = arith.truncf %get3A_52 : vector<16x16xf32> to vector<16x16xbf16>
    %dot_general3A_72 = arith.constant dense<0.000000e+00> : vector<4000x16xf32>
    %dot_general3A_73 = tpu.matmul %convert_element_type3A_70, %convert_element_type3A_71, %dot_general3A_72 {dimension_numbers = #tpu.dot_dimension_numbers<[1], [0], [0], [1], [0, 0, 1, 1], [], []>, transpose_lhs_hint = false} : vector<4000x16xbf16>, vector<16x16xbf16>, vector<4000x16xf32> -> vector<4000x16xf32>
    %add3A_74 = vector.broadcast %get3A_55 : vector<1x16xf32> to vector<4000x16xf32>
    %add3A_75 = arith.addf %dot_general3A_73, %add3A_74 : vector<4000x16xf32>
    %swap3A_76 = arith.constant 0 : index
    %swap3A_77 = arith.constant 0 : index
    %swap3A_78 = vector.load %arg15[%swap3A_76, %swap3A_77] : memref<4000x16xf32, #tpu.memory_space<vmem>>, vector<4000x16xf32>
    tpu.vector_store %arg15[%swap3A_76, %swap3A_77], %add3A_75 {strides = array<i32>} : memref<4000x16xf32, #tpu.memory_space<vmem>>, vector<4000x16xf32>,
    return
  }
  func.func @transform_0(%arg0: i32) -> (i32, i32) {
    %c0_i32 = arith.constant 0 : i32
    %c0_i32_0 = arith.constant 0 : i32
    return %arg0, %c0_i32 : i32, i32
  }
  func.func @transform_1(%arg0: i32) -> (i32, i32) {
    %c0_i32 = arith.constant 0 : i32
    %c0_i32_0 = arith.constant 0 : i32
    %c0_i32_1 = arith.constant 0 : i32
    return %c0_i32, %c0_i32_0 : i32, i32
  }
  func.func @transform_2(%arg0: i32) -> (i32, i32) {
    %c0_i32 = arith.constant 0 : i32
    %c0_i32_0 = arith.constant 0 : i32
    %c0_i32_1 = arith.constant 0 : i32
    return %c0_i32, %c0_i32_0 : i32, i32
  }
  func.func @transform_3(%arg0: i32) -> (i32, i32) {
    %c0_i32 = arith.constant 0 : i32
    %c0_i32_0 = arith.constant 0 : i32
    %c0_i32_1 = arith.constant 0 : i32
    return %c0_i32, %c0_i32_0 : i32, i32
  }
  func.func @transform_4(%arg0: i32) -> (i32, i32) {
    %c0_i32 = arith.constant 0 : i32
    %c0_i32_0 = arith.constant 0 : i32
    %c0_i32_1 = arith.constant 0 : i32
    return %c0_i32, %c0_i32_0 : i32, i32
  }
  func.func @transform_5(%arg0: i32) -> (i32, i32) {
    %c0_i32 = arith.constant 0 : i32
    %c0_i32_0 = arith.constant 0 : i32
    %c0_i32_1 = arith.constant 0 : i32
    return %c0_i32, %c0_i32_0 : i32, i32
  }
  func.func @transform_6(%arg0: i32) -> (i32, i32) {
    %c0_i32 = arith.constant 0 : i32
    %c0_i32_0 = arith.constant 0 : i32
    %c0_i32_1 = arith.constant 0 : i32
    return %c0_i32, %c0_i32_0 : i32, i32
  }
  func.func @transform_7(%arg0: i32) -> (i32, i32) {
    %c0_i32 = arith.constant 0 : i32
    %c0_i32_0 = arith.constant 0 : i32
    %c0_i32_1 = arith.constant 0 : i32
    return %c0_i32, %c0_i32_0 : i32, i32
  }
  func.func @transform_8(%arg0: i32) -> (i32, i32) {
    %c0_i32 = arith.constant 0 : i32
    %c0_i32_0 = arith.constant 0 : i32
    %c0_i32_1 = arith.constant 0 : i32
    return %c0_i32, %c0_i32_0 : i32, i32
  }
  func.func @transform_9(%arg0: i32) -> (i32, i32) {
    %c0_i32 = arith.constant 0 : i32
    %c0_i32_0 = arith.constant 0 : i32
    %c0_i32_1 = arith.constant 0 : i32
    return %c0_i32, %c0_i32_0 : i32, i32
  }
  func.func @transform_10(%arg0: i32) -> (i32, i32) {
    %c0_i32 = arith.constant 0 : i32
    %c0_i32_0 = arith.constant 0 : i32
    %c0_i32_1 = arith.constant 0 : i32
    return %c0_i32, %c0_i32_0 : i32, i32
  }
  func.func @transform_11(%arg0: i32) -> (i32, i32) {
    %c0_i32 = arith.constant 0 : i32
    %c0_i32_0 = arith.constant 0 : i32
    %c0_i32_1 = arith.constant 0 : i32
    return %c0_i32, %c0_i32_0 : i32, i32
  }
  func.func @transform_12(%arg0: i32) -> (i32, i32) {
    %c0_i32 = arith.constant 0 : i32
    %c0_i32_0 = arith.constant 0 : i32
    %c0_i32_1 = arith.constant 0 : i32
    return %c0_i32, %c0_i32_0 : i32, i32
  }
  func.func @transform_13(%arg0: i32) -> (i32, i32) {
    %c0_i32 = arith.constant 0 : i32
    %c0_i32_0 = arith.constant 0 : i32
    return %arg0, %c0_i32 : i32, i32
  }
  func.func @transform_14(%arg0: i32) -> (i32, i32) {
    %c0_i32 = arith.constant 0 : i32
    %c0_i32_0 = arith.constant 0 : i32
    return %arg0, %c0_i32 : i32, i32
  }
}

module attributes {stable_mosaic.version = 14 : i64} {
  func.func @body(%arg0: i32, %arg1: memref<1x4000x16xf32, #tpu.memory_space<vmem>>, %arg2: memref<1x4000x16xf32, #tpu.memory_space<vmem>>, %arg3: memref<4000x16xf32, #tpu.memory_space<vmem>>, %arg4: memref<4000x2xf32, #tpu.memory_space<vmem>>, %arg5: memref<16x32xf32, #tpu.memory_space<vmem>>, %arg6: memref<1x32xf32, #tpu.memory_space<vmem>>, %arg7: memref<32x16xf32, #tpu.memory_space<vmem>>, %arg8: memref<1x16xf32, #tpu.memory_space<vmem>>, %arg9: memref<16x16xf32, #tpu.memory_space<vmem>>, %arg10: memref<1x16xf32, #tpu.memory_space<vmem>>, %arg11: memref<4000x16xf32, #tpu.memory_space<vmem>>, %arg12: memref<1x40x18xf32, #tpu.memory_space<vmem>>) attributes {dimension_semantics = [#tpu.dimension_semantics<arbitrary>], iteration_bounds = array<i64: 25>, scalar_prefetch = 0 : i64, scratch_operands = 0 : i64, tpu.core_type = #tpu.core_type<tc>, window_params = [{transform_indices = @transform_0, window_bounds = array<i64: 1, 4000, 16>}, {transform_indices = @transform_1, window_bounds = array<i64: 1, 4000, 16>}, {transform_indices = @transform_2, window_bounds = array<i64: 4000, 16>}, {transform_indices = @transform_3, window_bounds = array<i64: 4000, 2>}, {pipeline_mode = #tpu.pipeline_mode<synchronous>, transform_indices = @transform_4, window_bounds = array<i64: 16, 32>}, {pipeline_mode = #tpu.pipeline_mode<synchronous>, transform_indices = @transform_5, window_bounds = array<i64: 1, 32>}, {pipeline_mode = #tpu.pipeline_mode<synchronous>, transform_indices = @transform_6, window_bounds = array<i64: 32, 16>}, {pipeline_mode = #tpu.pipeline_mode<synchronous>, transform_indices = @transform_7, window_bounds = array<i64: 1, 16>}, {pipeline_mode = #tpu.pipeline_mode<synchronous>, transform_indices = @transform_8, window_bounds = array<i64: 16, 16>}, {pipeline_mode = #tpu.pipeline_mode<synchronous>, transform_indices = @transform_9, window_bounds = array<i64: 1, 16>}, {transform_indices = @transform_10, window_bounds = array<i64: 4000, 16>}, {transform_indices = @transform_11, window_bounds = array<i64: 1, 40, 18>}]} {
    %get3A = arith.constant 0 : index
    %get3A_0 = arith.constant 0 : index
    %get3A_1 = arith.constant 0 : index
    %get3A_2 = vector.load %arg1[%get3A, %get3A_0, %get3A_1] : memref<1x4000x16xf32, #tpu.memory_space<vmem>>, vector<1x4000x16xf32>
    %get3A_3 = vector.shape_cast %get3A_2 : vector<1x4000x16xf32> to vector<4000x16xf32>
    %get3A_4 = arith.constant 0 : index
    %get3A_5 = arith.constant 0 : index
    %get3A_6 = arith.constant 0 : index
    %get3A_7 = vector.load %arg2[%get3A_4, %get3A_5, %get3A_6] : memref<1x4000x16xf32, #tpu.memory_space<vmem>>, vector<1x4000x16xf32>
    %get3A_8 = vector.shape_cast %get3A_7 : vector<1x4000x16xf32> to vector<4000x16xf32>
    %add3A = arith.addf %get3A_3, %get3A_8 : vector<4000x16xf32>
    %get3A_9 = arith.constant 0 : index
    %get3A_10 = arith.constant 0 : index
    %get3A_11 = vector.load %arg5[%get3A_9, %get3A_10] : memref<16x32xf32, #tpu.memory_space<vmem>>, vector<16x32xf32>
    %get3A_12 = arith.constant 0 : index
    %get3A_13 = arith.constant 0 : index
    %get3A_14 = vector.load %arg6[%get3A_12, %get3A_13] : memref<1x32xf32, #tpu.memory_space<vmem>>, vector<1x32xf32>
    %get3A_15 = arith.constant 0 : index
    %get3A_16 = arith.constant 0 : index
    %get3A_17 = vector.load %arg7[%get3A_15, %get3A_16] : memref<32x16xf32, #tpu.memory_space<vmem>>, vector<32x16xf32>
    %get3A_18 = arith.constant 0 : index
    %get3A_19 = arith.constant 0 : index
    %get3A_20 = vector.load %arg8[%get3A_18, %get3A_19] : memref<1x16xf32, #tpu.memory_space<vmem>>, vector<1x16xf32>
    %get3A_21 = arith.constant 0 : index
    %get3A_22 = arith.constant 0 : index
    %get3A_23 = vector.load %arg9[%get3A_21, %get3A_22] : memref<16x16xf32, #tpu.memory_space<vmem>>, vector<16x16xf32>
    %get3A_24 = arith.constant 0 : index
    %get3A_25 = arith.constant 0 : index
    %get3A_26 = vector.load %arg10[%get3A_24, %get3A_25] : memref<1x16xf32, #tpu.memory_space<vmem>>, vector<1x16xf32>
    %convert_element_type3A = arith.truncf %add3A : vector<4000x16xf32> to vector<4000x16xbf16>
    %convert_element_type3A_27 = arith.truncf %get3A_11 : vector<16x32xf32> to vector<16x32xbf16>
    %dot_general3A = arith.constant dense<0.000000e+00> : vector<4000x32xf32>
    %dot_general3A_28 = tpu.matmul %convert_element_type3A, %convert_element_type3A_27, %dot_general3A {dimension_numbers = #tpu.dot_dimension_numbers<[1], [0], [0], [1], [0, 0, 1, 1], [], []>, transpose_lhs_hint = false} : vector<4000x16xbf16>, vector<16x32xbf16>, vector<4000x32xf32> -> vector<4000x32xf32>
    %add3A_29 = vector.broadcast %get3A_14 : vector<1x32xf32> to vector<4000x32xf32>
    %add3A_30 = arith.addf %dot_general3A_28, %add3A_29 : vector<4000x32xf32>
    %tanh3A = math.tanh %add3A_30 : vector<4000x32xf32>
    %convert_element_type3A_31 = arith.truncf %tanh3A : vector<4000x32xf32> to vector<4000x32xbf16>
    %convert_element_type3A_32 = arith.truncf %get3A_17 : vector<32x16xf32> to vector<32x16xbf16>
    %dot_general3A_33 = arith.constant dense<0.000000e+00> : vector<4000x16xf32>
    %dot_general3A_34 = tpu.matmul %convert_element_type3A_31, %convert_element_type3A_32, %dot_general3A_33 {dimension_numbers = #tpu.dot_dimension_numbers<[1], [0], [0], [1], [0, 0, 1, 1], [], []>, transpose_lhs_hint = false} : vector<4000x32xbf16>, vector<32x16xbf16>, vector<4000x16xf32> -> vector<4000x16xf32>
    %add3A_35 = vector.broadcast %get3A_20 : vector<1x16xf32> to vector<4000x16xf32>
    %add3A_36 = arith.addf %dot_general3A_34, %add3A_35 : vector<4000x16xf32>
    %tanh3A_37 = math.tanh %add3A_36 : vector<4000x16xf32>
    %convert_element_type3A_38 = arith.truncf %tanh3A_37 : vector<4000x16xf32> to vector<4000x16xbf16>
    %convert_element_type3A_39 = arith.truncf %get3A_23 : vector<16x16xf32> to vector<16x16xbf16>
    %dot_general3A_40 = arith.constant dense<0.000000e+00> : vector<4000x16xf32>
    %dot_general3A_41 = tpu.matmul %convert_element_type3A_38, %convert_element_type3A_39, %dot_general3A_40 {dimension_numbers = #tpu.dot_dimension_numbers<[1], [0], [0], [1], [0, 0, 1, 1], [], []>, transpose_lhs_hint = false} : vector<4000x16xbf16>, vector<16x16xbf16>, vector<4000x16xf32> -> vector<4000x16xf32>
    %add3A_42 = vector.broadcast %get3A_26 : vector<1x16xf32> to vector<4000x16xf32>
    %add3A_43 = arith.addf %dot_general3A_41, %add3A_42 : vector<4000x16xf32>
    %get3A_44 = arith.constant 0 : index
    %get3A_45 = arith.constant 0 : index
    %get3A_46 = vector.load %arg3[%get3A_44, %get3A_45] : memref<4000x16xf32, #tpu.memory_space<vmem>>, vector<4000x16xf32>
    %add3A_47 = arith.addf %get3A_46, %add3A_43 : vector<4000x16xf32>
    %swap3A = arith.constant 0 : index
    %swap3A_48 = arith.constant 0 : index
    %swap3A_49 = vector.load %arg11[%swap3A, %swap3A_48] : memref<4000x16xf32, #tpu.memory_space<vmem>>, vector<4000x16xf32>
    tpu.vector_store %arg11[%swap3A, %swap3A_48], %add3A_47 {strides = array<i32>} : memref<4000x16xf32, #tpu.memory_space<vmem>>, vector<4000x16xf32>,
    %get3A_50 = arith.constant 0 : index
    %get3A_51 = arith.constant 0 : index
    %get3A_52 = vector.load %arg4[%get3A_50, %get3A_51] : memref<4000x2xf32, #tpu.memory_space<vmem>>, vector<4000x2xf32>
    %concatenate3A = tpu.concatenate %get3A_52, %add3A_47 in 1 : vector<4000x2xf32>, vector<4000x16xf32> -> vector<4000x18xf32>
    %reshape3A = vector.shape_cast %concatenate3A : vector<4000x18xf32> to vector<40x100x18xf32>
    %reduce_sum3A = arith.constant dense<0.000000e+00> : vector<40x18xf32>
    %reduce_sum3A_53 = vector.multi_reduction <add>, %reshape3A, %reduce_sum3A [1] : vector<40x100x18xf32> to vector<40x18xf32>
    %reshape3A_54 = vector.shape_cast %reduce_sum3A_53 : vector<40x18xf32> to vector<1x40x18xf32>
    %swap3A_55 = arith.constant 0 : index
    %swap3A_56 = arith.constant 0 : index
    %swap3A_57 = arith.constant 0 : index
    %swap3A_58 = vector.load %arg12[%swap3A_55, %swap3A_56, %swap3A_57] : memref<1x40x18xf32, #tpu.memory_space<vmem>>, vector<1x40x18xf32>
    tpu.vector_store %arg12[%swap3A_55, %swap3A_56, %swap3A_57], %reshape3A_54 {strides = array<i32>} : memref<1x40x18xf32, #tpu.memory_space<vmem>>, vector<1x40x18xf32>,
    return
  }
  func.func @transform_0(%arg0: i32) -> (i32, i32, i32) {
    %c0_i32 = arith.constant 0 : i32
    %c0_i32_0 = arith.constant 0 : i32
    %c0_i32_1 = arith.constant 0 : i32
    return %c0_i32, %arg0, %c0_i32_0 : i32, i32, i32
  }
  func.func @transform_1(%arg0: i32) -> (i32, i32, i32) {
    %c1_i32 = arith.constant 1 : i32
    %c0_i32 = arith.constant 0 : i32
    %c0_i32_0 = arith.constant 0 : i32
    return %c1_i32, %arg0, %c0_i32 : i32, i32, i32
  }
  func.func @transform_2(%arg0: i32) -> (i32, i32) {
    %c0_i32 = arith.constant 0 : i32
    %c0_i32_0 = arith.constant 0 : i32
    return %arg0, %c0_i32 : i32, i32
  }
  func.func @transform_3(%arg0: i32) -> (i32, i32) {
    %c0_i32 = arith.constant 0 : i32
    %c0_i32_0 = arith.constant 0 : i32
    return %arg0, %c0_i32 : i32, i32
  }
  func.func @transform_4(%arg0: i32) -> (i32, i32) {
    %c0_i32 = arith.constant 0 : i32
    %c0_i32_0 = arith.constant 0 : i32
    %c0_i32_1 = arith.constant 0 : i32
    return %c0_i32, %c0_i32_0 : i32, i32
  }
  func.func @transform_5(%arg0: i32) -> (i32, i32) {
    %c0_i32 = arith.constant 0 : i32
    %c0_i32_0 = arith.constant 0 : i32
    %c0_i32_1 = arith.constant 0 : i32
    return %c0_i32, %c0_i32_0 : i32, i32
  }
  func.func @transform_6(%arg0: i32) -> (i32, i32) {
    %c0_i32 = arith.constant 0 : i32
    %c0_i32_0 = arith.constant 0 : i32
    %c0_i32_1 = arith.constant 0 : i32
    return %c0_i32, %c0_i32_0 : i32, i32
  }
  func.func @transform_7(%arg0: i32) -> (i32, i32) {
    %c0_i32 = arith.constant 0 : i32
    %c0_i32_0 = arith.constant 0 : i32
    %c0_i32_1 = arith.constant 0 : i32
    return %c0_i32, %c0_i32_0 : i32, i32
  }
  func.func @transform_8(%arg0: i32) -> (i32, i32) {
    %c0_i32 = arith.constant 0 : i32
    %c0_i32_0 = arith.constant 0 : i32
    %c0_i32_1 = arith.constant 0 : i32
    return %c0_i32, %c0_i32_0 : i32, i32
  }
  func.func @transform_9(%arg0: i32) -> (i32, i32) {
    %c0_i32 = arith.constant 0 : i32
    %c0_i32_0 = arith.constant 0 : i32
    %c0_i32_1 = arith.constant 0 : i32
    return %c0_i32, %c0_i32_0 : i32, i32
  }
  func.func @transform_10(%arg0: i32) -> (i32, i32) {
    %c0_i32 = arith.constant 0 : i32
    %c0_i32_0 = arith.constant 0 : i32
    return %arg0, %c0_i32 : i32, i32
  }
  func.func @transform_11(%arg0: i32) -> (i32, i32, i32) {
    %c0_i32 = arith.constant 0 : i32
    %c0_i32_0 = arith.constant 0 : i32
    %c0_i32_1 = arith.constant 0 : i32
    return %arg0, %c0_i32, %c0_i32_0 : i32, i32, i32
  }
}

module attributes {stable_mosaic.version = 14 : i64} {
  func.func @body(%arg0: i32, %arg1: memref<1000x2xf32, #tpu.memory_space<vmem>>, %arg2: memref<1000x18xf32, #tpu.memory_space<vmem>>, %arg3: memref<1x1xf32, #tpu.memory_space<vmem>>, %arg4: memref<20x32xf32, #tpu.memory_space<vmem>>, %arg5: memref<1x32xf32, #tpu.memory_space<vmem>>, %arg6: memref<32x16xf32, #tpu.memory_space<vmem>>, %arg7: memref<1x16xf32, #tpu.memory_space<vmem>>, %arg8: memref<16x16xf32, #tpu.memory_space<vmem>>, %arg9: memref<1x16xf32, #tpu.memory_space<vmem>>, %arg10: memref<17x32xf32, #tpu.memory_space<vmem>>, %arg11: memref<1x32xf32, #tpu.memory_space<vmem>>, %arg12: memref<32x16xf32, #tpu.memory_space<vmem>>, %arg13: memref<1x16xf32, #tpu.memory_space<vmem>>, %arg14: memref<16x16xf32, #tpu.memory_space<vmem>>, %arg15: memref<1x16xf32, #tpu.memory_space<vmem>>, %arg16: memref<1000x16xf32, #tpu.memory_space<vmem>>, %arg17: memref<1x16xf32, #tpu.memory_space<vmem>>) attributes {dimension_semantics = [#tpu.dimension_semantics<arbitrary>], iteration_bounds = array<i64: 1>, scalar_prefetch = 0 : i64, scratch_operands = 0 : i64, tpu.core_type = #tpu.core_type<tc>, window_params = [{pipeline_mode = #tpu.pipeline_mode<synchronous>, transform_indices = @transform_0, window_bounds = array<i64: 1000, 2>}, {pipeline_mode = #tpu.pipeline_mode<synchronous>, transform_indices = @transform_1, window_bounds = array<i64: 1000, 18>}, {pipeline_mode = #tpu.pipeline_mode<synchronous>, transform_indices = @transform_2, window_bounds = array<i64: 1, 1>}, {pipeline_mode = #tpu.pipeline_mode<synchronous>, transform_indices = @transform_3, window_bounds = array<i64: 20, 32>}, {pipeline_mode = #tpu.pipeline_mode<synchronous>, transform_indices = @transform_4, window_bounds = array<i64: 1, 32>}, {pipeline_mode = #tpu.pipeline_mode<synchronous>, transform_indices = @transform_5, window_bounds = array<i64: 32, 16>}, {pipeline_mode = #tpu.pipeline_mode<synchronous>, transform_indices = @transform_6, window_bounds = array<i64: 1, 16>}, {pipeline_mode = #tpu.pipeline_mode<synchronous>, transform_indices = @transform_7, window_bounds = array<i64: 16, 16>}, {pipeline_mode = #tpu.pipeline_mode<synchronous>, transform_indices = @transform_8, window_bounds = array<i64: 1, 16>}, {pipeline_mode = #tpu.pipeline_mode<synchronous>, transform_indices = @transform_9, window_bounds = array<i64: 17, 32>}, {pipeline_mode = #tpu.pipeline_mode<synchronous>, transform_indices = @transform_10, window_bounds = array<i64: 1, 32>}, {pipeline_mode = #tpu.pipeline_mode<synchronous>, transform_indices = @transform_11, window_bounds = array<i64: 32, 16>}, {pipeline_mode = #tpu.pipeline_mode<synchronous>, transform_indices = @transform_12, window_bounds = array<i64: 1, 16>}, {pipeline_mode = #tpu.pipeline_mode<synchronous>, transform_indices = @transform_13, window_bounds = array<i64: 16, 16>}, {pipeline_mode = #tpu.pipeline_mode<synchronous>, transform_indices = @transform_14, window_bounds = array<i64: 1, 16>}, {pipeline_mode = #tpu.pipeline_mode<synchronous>, transform_indices = @transform_15, window_bounds = array<i64: 1000, 16>}, {pipeline_mode = #tpu.pipeline_mode<synchronous>, transform_indices = @transform_16, window_bounds = array<i64: 1, 16>}]} {
    %get3A = arith.constant 0 : index
    %get3A_0 = arith.constant 0 : index
    %get3A_1 = vector.load %arg1[%get3A, %get3A_0] : memref<1000x2xf32, #tpu.memory_space<vmem>>, vector<1000x2xf32>
    %get3A_2 = arith.constant 0 : index
    %get3A_3 = arith.constant 0 : index
    %get3A_4 = vector.load %arg2[%get3A_2, %get3A_3] : memref<1000x18xf32, #tpu.memory_space<vmem>>, vector<1000x18xf32>
    %concatenate3A = tpu.concatenate %get3A_1, %get3A_4 in 1 : vector<1000x2xf32>, vector<1000x18xf32> -> vector<1000x20xf32>
    %get3A_5 = arith.constant 0 : index
    %get3A_6 = arith.constant 0 : index
    %get3A_7 = vector.load %arg4[%get3A_5, %get3A_6] : memref<20x32xf32, #tpu.memory_space<vmem>>, vector<20x32xf32>
    %get3A_8 = arith.constant 0 : index
    %get3A_9 = arith.constant 0 : index
    %get3A_10 = vector.load %arg5[%get3A_8, %get3A_9] : memref<1x32xf32, #tpu.memory_space<vmem>>, vector<1x32xf32>
    %get3A_11 = arith.constant 0 : index
    %get3A_12 = arith.constant 0 : index
    %get3A_13 = vector.load %arg6[%get3A_11, %get3A_12] : memref<32x16xf32, #tpu.memory_space<vmem>>, vector<32x16xf32>
    %get3A_14 = arith.constant 0 : index
    %get3A_15 = arith.constant 0 : index
    %get3A_16 = vector.load %arg7[%get3A_14, %get3A_15] : memref<1x16xf32, #tpu.memory_space<vmem>>, vector<1x16xf32>
    %get3A_17 = arith.constant 0 : index
    %get3A_18 = arith.constant 0 : index
    %get3A_19 = vector.load %arg8[%get3A_17, %get3A_18] : memref<16x16xf32, #tpu.memory_space<vmem>>, vector<16x16xf32>
    %get3A_20 = arith.constant 0 : index
    %get3A_21 = arith.constant 0 : index
    %get3A_22 = vector.load %arg9[%get3A_20, %get3A_21] : memref<1x16xf32, #tpu.memory_space<vmem>>, vector<1x16xf32>
    %convert_element_type3A = arith.truncf %concatenate3A : vector<1000x20xf32> to vector<1000x20xbf16>
    %convert_element_type3A_23 = arith.truncf %get3A_7 : vector<20x32xf32> to vector<20x32xbf16>
    %dot_general3A = arith.constant dense<0.000000e+00> : vector<1000x32xf32>
    %dot_general3A_24 = tpu.matmul %convert_element_type3A, %convert_element_type3A_23, %dot_general3A {dimension_numbers = #tpu.dot_dimension_numbers<[1], [0], [0], [1], [0, 0, 1, 1], [], []>, transpose_lhs_hint = false} : vector<1000x20xbf16>, vector<20x32xbf16>, vector<1000x32xf32> -> vector<1000x32xf32>
    %add3A = vector.broadcast %get3A_10 : vector<1x32xf32> to vector<1000x32xf32>
    %add3A_25 = arith.addf %dot_general3A_24, %add3A : vector<1000x32xf32>
    %tanh3A = math.tanh %add3A_25 : vector<1000x32xf32>
    %convert_element_type3A_26 = arith.truncf %tanh3A : vector<1000x32xf32> to vector<1000x32xbf16>
    %convert_element_type3A_27 = arith.truncf %get3A_13 : vector<32x16xf32> to vector<32x16xbf16>
    %dot_general3A_28 = arith.constant dense<0.000000e+00> : vector<1000x16xf32>
    %dot_general3A_29 = tpu.matmul %convert_element_type3A_26, %convert_element_type3A_27, %dot_general3A_28 {dimension_numbers = #tpu.dot_dimension_numbers<[1], [0], [0], [1], [0, 0, 1, 1], [], []>, transpose_lhs_hint = false} : vector<1000x32xbf16>, vector<32x16xbf16>, vector<1000x16xf32> -> vector<1000x16xf32>
    %add3A_30 = vector.broadcast %get3A_16 : vector<1x16xf32> to vector<1000x16xf32>
    %add3A_31 = arith.addf %dot_general3A_29, %add3A_30 : vector<1000x16xf32>
    %tanh3A_32 = math.tanh %add3A_31 : vector<1000x16xf32>
    %convert_element_type3A_33 = arith.truncf %tanh3A_32 : vector<1000x16xf32> to vector<1000x16xbf16>
    %convert_element_type3A_34 = arith.truncf %get3A_19 : vector<16x16xf32> to vector<16x16xbf16>
    %dot_general3A_35 = arith.constant dense<0.000000e+00> : vector<1000x16xf32>
    %dot_general3A_36 = tpu.matmul %convert_element_type3A_33, %convert_element_type3A_34, %dot_general3A_35 {dimension_numbers = #tpu.dot_dimension_numbers<[1], [0], [0], [1], [0, 0, 1, 1], [], []>, transpose_lhs_hint = false} : vector<1000x16xbf16>, vector<16x16xbf16>, vector<1000x16xf32> -> vector<1000x16xf32>
    %add3A_37 = vector.broadcast %get3A_22 : vector<1x16xf32> to vector<1000x16xf32>
    %add3A_38 = arith.addf %dot_general3A_36, %add3A_37 : vector<1000x16xf32>
    %swap3A = arith.constant 0 : index
    %swap3A_39 = arith.constant 0 : index
    %swap3A_40 = vector.load %arg16[%swap3A, %swap3A_39] : memref<1000x16xf32, #tpu.memory_space<vmem>>, vector<1000x16xf32>
    tpu.vector_store %arg16[%swap3A, %swap3A_39], %add3A_38 {strides = array<i32>} : memref<1000x16xf32, #tpu.memory_space<vmem>>, vector<1000x16xf32>,
    %reduce_sum3A = arith.constant dense<0.000000e+00> : vector<16xf32>
    %reduce_sum3A_41 = vector.multi_reduction <add>, %add3A_38, %reduce_sum3A [0] : vector<1000x16xf32> to vector<16xf32>
    %broadcast_in_dim3A = vector.shape_cast %reduce_sum3A_41 : vector<16xf32> to vector<1x16xf32>
    %get3A_42 = arith.constant 0 : index
    %get3A_43 = arith.constant 0 : index
    %get3A_44 = vector.load %arg3[%get3A_42, %get3A_43] : memref<1x1xf32, #tpu.memory_space<vmem>>, vector<1x1xf32>
    %concatenate3A_45 = tpu.concatenate %get3A_44, %broadcast_in_dim3A in 1 : vector<1x1xf32>, vector<1x16xf32> -> vector<1x17xf32>
    %get3A_46 = arith.constant 0 : index
    %get3A_47 = arith.constant 0 : index
    %get3A_48 = vector.load %arg10[%get3A_46, %get3A_47] : memref<17x32xf32, #tpu.memory_space<vmem>>, vector<17x32xf32>
    %get3A_49 = arith.constant 0 : index
    %get3A_50 = arith.constant 0 : index
    %get3A_51 = vector.load %arg11[%get3A_49, %get3A_50] : memref<1x32xf32, #tpu.memory_space<vmem>>, vector<1x32xf32>
    %get3A_52 = arith.constant 0 : index
    %get3A_53 = arith.constant 0 : index
    %get3A_54 = vector.load %arg12[%get3A_52, %get3A_53] : memref<32x16xf32, #tpu.memory_space<vmem>>, vector<32x16xf32>
    %get3A_55 = arith.constant 0 : index
    %get3A_56 = arith.constant 0 : index
    %get3A_57 = vector.load %arg13[%get3A_55, %get3A_56] : memref<1x16xf32, #tpu.memory_space<vmem>>, vector<1x16xf32>
    %get3A_58 = arith.constant 0 : index
    %get3A_59 = arith.constant 0 : index
    %get3A_60 = vector.load %arg14[%get3A_58, %get3A_59] : memref<16x16xf32, #tpu.memory_space<vmem>>, vector<16x16xf32>
    %get3A_61 = arith.constant 0 : index
    %get3A_62 = arith.constant 0 : index
    %get3A_63 = vector.load %arg15[%get3A_61, %get3A_62] : memref<1x16xf32, #tpu.memory_space<vmem>>, vector<1x16xf32>
    %convert_element_type3A_64 = arith.truncf %concatenate3A_45 : vector<1x17xf32> to vector<1x17xbf16>
    %convert_element_type3A_65 = arith.truncf %get3A_48 : vector<17x32xf32> to vector<17x32xbf16>
    %dot_general3A_66 = arith.constant dense<0.000000e+00> : vector<1x32xf32>
    %dot_general3A_67 = tpu.matmul %convert_element_type3A_64, %convert_element_type3A_65, %dot_general3A_66 {dimension_numbers = #tpu.dot_dimension_numbers<[1], [0], [0], [1], [0, 0, 1, 1], [], []>, transpose_lhs_hint = false} : vector<1x17xbf16>, vector<17x32xbf16>, vector<1x32xf32> -> vector<1x32xf32>
    %add3A_68 = arith.addf %dot_general3A_67, %get3A_51 : vector<1x32xf32>
    %tanh3A_69 = math.tanh %add3A_68 : vector<1x32xf32>
    %convert_element_type3A_70 = arith.truncf %tanh3A_69 : vector<1x32xf32> to vector<1x32xbf16>
    %convert_element_type3A_71 = arith.truncf %get3A_54 : vector<32x16xf32> to vector<32x16xbf16>
    %dot_general3A_72 = arith.constant dense<0.000000e+00> : vector<1x16xf32>
    %dot_general3A_73 = tpu.matmul %convert_element_type3A_70, %convert_element_type3A_71, %dot_general3A_72 {dimension_numbers = #tpu.dot_dimension_numbers<[1], [0], [0], [1], [0, 0, 1, 1], [], []>, transpose_lhs_hint = false} : vector<1x32xbf16>, vector<32x16xbf16>, vector<1x16xf32> -> vector<1x16xf32>
    %add3A_74 = arith.addf %dot_general3A_73, %get3A_57 : vector<1x16xf32>
    %tanh3A_75 = math.tanh %add3A_74 : vector<1x16xf32>
    %convert_element_type3A_76 = arith.truncf %tanh3A_75 : vector<1x16xf32> to vector<1x16xbf16>
    %convert_element_type3A_77 = arith.truncf %get3A_60 : vector<16x16xf32> to vector<16x16xbf16>
    %dot_general3A_78 = arith.constant dense<0.000000e+00> : vector<1x16xf32>
    %dot_general3A_79 = tpu.matmul %convert_element_type3A_76, %convert_element_type3A_77, %dot_general3A_78 {dimension_numbers = #tpu.dot_dimension_numbers<[1], [0], [0], [1], [0, 0, 1, 1], [], []>, transpose_lhs_hint = false} : vector<1x16xbf16>, vector<16x16xbf16>, vector<1x16xf32> -> vector<1x16xf32>
    %add3A_80 = arith.addf %dot_general3A_79, %get3A_63 : vector<1x16xf32>
    %swap3A_81 = arith.constant 0 : index
    %swap3A_82 = arith.constant 0 : index
    %swap3A_83 = vector.load %arg17[%swap3A_81, %swap3A_82] : memref<1x16xf32, #tpu.memory_space<vmem>>, vector<1x16xf32>
    tpu.vector_store %arg17[%swap3A_81, %swap3A_82], %add3A_80 {strides = array<i32>} : memref<1x16xf32, #tpu.memory_space<vmem>>, vector<1x16xf32>,
    return
  }
  func.func @transform_0(%arg0: i32) -> (i32, i32) {
    %c0_i32 = arith.constant 0 : i32
    %c0_i32_0 = arith.constant 0 : i32
    %c0_i32_1 = arith.constant 0 : i32
    return %c0_i32, %c0_i32_0 : i32, i32
  }
  func.func @transform_1(%arg0: i32) -> (i32, i32) {
    %c0_i32 = arith.constant 0 : i32
    %c0_i32_0 = arith.constant 0 : i32
    %c0_i32_1 = arith.constant 0 : i32
    return %c0_i32, %c0_i32_0 : i32, i32
  }
  func.func @transform_2(%arg0: i32) -> (i32, i32) {
    %c0_i32 = arith.constant 0 : i32
    %c0_i32_0 = arith.constant 0 : i32
    %c0_i32_1 = arith.constant 0 : i32
    return %c0_i32, %c0_i32_0 : i32, i32
  }
  func.func @transform_3(%arg0: i32) -> (i32, i32) {
    %c0_i32 = arith.constant 0 : i32
    %c0_i32_0 = arith.constant 0 : i32
    %c0_i32_1 = arith.constant 0 : i32
    return %c0_i32, %c0_i32_0 : i32, i32
  }
  func.func @transform_4(%arg0: i32) -> (i32, i32) {
    %c0_i32 = arith.constant 0 : i32
    %c0_i32_0 = arith.constant 0 : i32
    %c0_i32_1 = arith.constant 0 : i32
    return %c0_i32, %c0_i32_0 : i32, i32
  }
  func.func @transform_5(%arg0: i32) -> (i32, i32) {
    %c0_i32 = arith.constant 0 : i32
    %c0_i32_0 = arith.constant 0 : i32
    %c0_i32_1 = arith.constant 0 : i32
    return %c0_i32, %c0_i32_0 : i32, i32
  }
  func.func @transform_6(%arg0: i32) -> (i32, i32) {
    %c0_i32 = arith.constant 0 : i32
    %c0_i32_0 = arith.constant 0 : i32
    %c0_i32_1 = arith.constant 0 : i32
    return %c0_i32, %c0_i32_0 : i32, i32
  }
  func.func @transform_7(%arg0: i32) -> (i32, i32) {
    %c0_i32 = arith.constant 0 : i32
    %c0_i32_0 = arith.constant 0 : i32
    %c0_i32_1 = arith.constant 0 : i32
    return %c0_i32, %c0_i32_0 : i32, i32
  }
  func.func @transform_8(%arg0: i32) -> (i32, i32) {
    %c0_i32 = arith.constant 0 : i32
    %c0_i32_0 = arith.constant 0 : i32
    %c0_i32_1 = arith.constant 0 : i32
    return %c0_i32, %c0_i32_0 : i32, i32
  }
  func.func @transform_9(%arg0: i32) -> (i32, i32) {
    %c0_i32 = arith.constant 0 : i32
    %c0_i32_0 = arith.constant 0 : i32
    %c0_i32_1 = arith.constant 0 : i32
    return %c0_i32, %c0_i32_0 : i32, i32
  }
  func.func @transform_10(%arg0: i32) -> (i32, i32) {
    %c0_i32 = arith.constant 0 : i32
    %c0_i32_0 = arith.constant 0 : i32
    %c0_i32_1 = arith.constant 0 : i32
    return %c0_i32, %c0_i32_0 : i32, i32
  }
  func.func @transform_11(%arg0: i32) -> (i32, i32) {
    %c0_i32 = arith.constant 0 : i32
    %c0_i32_0 = arith.constant 0 : i32
    %c0_i32_1 = arith.constant 0 : i32
    return %c0_i32, %c0_i32_0 : i32, i32
  }
  func.func @transform_12(%arg0: i32) -> (i32, i32) {
    %c0_i32 = arith.constant 0 : i32
    %c0_i32_0 = arith.constant 0 : i32
    %c0_i32_1 = arith.constant 0 : i32
    return %c0_i32, %c0_i32_0 : i32, i32
  }
  func.func @transform_13(%arg0: i32) -> (i32, i32) {
    %c0_i32 = arith.constant 0 : i32
    %c0_i32_0 = arith.constant 0 : i32
    %c0_i32_1 = arith.constant 0 : i32
    return %c0_i32, %c0_i32_0 : i32, i32
  }
  func.func @transform_14(%arg0: i32) -> (i32, i32) {
    %c0_i32 = arith.constant 0 : i32
    %c0_i32_0 = arith.constant 0 : i32
    %c0_i32_1 = arith.constant 0 : i32
    return %c0_i32, %c0_i32_0 : i32, i32
  }
  func.func @transform_15(%arg0: i32) -> (i32, i32) {
    %c0_i32 = arith.constant 0 : i32
    %c0_i32_0 = arith.constant 0 : i32
    %c0_i32_1 = arith.constant 0 : i32
    return %c0_i32, %c0_i32_0 : i32, i32
  }
  func.func @transform_16(%arg0: i32) -> (i32, i32) {
    %c0_i32 = arith.constant 0 : i32
    %c0_i32_0 = arith.constant 0 : i32
    %c0_i32_1 = arith.constant 0 : i32
    return %c0_i32, %c0_i32_0 : i32, i32
  }
}

module attributes {stable_mosaic.version = 14 : i64} {
  func.func @body(%arg0: i32, %arg1: memref<4000x16xf32, #tpu.memory_space<vmem>>, %arg2: memref<1x40x16xf32, #tpu.memory_space<vmem>>, %arg3: memref<1x16xf32, #tpu.memory_space<vmem>>, %arg4: memref<48x32xf32, #tpu.memory_space<vmem>>, %arg5: memref<1x32xf32, #tpu.memory_space<vmem>>, %arg6: memref<32x16xf32, #tpu.memory_space<vmem>>, %arg7: memref<1x16xf32, #tpu.memory_space<vmem>>, %arg8: memref<16x1xf32, #tpu.memory_space<vmem>>, %arg9: memref<1x1xf32, #tpu.memory_space<vmem>>, %arg10: memref<4000x1xf32, #tpu.memory_space<vmem>>) attributes {dimension_semantics = [#tpu.dimension_semantics<arbitrary>], iteration_bounds = array<i64: 25>, scalar_prefetch = 0 : i64, scratch_operands = 0 : i64, tpu.core_type = #tpu.core_type<tc>, window_params = [{transform_indices = @transform_0, window_bounds = array<i64: 4000, 16>}, {transform_indices = @transform_1, window_bounds = array<i64: 1, 40, 16>}, {pipeline_mode = #tpu.pipeline_mode<synchronous>, transform_indices = @transform_2, window_bounds = array<i64: 1, 16>}, {pipeline_mode = #tpu.pipeline_mode<synchronous>, transform_indices = @transform_3, window_bounds = array<i64: 48, 32>}, {pipeline_mode = #tpu.pipeline_mode<synchronous>, transform_indices = @transform_4, window_bounds = array<i64: 1, 32>}, {pipeline_mode = #tpu.pipeline_mode<synchronous>, transform_indices = @transform_5, window_bounds = array<i64: 32, 16>}, {pipeline_mode = #tpu.pipeline_mode<synchronous>, transform_indices = @transform_6, window_bounds = array<i64: 1, 16>}, {pipeline_mode = #tpu.pipeline_mode<synchronous>, transform_indices = @transform_7, window_bounds = array<i64: 16, 1>}, {pipeline_mode = #tpu.pipeline_mode<synchronous>, transform_indices = @transform_8, window_bounds = array<i64: 1, 1>}, {transform_indices = @transform_9, window_bounds = array<i64: 4000, 1>}]} {
    %get3A = arith.constant 0 : index
    %get3A_0 = arith.constant 0 : index
    %get3A_1 = arith.constant 0 : index
    %get3A_2 = vector.load %arg2[%get3A, %get3A_0, %get3A_1] : memref<1x40x16xf32, #tpu.memory_space<vmem>>, vector<1x40x16xf32>
    %squeeze3A = vector.shape_cast %get3A_2 : vector<1x40x16xf32> to vector<40x16xf32>
    %broadcast_in_dim3A = vector.shape_cast %squeeze3A : vector<40x16xf32> to vector<40x1x16xf32>
    %broadcast_in_dim3A_3 = vector.shape_cast %broadcast_in_dim3A : vector<40x1x16xf32> to vector<40x1x16xf32>
    %broadcast_in_dim3A_4 = vector.broadcast %broadcast_in_dim3A_3 : vector<40x1x16xf32> to vector<40x100x16xf32>
    %reshape3A = vector.shape_cast %broadcast_in_dim3A_4 : vector<40x100x16xf32> to vector<4000x16xf32>
    %get3A_5 = arith.constant 0 : index
    %get3A_6 = arith.constant 0 : index
    %get3A_7 = vector.load %arg3[%get3A_5, %get3A_6] : memref<1x16xf32, #tpu.memory_space<vmem>>, vector<1x16xf32>
    %broadcast_in_dim3A_8 = vector.shape_cast %get3A_7 : vector<1x16xf32> to vector<1x16xf32>
    %broadcast_in_dim3A_9 = vector.broadcast %broadcast_in_dim3A_8 : vector<1x16xf32> to vector<4000x16xf32>
    %get3A_10 = arith.constant 0 : index
    %get3A_11 = arith.constant 0 : index
    %get3A_12 = vector.load %arg1[%get3A_10, %get3A_11] : memref<4000x16xf32, #tpu.memory_space<vmem>>, vector<4000x16xf32>
    %concatenate3A = tpu.concatenate %get3A_12, %reshape3A, %broadcast_in_dim3A_9 in 1 : vector<4000x16xf32>, vector<4000x16xf32>, vector<4000x16xf32> -> vector<4000x48xf32>
    %get3A_13 = arith.constant 0 : index
    %get3A_14 = arith.constant 0 : index
    %get3A_15 = vector.load %arg4[%get3A_13, %get3A_14] : memref<48x32xf32, #tpu.memory_space<vmem>>, vector<48x32xf32>
    %get3A_16 = arith.constant 0 : index
    %get3A_17 = arith.constant 0 : index
    %get3A_18 = vector.load %arg5[%get3A_16, %get3A_17] : memref<1x32xf32, #tpu.memory_space<vmem>>, vector<1x32xf32>
    %get3A_19 = arith.constant 0 : index
    %get3A_20 = arith.constant 0 : index
    %get3A_21 = vector.load %arg6[%get3A_19, %get3A_20] : memref<32x16xf32, #tpu.memory_space<vmem>>, vector<32x16xf32>
    %get3A_22 = arith.constant 0 : index
    %get3A_23 = arith.constant 0 : index
    %get3A_24 = vector.load %arg7[%get3A_22, %get3A_23] : memref<1x16xf32, #tpu.memory_space<vmem>>, vector<1x16xf32>
    %get3A_25 = arith.constant 0 : index
    %get3A_26 = arith.constant 0 : index
    %get3A_27 = vector.load %arg8[%get3A_25, %get3A_26] : memref<16x1xf32, #tpu.memory_space<vmem>>, vector<16x1xf32>
    %get3A_28 = arith.constant 0 : index
    %get3A_29 = arith.constant 0 : index
    %get3A_30 = vector.load %arg9[%get3A_28, %get3A_29] : memref<1x1xf32, #tpu.memory_space<vmem>>, vector<1x1xf32>
    %convert_element_type3A = arith.truncf %concatenate3A : vector<4000x48xf32> to vector<4000x48xbf16>
    %convert_element_type3A_31 = arith.truncf %get3A_15 : vector<48x32xf32> to vector<48x32xbf16>
    %dot_general3A = arith.constant dense<0.000000e+00> : vector<4000x32xf32>
    %dot_general3A_32 = tpu.matmul %convert_element_type3A, %convert_element_type3A_31, %dot_general3A {dimension_numbers = #tpu.dot_dimension_numbers<[1], [0], [0], [1], [0, 0, 1, 1], [], []>, transpose_lhs_hint = false} : vector<4000x48xbf16>, vector<48x32xbf16>, vector<4000x32xf32> -> vector<4000x32xf32>
    %add3A = vector.broadcast %get3A_18 : vector<1x32xf32> to vector<4000x32xf32>
    %add3A_33 = arith.addf %dot_general3A_32, %add3A : vector<4000x32xf32>
    %tanh3A = math.tanh %add3A_33 : vector<4000x32xf32>
    %convert_element_type3A_34 = arith.truncf %tanh3A : vector<4000x32xf32> to vector<4000x32xbf16>
    %convert_element_type3A_35 = arith.truncf %get3A_21 : vector<32x16xf32> to vector<32x16xbf16>
    %dot_general3A_36 = arith.constant dense<0.000000e+00> : vector<4000x16xf32>
    %dot_general3A_37 = tpu.matmul %convert_element_type3A_34, %convert_element_type3A_35, %dot_general3A_36 {dimension_numbers = #tpu.dot_dimension_numbers<[1], [0], [0], [1], [0, 0, 1, 1], [], []>, transpose_lhs_hint = false} : vector<4000x32xbf16>, vector<32x16xbf16>, vector<4000x16xf32> -> vector<4000x16xf32>
    %add3A_38 = vector.broadcast %get3A_24 : vector<1x16xf32> to vector<4000x16xf32>
    %add3A_39 = arith.addf %dot_general3A_37, %add3A_38 : vector<4000x16xf32>
    %tanh3A_40 = math.tanh %add3A_39 : vector<4000x16xf32>
    %convert_element_type3A_41 = arith.truncf %tanh3A_40 : vector<4000x16xf32> to vector<4000x16xbf16>
    %convert_element_type3A_42 = arith.truncf %get3A_27 : vector<16x1xf32> to vector<16x1xbf16>
    %dot_general3A_43 = arith.constant dense<0.000000e+00> : vector<4000x1xf32>
    %dot_general3A_44 = tpu.matmul %convert_element_type3A_41, %convert_element_type3A_42, %dot_general3A_43 {dimension_numbers = #tpu.dot_dimension_numbers<[1], [0], [0], [1], [0, 0, 1, 1], [], []>, transpose_lhs_hint = false} : vector<4000x16xbf16>, vector<16x1xbf16>, vector<4000x1xf32> -> vector<4000x1xf32>
    %add3A_45 = vector.broadcast %get3A_30 : vector<1x1xf32> to vector<4000x1xf32>
    %add3A_46 = arith.addf %dot_general3A_44, %add3A_45 : vector<4000x1xf32>
    %swap3A = arith.constant 0 : index
    %swap3A_47 = arith.constant 0 : index
    %swap3A_48 = vector.load %arg10[%swap3A, %swap3A_47] : memref<4000x1xf32, #tpu.memory_space<vmem>>, vector<4000x1xf32>
    tpu.vector_store %arg10[%swap3A, %swap3A_47], %add3A_46 {strides = array<i32>} : memref<4000x1xf32, #tpu.memory_space<vmem>>, vector<4000x1xf32>,
    return
  }
  func.func @transform_0(%arg0: i32) -> (i32, i32) {
    %c0_i32 = arith.constant 0 : i32
    %c0_i32_0 = arith.constant 0 : i32
    return %arg0, %c0_i32 : i32, i32
  }
  func.func @transform_1(%arg0: i32) -> (i32, i32, i32) {
    %c0_i32 = arith.constant 0 : i32
    %c0_i32_0 = arith.constant 0 : i32
    %c0_i32_1 = arith.constant 0 : i32
    return %arg0, %c0_i32, %c0_i32_0 : i32, i32, i32
  }
  func.func @transform_2(%arg0: i32) -> (i32, i32) {
    %c0_i32 = arith.constant 0 : i32
    %c0_i32_0 = arith.constant 0 : i32
    %c0_i32_1 = arith.constant 0 : i32
    return %c0_i32, %c0_i32_0 : i32, i32
  }
  func.func @transform_3(%arg0: i32) -> (i32, i32) {
    %c0_i32 = arith.constant 0 : i32
    %c0_i32_0 = arith.constant 0 : i32
    %c0_i32_1 = arith.constant 0 : i32
    return %c0_i32, %c0_i32_0 : i32, i32
  }
  func.func @transform_4(%arg0: i32) -> (i32, i32) {
    %c0_i32 = arith.constant 0 : i32
    %c0_i32_0 = arith.constant 0 : i32
    %c0_i32_1 = arith.constant 0 : i32
    return %c0_i32, %c0_i32_0 : i32, i32
  }
  func.func @transform_5(%arg0: i32) -> (i32, i32) {
    %c0_i32 = arith.constant 0 : i32
    %c0_i32_0 = arith.constant 0 : i32
    %c0_i32_1 = arith.constant 0 : i32
    return %c0_i32, %c0_i32_0 : i32, i32
  }
  func.func @transform_6(%arg0: i32) -> (i32, i32) {
    %c0_i32 = arith.constant 0 : i32
    %c0_i32_0 = arith.constant 0 : i32
    %c0_i32_1 = arith.constant 0 : i32
    return %c0_i32, %c0_i32_0 : i32, i32
  }
  func.func @transform_7(%arg0: i32) -> (i32, i32) {
    %c0_i32 = arith.constant 0 : i32
    %c0_i32_0 = arith.constant 0 : i32
    %c0_i32_1 = arith.constant 0 : i32
    return %c0_i32, %c0_i32_0 : i32, i32
  }
  func.func @transform_8(%arg0: i32) -> (i32, i32) {
    %c0_i32 = arith.constant 0 : i32
    %c0_i32_0 = arith.constant 0 : i32
    %c0_i32_1 = arith.constant 0 : i32
    return %c0_i32, %c0_i32_0 : i32, i32
  }
  func.func @transform_9(%arg0: i32) -> (i32, i32) {
    %c0_i32 = arith.constant 0 : i32
    %c0_i32_0 = arith.constant 0 : i32
    return %arg0, %c0_i32 : i32, i32
  }
}

module attributes {stable_mosaic.version = 14 : i64} {
  func.func @body(%arg0: i32, %arg1: memref<200x16xf32, #tpu.memory_space<vmem>>, %arg2: memref<1x16xf32, #tpu.memory_space<vmem>>, %arg3: memref<33x32xf32, #tpu.memory_space<vmem>>, %arg4: memref<1x32xf32, #tpu.memory_space<vmem>>, %arg5: memref<32x16xf32, #tpu.memory_space<vmem>>, %arg6: memref<1x16xf32, #tpu.memory_space<vmem>>, %arg7: memref<16x1xf32, #tpu.memory_space<vmem>>, %arg8: memref<1x1xf32, #tpu.memory_space<vmem>>, %arg9: memref<10000x1xf32, #tpu.memory_space<vmem>>) attributes {dimension_semantics = [#tpu.dimension_semantics<arbitrary>], iteration_bounds = array<i64: 5>, scalar_prefetch = 0 : i64, scratch_operands = 0 : i64, tpu.core_type = #tpu.core_type<tc>, window_params = [{transform_indices = @transform_0, window_bounds = array<i64: 200, 16>}, {pipeline_mode = #tpu.pipeline_mode<synchronous>, transform_indices = @transform_1, window_bounds = array<i64: 1, 16>}, {pipeline_mode = #tpu.pipeline_mode<synchronous>, transform_indices = @transform_2, window_bounds = array<i64: 33, 32>}, {pipeline_mode = #tpu.pipeline_mode<synchronous>, transform_indices = @transform_3, window_bounds = array<i64: 1, 32>}, {pipeline_mode = #tpu.pipeline_mode<synchronous>, transform_indices = @transform_4, window_bounds = array<i64: 32, 16>}, {pipeline_mode = #tpu.pipeline_mode<synchronous>, transform_indices = @transform_5, window_bounds = array<i64: 1, 16>}, {pipeline_mode = #tpu.pipeline_mode<synchronous>, transform_indices = @transform_6, window_bounds = array<i64: 16, 1>}, {pipeline_mode = #tpu.pipeline_mode<synchronous>, transform_indices = @transform_7, window_bounds = array<i64: 1, 1>}, {transform_indices = @transform_8, window_bounds = array<i64: 10000, 1>}]} {
    %get3A = arith.constant 0 : index
    %get3A_0 = arith.constant 0 : index
    %get3A_1 = vector.load %arg1[%get3A, %get3A_0] : memref<200x16xf32, #tpu.memory_space<vmem>>, vector<200x16xf32>
    %broadcast_in_dim3A = vector.shape_cast %get3A_1 : vector<200x16xf32> to vector<200x1x16xf32>
    %broadcast_in_dim3A_2 = vector.shape_cast %broadcast_in_dim3A : vector<200x1x16xf32> to vector<200x1x16xf32>
    %broadcast_in_dim3A_3 = vector.broadcast %broadcast_in_dim3A_2 : vector<200x1x16xf32> to vector<200x50x16xf32>
    %reshape3A = vector.shape_cast %broadcast_in_dim3A_3 : vector<200x50x16xf32> to vector<10000x16xf32>
    %get3A_4 = arith.constant 0 : index
    %get3A_5 = arith.constant 0 : index
    %get3A_6 = vector.load %arg2[%get3A_4, %get3A_5] : memref<1x16xf32, #tpu.memory_space<vmem>>, vector<1x16xf32>
    %broadcast_in_dim3A_7 = vector.shape_cast %get3A_6 : vector<1x16xf32> to vector<1x16xf32>
    %broadcast_in_dim3A_8 = vector.broadcast %broadcast_in_dim3A_7 : vector<1x16xf32> to vector<10000x16xf32>
    %iota3A = tpu.iota {dimensions = array<i32: 0>} : vector<10000x1xi32>
    %jit3A = arith.constant 50 : i32
    %eq3A = arith.constant 0 : i32
    %eq3A_9 = arith.cmpi eq, %jit3A, %eq3A : i32
    %jit3A_10 = arith.constant 1 : i32
    %select_n3A = arith.select %eq3A_9, %jit3A_10, %jit3A : i32
    %rem3A = vector.broadcast %select_n3A : i32 to vector<10000x1xi32>
    %rem3A_11 = arith.remsi %iota3A, %rem3A : vector<10000x1xi32>
    %ne3A = arith.constant 0 : i32
    %ne3A_12 = vector.broadcast %ne3A : i32 to vector<10000x1xi32>
    %ne3A_13 = arith.cmpi ne, %rem3A_11, %ne3A_12 : vector<10000x1xi32>
    %lt3A = arith.constant 0 : i32
    %lt3A_14 = vector.broadcast %lt3A : i32 to vector<10000x1xi32>
    %lt3A_15 = arith.cmpi slt, %rem3A_11, %lt3A_14 : vector<10000x1xi32>
    %lt3A_16 = arith.constant 0 : i32
    %lt3A_17 = arith.cmpi slt, %select_n3A, %lt3A_16 : i32
    %ne3A_18 = vector.broadcast %lt3A_17 : i1 to vector<10000x1xi1>
    %ne3A_19 = vector.broadcast %ne3A_18 : vector<10000x1xi1> to vector<10000x1xi1>
    %ne3A_20 = arith.xori %lt3A_15, %ne3A_19 : vector<10000x1xi1>
    %and3A = arith.andi %ne3A_20, %ne3A_13 : vector<10000x1xi1>
    %add3A = vector.broadcast %select_n3A : i32 to vector<10000x1xi32>
    %add3A_21 = arith.addi %rem3A_11, %add3A : vector<10000x1xi32>
    %select_n3A_22 = arith.select %and3A, %add3A_21, %rem3A_11 : vector<10000x1xi1>, vector<10000x1xi32>
    %convert_element_type3A = arith.sitofp %select_n3A_22 : vector<10000x1xi32> to vector<10000x1xf32>
    %concatenate3A = tpu.concatenate %reshape3A, %broadcast_in_dim3A_8, %convert_element_type3A in 1 : vector<10000x16xf32>, vector<10000x16xf32>, vector<10000x1xf32> -> vector<10000x33xf32>
    %get3A_23 = arith.constant 0 : index
    %get3A_24 = arith.constant 0 : index
    %get3A_25 = vector.load %arg3[%get3A_23, %get3A_24] : memref<33x32xf32, #tpu.memory_space<vmem>>, vector<33x32xf32>
    %get3A_26 = arith.constant 0 : index
    %get3A_27 = arith.constant 0 : index
    %get3A_28 = vector.load %arg4[%get3A_26, %get3A_27] : memref<1x32xf32, #tpu.memory_space<vmem>>, vector<1x32xf32>
    %get3A_29 = arith.constant 0 : index
    %get3A_30 = arith.constant 0 : index
    %get3A_31 = vector.load %arg5[%get3A_29, %get3A_30] : memref<32x16xf32, #tpu.memory_space<vmem>>, vector<32x16xf32>
    %get3A_32 = arith.constant 0 : index
    %get3A_33 = arith.constant 0 : index
    %get3A_34 = vector.load %arg6[%get3A_32, %get3A_33] : memref<1x16xf32, #tpu.memory_space<vmem>>, vector<1x16xf32>
    %get3A_35 = arith.constant 0 : index
    %get3A_36 = arith.constant 0 : index
    %get3A_37 = vector.load %arg7[%get3A_35, %get3A_36] : memref<16x1xf32, #tpu.memory_space<vmem>>, vector<16x1xf32>
    %get3A_38 = arith.constant 0 : index
    %get3A_39 = arith.constant 0 : index
    %get3A_40 = vector.load %arg8[%get3A_38, %get3A_39] : memref<1x1xf32, #tpu.memory_space<vmem>>, vector<1x1xf32>
    %convert_element_type3A_41 = arith.truncf %concatenate3A : vector<10000x33xf32> to vector<10000x33xbf16>
    %convert_element_type3A_42 = arith.truncf %get3A_25 : vector<33x32xf32> to vector<33x32xbf16>
    %dot_general3A = arith.constant dense<0.000000e+00> : vector<10000x32xf32>
    %dot_general3A_43 = tpu.matmul %convert_element_type3A_41, %convert_element_type3A_42, %dot_general3A {dimension_numbers = #tpu.dot_dimension_numbers<[1], [0], [0], [1], [0, 0, 1, 1], [], []>, transpose_lhs_hint = false} : vector<10000x33xbf16>, vector<33x32xbf16>, vector<10000x32xf32> -> vector<10000x32xf32>
    %add3A_44 = vector.broadcast %get3A_28 : vector<1x32xf32> to vector<10000x32xf32>
    %add3A_45 = arith.addf %dot_general3A_43, %add3A_44 : vector<10000x32xf32>
    %tanh3A = math.tanh %add3A_45 : vector<10000x32xf32>
    %convert_element_type3A_46 = arith.truncf %tanh3A : vector<10000x32xf32> to vector<10000x32xbf16>
    %convert_element_type3A_47 = arith.truncf %get3A_31 : vector<32x16xf32> to vector<32x16xbf16>
    %dot_general3A_48 = arith.constant dense<0.000000e+00> : vector<10000x16xf32>
    %dot_general3A_49 = tpu.matmul %convert_element_type3A_46, %convert_element_type3A_47, %dot_general3A_48 {dimension_numbers = #tpu.dot_dimension_numbers<[1], [0], [0], [1], [0, 0, 1, 1], [], []>, transpose_lhs_hint = false} : vector<10000x32xbf16>, vector<32x16xbf16>, vector<10000x16xf32> -> vector<10000x16xf32>
    %add3A_50 = vector.broadcast %get3A_34 : vector<1x16xf32> to vector<10000x16xf32>
    %add3A_51 = arith.addf %dot_general3A_49, %add3A_50 : vector<10000x16xf32>
    %tanh3A_52 = math.tanh %add3A_51 : vector<10000x16xf32>
    %convert_element_type3A_53 = arith.truncf %tanh3A_52 : vector<10000x16xf32> to vector<10000x16xbf16>
    %convert_element_type3A_54 = arith.truncf %get3A_37 : vector<16x1xf32> to vector<16x1xbf16>
    %dot_general3A_55 = arith.constant dense<0.000000e+00> : vector<10000x1xf32>
    %dot_general3A_56 = tpu.matmul %convert_element_type3A_53, %convert_element_type3A_54, %dot_general3A_55 {dimension_numbers = #tpu.dot_dimension_numbers<[1], [0], [0], [1], [0, 0, 1, 1], [], []>, transpose_lhs_hint = false} : vector<10000x16xbf16>, vector<16x1xbf16>, vector<10000x1xf32> -> vector<10000x1xf32>
    %add3A_57 = vector.broadcast %get3A_40 : vector<1x1xf32> to vector<10000x1xf32>
    %add3A_58 = arith.addf %dot_general3A_56, %add3A_57 : vector<10000x1xf32>
    %swap3A = arith.constant 0 : index
    %swap3A_59 = arith.constant 0 : index
    %swap3A_60 = vector.load %arg9[%swap3A, %swap3A_59] : memref<10000x1xf32, #tpu.memory_space<vmem>>, vector<10000x1xf32>
    tpu.vector_store %arg9[%swap3A, %swap3A_59], %add3A_58 {strides = array<i32>} : memref<10000x1xf32, #tpu.memory_space<vmem>>, vector<10000x1xf32>,
    return
  }
  func.func @transform_0(%arg0: i32) -> (i32, i32) {
    %c0_i32 = arith.constant 0 : i32
    %c0_i32_0 = arith.constant 0 : i32
    return %arg0, %c0_i32 : i32, i32
  }
  func.func @transform_1(%arg0: i32) -> (i32, i32) {
    %c0_i32 = arith.constant 0 : i32
    %c0_i32_0 = arith.constant 0 : i32
    %c0_i32_1 = arith.constant 0 : i32
    return %c0_i32, %c0_i32_0 : i32, i32
  }
  func.func @transform_2(%arg0: i32) -> (i32, i32) {
    %c0_i32 = arith.constant 0 : i32
    %c0_i32_0 = arith.constant 0 : i32
    %c0_i32_1 = arith.constant 0 : i32
    return %c0_i32, %c0_i32_0 : i32, i32
  }
  func.func @transform_3(%arg0: i32) -> (i32, i32) {
    %c0_i32 = arith.constant 0 : i32
    %c0_i32_0 = arith.constant 0 : i32
    %c0_i32_1 = arith.constant 0 : i32
    return %c0_i32, %c0_i32_0 : i32, i32
  }
  func.func @transform_4(%arg0: i32) -> (i32, i32) {
    %c0_i32 = arith.constant 0 : i32
    %c0_i32_0 = arith.constant 0 : i32
    %c0_i32_1 = arith.constant 0 : i32
    return %c0_i32, %c0_i32_0 : i32, i32
  }
  func.func @transform_5(%arg0: i32) -> (i32, i32) {
    %c0_i32 = arith.constant 0 : i32
    %c0_i32_0 = arith.constant 0 : i32
    %c0_i32_1 = arith.constant 0 : i32
    return %c0_i32, %c0_i32_0 : i32, i32
  }
  func.func @transform_6(%arg0: i32) -> (i32, i32) {
    %c0_i32 = arith.constant 0 : i32
    %c0_i32_0 = arith.constant 0 : i32
    %c0_i32_1 = arith.constant 0 : i32
    return %c0_i32, %c0_i32_0 : i32, i32
  }
  func.func @transform_7(%arg0: i32) -> (i32, i32) {
    %c0_i32 = arith.constant 0 : i32
    %c0_i32_0 = arith.constant 0 : i32
    %c0_i32_1 = arith.constant 0 : i32
    return %c0_i32, %c0_i32_0 : i32, i32
  }
  func.func @transform_8(%arg0: i32) -> (i32, i32) {
    %c0_i32 = arith.constant 0 : i32
    %c0_i32_0 = arith.constant 0 : i32
    return %arg0, %c0_i32 : i32, i32
  }
}

</mosaic_0001>

<sc_bundles>
// kernel: kernel.8.cloned.1.call-start
scs
__scs_entry_jumppad:
0x0: {  	(pc) =	sbr.rel $0x88, $3  }
0x1: {  	(tag) =	ssettag $0x0;
	lr =	simm.s32 $0x1  }
0x2: {  	[smem:$0x3F75] =	sst lr;
	_ =	strace $0xD0000000  }
0x3: {  	_ = 	snop  }
0x4: {  	_ = 	snop  }
0x5: {  	_ = 	snop  }
0x6: {  	_ = 	snop  }
0x7: {  	_ = 	snop  }
__scs_overlays_trampoline_lowered:
0x8: {  	[smem:$0x3F84] =	sst s0  }
0x9: {  	[smem:$0x3F85] =	sst s1  }
0xa: {  	[smem:$0x3F86] =	sst s2  }
0xb: {  	[smem:$0x3F87] =	sst s3  }
0xc: {  	[smem:$0x3F88] =	sst s4  }
0xd: {  	[smem:$0x3F89] =	sst s5  }
0xe: {  	[smem:$0x3F8A] =	sst s6  }
0xf: {  	[smem:$0x3F8B] =	sst s7  }
0x10: {  	[smem:$0x3F8C] =	sst s8  }
0x11: {  	[smem:$0x3F8D] =	sst s9;
	s0 =	simm.s32 @!p0 $0x0  }
0x12: {  	s1 =	sld [smem:$0x3F73];
	s0 =	simm.s32 @p0 $0x1  }
0x13: {  	[smem:$0x3F8E] =	sst s0;
	s0 =	simm.s32 @!p1 $0x0  }
0x14: {  	s2 =	sld [smem:$0x3F72];
	s0 =	simm.s32 @p1 $0x1  }
0x15: {  	[smem:$0x3F8F] =	sst s0;
	s0 =	simm.s32 @!p2 $0x0  }
0x16: {  	s3 =	sld [smem:$0x3FDB];
	s0 =	simm.s32 @p2 $0x1  }
0x17: {  	s4 =	simm.s32 $0x1BF5;
	[smem:$0x3F91] =	sst s0  }
0x18: {  	s0 =	sld [smem:$0x3F74];
	_ =	swait.ge [sflag:s4], $0x0  }
0x19: {  	s7 =	sld [smem:$0x3F75]  }
0x1a: {  	s8 =	sadd.s32 $0xFFFFE003, lr  }
0x1b: {  	s9 =	sadd.s32 $0xFFFFFEF7, lr;
	s5 =	simm.s32 $0xFFFFFFFF;
	p2 =	slt.u32 s8, $0xFFFFF086  }
0x1c: {  	p1 =	slt.u32 s9, $0xF7A;
	s5 =	simm.s32 @!p2 $0x0  }
0x1d: {  	s5 =	simm.s32 @p1 $0x1;
	p0 =	seq.s32 s7, s2  }
0x1e: {  	s7 =	smul.u32 @!p0 $0xF7A, s2;
	p2 =	seq.s32 @!p0 s5, $0x0  }
0x1f: {  	s9 =	smul.u32 $0xF7A, s1;
	s8 =	simm.s32 @!p0 $0x1BF5;
	p2 =	por !p2, p0  }
0x20: {  	[sflag:s8] =	ssyncset.s32 @!p0 $0xFFFFF086;
	s6 =	sadd.s32 @!p0 s3, s7;
	s7 =	simm.s32 @!p0 $0x108  }
0x21: {  	s3 =	sadd.s32 s3, s9;
	s6 =	sadd.s32 @!p0 $0x88, s6;
	s7 =	simm.s32 @p2 $0x1082  }
0x22: {  	[simem:s7], [sflag:s8] =	dma.local @!p0 [hbm:s6], $0xF7A  }
0x23: {  	s9 =	sor.u32 $0xD0000000, s2;
	s6 =	simm.s32 $0x108;
	_ =	swait.ge @!p0 [sflag:s8], $0x0  }
0x24: {  	s3 =	sadd.s32 $0x88, s3;
	s6 =	simm.s32 @!p1 $0x1082;
	[sflag:s4] =	ssyncset.s32 $0xFFFFF086  }
0x25: {  	[simem:s6], [sflag:s4] =	dma.local [hbm:s3], $0xF7A  }
0x26: {  	[smem:$0x3F75] =	sst s1;
	(tag) =	ssettag s2;
	_ =	strace s9  }
0x27: {  	s1 =	sld [smem:$0x3F85]  }
0x28: {  	s2 =	sld [smem:$0x3F86]  }
0x29: {  	s4 =	sld [smem:$0x3F88]  }
0x2a: {  	p0 =	seq.s32 s5, $0x0;
	s5 =	sld [smem:$0x3F89]  }
0x2b: {  	s6 =	sld [smem:$0x3F8A]  }
0x2c: {  	s7 =	sld [smem:$0x3F8B]  }
0x2d: {  	s3 =	simm.s32 $0x108;
	s8 =	sld [smem:$0x3F8C]  }
0x2e: {  	s3 =	simm.s32 @!p0 $0x1082;
	s9 =	sld [smem:$0x3F8D]  }
0x2f: {  	lr =	sadd.s32 s0, s3;
	s0 =	sld [smem:$0x3F84]  }
0x30: {  	s3 =	sld [smem:$0x3F87]  }
0x31: {  	[smem:$0x3F90] =	sst s10  }
0x32: {  	s10 =	sld [smem:$0x3F8E];
	_ =	sdelay $0x3  }
0x33: {  	p0 =	seq.s32 s10, $0x1;
	s10 =	sld [smem:$0x3F90];
	_ =	sdelay $0x3  }
0x34: {  	[smem:$0x3F90] =	sst s10  }
0x35: {  	s10 =	sld [smem:$0x3F8F];
	_ =	sdelay $0x3  }
0x36: {  	p1 =	seq.s32 s10, $0x1;
	s10 =	sld [smem:$0x3F90];
	_ =	sdelay $0x3  }
0x37: {  	[smem:$0x3F90] =	sst s10  }
0x38: {  	s10 =	sld [smem:$0x3F91]  }
0x39: {  	_ = 	snop;
	(pc) =	sbr.ind lr, $3  }
0x3a: {  	_ = 	snop  }
0x3b: {  	_ = 	snop  }
0x3c: {  	p2 =	seq.s32 s10, $0x1;
	s10 =	sld [smem:$0x3F90]  }
0x3d: {  	_ =	shalt  }
0x3e: {  	_ =	shalt  }
0x3f: {  	_ =	shalt  }
0x40: {  	_ =	shalt  }
0x41: {  	_ =	shalt  }
0x42: {  	_ =	shalt  }
0x43: {  	_ =	shalt  }
0x44: {  	_ =	shalt  }
0x45: {  	_ =	shalt  }
0x46: {  	_ =	shalt  }
0x47: {  	_ =	shalt  }
0x48: {  	_ =	shalt  }
0x49: {  	_ =	shalt  }
0x4a: {  	_ =	shalt  }
0x4b: {  	_ =	shalt  }
0x4c: {  	_ =	shalt  }
0x4d: {  	_ =	shalt  }
0x4e: {  	_ =	shalt  }
0x4f: {  	_ =	shalt  }
0x50: {  	_ =	shalt  }
0x51: {  	_ =	shalt  }
0x52: {  	_ =	shalt  }
0x53: {  	_ =	shalt  }
0x54: {  	_ =	shalt  }
0x55: {  	_ =	shalt  }
0x56: {  	_ =	shalt  }
0x57: {  	_ =	shalt  }
0x58: {  	_ =	shalt  }
0x59: {  	_ =	shalt  }
0x5a: {  	_ =	shalt  }
0x5b: {  	_ =	shalt  }
0x5c: {  	_ =	shalt  }
0x5d: {  	_ =	shalt  }
0x5e: {  	_ =	shalt  }
0x5f: {  	_ =	shalt  }
0x60: {  	_ =	shalt  }
0x61: {  	_ =	shalt  }
0x62: {  	_ =	shalt  }
0x63: {  	_ =	shalt  }
0x64: {  	_ =	shalt  }
0x65: {  	_ =	shalt  }
0x66: {  	_ =	shalt  }
0x67: {  	_ =	shalt  }
0x68: {  	_ =	shalt  }
0x69: {  	_ =	shalt  }
0x6a: {  	_ =	shalt  }
0x6b: {  	_ =	shalt  }
0x6c: {  	_ =	shalt  }
0x6d: {  	_ =	shalt  }
0x6e: {  	_ =	shalt  }
0x6f: {  	_ =	shalt  }
0x70: {  	_ =	shalt  }
0x71: {  	_ =	shalt  }
0x72: {  	_ =	shalt  }
0x73: {  	_ =	shalt  }
0x74: {  	_ =	shalt  }
0x75: {  	_ =	shalt  }
0x76: {  	_ =	shalt  }
0x77: {  	_ =	shalt  }
0x78: {  	_ =	shalt  }
0x79: {  	_ =	shalt  }
0x7a: {  	_ =	shalt  }
0x7b: {  	_ =	shalt  }
0x7c: {  	_ =	shalt  }
0x7d: {  	_ =	shalt  }
0x7e: {  	_ =	shalt  }
0x7f: {  	_ =	shalt  }
0x80: {  	_ =	shalt  }
0x81: {  	_ =	shalt  }
0x82: {  	_ =	shalt  }
0x83: {  	_ =	shalt  }
0x84: {  	_ =	shalt  }
0x85: {  	_ =	shalt  }
0x86: {  	_ =	shalt  }
0x87: {  	_ =	shalt  }
.Lfunc_end0:
.L_simem_size_0:
called_computation_lowered:
.L_overlay_start_0:
0x88: {  	s2 =	sld [smem:$0x3FD9]  }
0x89: {  	s3 =	sld [smem:$0x3FFE];
	_ =	sdelay $0x1  }
0x8a: {  	s1 =	srdreg.scid  }
0x8b: {  	s0 =	sand.u32 $0x1, s1  }
0x8c: {  	s14 =	sshll.u32 s0, $0xA;
	s2 =	sadd.s32 s3, s2  }
0x8d: {  	s2 =	sadd.s32 s2, s14  }
0x8e: {  	[smem:$0x3F9C] =	sst s2  }
0x8f: {  	_ = 	snop  }
0x90: {  	s2 =	sld [smem:$0x3FD0];
	_ =	sdelay $0x2  }
0x91: {  	s15 =	simm.s32 $0xA;
	s4 =	simm.s32 $0x10  }
0x92: {  	[smem:s4], [sflag:s15] =	dma.local [hbm:s2], $0x1  }
0x93: {  	_ =	swait.eq [sflag:s15], $0x1  }
0x94: {  	[sflag:s15] =	ssyncset.done $0x0  }
0x95: {  	[sflag:s15] =	ssyncadd.s32 $0xFFFFFFFF  }
0x96: {  	s16 =	sld [smem:$0x10];
	(tm) =	ssettm $0x1  }
0x97: {  	s17 =	sld [smem:$0x3FFB];
	_ =	sdelay $0x3  }
0x98: {  	_ =	strace s17  }
0x99: {  	s3 =	sld [smem:$0x3FFC];
	_ =	sdelay $0x3  }
0x9a: {  	_ =	strace s3  }
0x9b: {  	s3 =	sld [smem:$0x3FFD];
	_ =	sdelay $0x3  }
0x9c: {  	_ =	strace s3  }
0x9d: {  	_ =	strace $0x8FFFFFFF  }
0x9e: {  	s18 =	sld [smem:$0x3FDB];
	_ =	sdelay $0x1  }
0x9f: {  	s19 =	simm.s32 $_scs_section_size  }
0xa0: {  	s5 =	simm.s32 $_size__tile_overlayer_lowered;
	s6 =	simm.s32 $_tile_overlayer_lowered  }
0xa1: {  	s22 =	simm.s32 $0x1BFF;
	s21 =	sshll.u32 s6, $0x1;
	s3 =	sadd.s32 s19, s18  }
0xa2: {  	s7 =	simm.s32 $0x0;
	s20 =	sshll.u32 s5, $0x1;
	s5 =	sadd.s32 s21, s3  }
0xa3: {  	[timem:s7], [sflag:s22] =	dma.local [hbm:s5], s20  }
0xa4: {  	_ =	swait.ge [sflag:s22], s20  }
0xa5: {  	s4 =	ssub.s32 $0x0, s20;
	[sflag:s22] =	ssyncset.done $0x0  }
0xa6: {  	[sflag:s22] =	ssyncadd.s32 s4;
	_ =	sdelay $0x1  }
0xa7: {  	s23 =	simm.s32 $0x1B8B  }
0xa8: {  	_ =	swait.ge [sflag:s23], $0x1  }
0xa9: {  	[sflag:s23] =	ssyncset.done $0x0  }
0xaa: {  	s25 =	simm.s32 $0x1B8E;
	s24 =	sld [smem:$0x3FFE];
	[sflag:s23] =	ssyncadd.s32 $0xFFFFFFFF  }
0xab: {  	s26 =	simm.s32 $execute0_lowered;
	[smem:$0x3FD2] =	sst s25  }
0xac: {  	s5 =	sshll.u32 s26, $0x1;
	_ =	strace $0x80000046;
	[dreg:$0x1] =	wrdreg $0xFFFFFFFF  }
0xad: {  	s28 =	simm.s32 $_size_execute0_lowered;
	s3 =	sadd.s32 s3, s5;
	[dreg:$0x0] =	wrdreg $0x0  }
0xae: {  	s5 =	sshll.u32 s28, $0x1;
	[dreg:$0x2] =	wrdreg s3  }
0xaf: {  	[dreg:$0x3] =	wrdreg s5  }
0xb0: {  	[dreg:$0x4] =	wrdreg $0xC0  }
0xb1: {  	_ =	task [dreg:s7], $0x5FFFF  }
0xb2: {  	[dreg:$0x1] =	wrdreg $0xFFFFFFFF  }
0xb3: {  	[dreg:$0x0] =	wrdreg $0x60  }
0xb4: {  	[dreg:$0x2] =	wrdreg s24  }
0xb5: {  	[dreg:$0x3] =	wrdreg s16  }
0xb6: {  	[dreg:$0x4] =	wrdreg $0x0  }
0xb7: {  	[dreg:$0x5] =	wrdreg $0x9  }
0xb8: {  	_ =	task.clear_ibuf [dreg:s7], $0x6FFFF;
	_ =	strace $0x90000046  }
0xb9: {  	s29 =	simm.s32 $0x9;
	_ =	strace $0x80000048  }
0xba: {  	_ =	swait.ge [sflag:s29], $0x1  }
0xbb: {  	[sflag:s29] =	ssyncadd.s32 $0xFFFFFFFF  }
0xbc: {  	_ =	strace $0x90000048  }
0xbd: {  	_ =	sfence  }
0xbe: {  	s30 =	sld [smem:$0x0];
	_ =	sdelay $0x2  }
0xbf: {  	s31 =	sshll.u32 s1, $0xD;
	s1 =	sshrl.u32 s1, $0x2  }
0xc0: {  	s3 =	sand.u32 $0x4000, s31;
	s1 =	sadd.s32 s1, s30  }
0xc1: {  	s0 =	sor.u32 s3, s0;
	s1 =	sshll.u32 s1, $0x11  }
0xc2: {  	s0 =	sor.u32 s1, s0  }
0xc3: {  	s0 =	sadd.s32 $0x8F2B, s0  }
0xc4: {  	[sflag:s0] =	ssyncadd.remote.s32 $0x1  }
0xc5: {  	_ =	sfence.sel $0xFFFF  }
0xc6: {  	[dreg:$0x0] =	wrdreg $0xFFFFFFFF;
	(pc) =	sbr.abs _section_cstart, $3  }
0xc7: {  	[dreg:$0x1] =	wrdreg $0xFFFFFFFF  }
0xc8: {  	_ =	task.clear_ibuf [dreg:s7], $0x2FFFF;
	_ =	strace $0x9FFFFFFF  }
0xc9: {  	(tm) =	ssettm $0x7FFFFFFF  }
tec
execute0_lowered:
.L_overlay_start_1:
0x0: {  	(tag) =	ssettag $0x1  }
0x1: {  	s0 =	rddreg [dreg:$0x0]  }
0x2: {  	s3 =	rddreg [dreg:$0x2];
	s4 =	simm.s32 $0x0  }
0x3: {  	s1 =	srdreg.scid;
	s13 =	stileid.u32;
	s21 =	simm.s32 $0x18780  }
0x4: {  	s22 =	simm.s32 $0x18800;
	s23 =	simm.s32 $0x18880;
	s24 =	simm.s32 $0x18900  }
0x5: {  	s25 =	simm.s32 $0x18980;
	s28 =	simm.s32 $0x19080;
	s30 =	simm.s32 $0x19100  }
0x6: {  	s29 =	simm.s32 $0x1DB00;
	s31 =	simm.s32 $0x1E300;
	[smem:$0x7FF] =	sst s4  }
0x7: {  	s1 =	sand.u32 $0x1, s1;
	_ =	strace $0x80000047;
	[dreg:$0x5] =	wrdreg s21  }
0x8: {  	s2 =	smul.u32 $0x18700, s13;
	s5 =	sadd.s32 $0x499800, s0;
	[dreg:$0x6] =	wrdreg s22  }
0x9: {  	s6 =	sadd.s32 $0x1EF400, s0;
	s20 =	smul.u32 $0x318, s13;
	[dreg:$0x7] =	wrdreg s23  }
0xa: {  	s7 =	smul.u32 $0x187000, s1;
	s8 =	sshll.u32 s1, $0x4;
	[dreg:$0x8] =	wrdreg s24  }
0xb: {  	s9 =	ssub.s32 $0x2, s1;
	s1 =	smul.u32 $0x3180, s1;
	[dreg:$0x9] =	wrdreg s25  }
0xc: {  	s25 =	simm.s32 $0x4;
	s21 =	simm.s32 $0x19000;
	s22 =	simm.s32 $0x80  }
0xd: {  	s24 =	simm.s32 $0x1CB00;
	s8 =	sor.u32 s13, s8;
	s11 =	sshrl.u32 s9, $0x1  }
0xe: {  	s7 =	sadd.s32 s2, s7;
	s12 =	smul.u32 $0x3180, s8;
	s9 =	ssub.s32 s9, s11  }
0xf: {  	s8 =	smul.u32 $0x318, s8;
	s11 =	sshll.u32 s13, $0x6;
	s13 =	simm.s32 $0x18F80  }
0x10: {  	s2 =	sadd.s32 s2, s3;
	s9 =	smax.u32 s9, $0x1;
	[dreg:$0xe] =	wrdreg s13  }
0x11: {  	s18 =	sor.u32 $0x1C04, s11;
	s11 =	simm.s32 $0x18E80;
	[dreg:$0x1a] =	wrdreg s9  }
0x12: {  	s10 =	sshrl.u32 s7, $0x3;
	s7 =	sadd.s32 $0x18C400, s0;
	[dreg:$0xc] =	wrdreg s11  }
0x13: {  	s23 =	sshrl.u32 s2, $0x3;
	s2 =	simm.s32 $0x1EB00;
	[dreg:$0x14] =	wrdreg s18  }
0x14: {  	s13 =	simm.s32 $0x1A300;
	s17 =	sadd.s32 s6, s12;
	[dreg:$0x1d] =	wrdreg s23  }
0x15: {  	s0 =	sadd.s32 s10, s0;
	s19 =	sadd.s32 s7, s12;
	[dreg:$0x17] =	wrdreg s17  }
0x16: {  	s14 =	sor.u32 $0x60, s12;
	s8 =	sadd.s32 $0xC, s8;
	[dreg:$0x18] =	wrdreg s19  }
0x17: {  	s9 =	simm.s32 $0x18D80;
	s10 =	simm.s32 $0x18E00;
	[dreg:$0x4] =	wrdreg s8  }
0x18: {  	s12 =	simm.s32 $0x18F00;
	s11 =	simm.s32 $0x19300;
	[dreg:$0xa] =	wrdreg s9  }
0x19: {  	s15 =	sadd.s32 s6, s14;
	s16 =	sadd.s32 s7, s14;
	[dreg:$0xb] =	wrdreg s10  }
0x1a: {  	s0 =	sadd.s32 $0x252400, s0;
	s19 =	simm.s32 $0x1C300;
	[dreg:$0xd] =	wrdreg s12  }
0x1b: {  	s14 =	simm.s32 $0x18A80;
	s17 =	simm.s32 $0x18C00;
	[dreg:$0x15] =	wrdreg s15  }
0x1c: {  	s9 =	simm.s32 $0x18D00;
	s10 =	simm.s32 $0x3;
	[dreg:$0x16] =	wrdreg s16  }
0x1d: {  	s12 =	simm.s32 $0x19B00;
	s8 =	simm.s32 $0x1B300;
	[dreg:$0x19] =	wrdreg s0  }
0x1e: {  	s0 =	sadd.s32 s20, s1;
	s20 =	simm.s32 $0x18A00;
	[dreg:$0xf] =	wrdreg s14  }
0x1f: {  	s15 =	simm.s32 $0x18B00;
	[dreg:$0x12] =	wrdreg s17;
	s0 =	sshll.u32 s0, $0x4  }
0x20: {  	s16 =	simm.s32 $0x18B80;
	[dreg:$0x10] =	wrdreg s15;
	s0 =	sor.u32 $0x60, s0  }
0x21: {  	s1 =	simm.s32 $0x18700;
	[dreg:$0x11] =	wrdreg s16;
	s26 =	sadd.s32 s0, s6  }
0x22: {  	s14 =	simm.s32 $0x1AB00;
	s0 =	sadd.s32 s0, s7;
	[dreg:$0x1b] =	wrdreg s26  }
0x23: {  	s17 =	simm.s32 $0x1;
	[dreg:$0x1c] =	wrdreg s0;
	s26 =	simm.s32 $0x18C80  }
0x24: {  	s15 =	simm.s32 $0x1BB00;
	s0 =	simm.s32 $0x0;
	[dreg:$0x13] =	wrdreg s26  }
0x25: {  	s16 =	simm.s32 $0x2;
	s26 =	simm.s32 $0x1D300;
	[dreg:$0x1e] =	wrdreg s0  }
.LBB2_1:
0x26: {  	s0 =	rddreg [dreg:$0x1]  }
0x27: {  	[spmem:s23], [sflag:s18] =	dma.local [hbm:s0], $0x30E0  }
0x28: {  	_ =	swait.ge [sflag:s25], $0x30E0  }
0x29: {  	[sflag:s25] =	ssyncset.done $0x0  }
0x2a: {  	[sflag:s25] =	ssyncadd.s32 $0xFFFFCF20  }
0x2b: {  	[bflag:$0x0] =	sbarrier.arrive $0xFFFF  }
0x2c: {  	[tilespmem:s19], [sflag:$0x4] =	stream.linear.gather [hbm4b:s0+s4], $0x3000, $0x38;
	[tilespmem:$0x1F300] =	vst v63  }
0x2d: {  	_ =	swait.ge [sflag:s25], $0x3000  }
0x2e: {  	[sflag:s25] =	ssyncset.done $0x0  }
0x2f: {  	s18 =	rddreg [dreg:$0x15];
	[sflag:s25] =	ssyncadd.s32 $0xFFFFD000  }
0x30: {  	[tilespmem:s20], [sflag:$0x4] =	stream.linear.gather [hbm4b:s18+s4], $0x300, $0x38;
	[tilespmem:$0x1F300] =	vst v63  }
0x31: {  	_ =	swait.ge [sflag:s25], $0x300  }
0x32: {  	[sflag:s25] =	ssyncset.done $0x0  }
0x33: {  	s23 =	rddreg [dreg:$0x16];
	[sflag:s25] =	ssyncadd.s32 $0xFFFFFD00  }
0x34: {  	[tilespmem:s21], [sflag:$0x4] =	stream.linear.gather [hbm4b:s23+s4], $0x300, $0x38;
	[tilespmem:$0x1F300] =	vst v63  }
0x35: {  	_ =	swait.ge [sflag:s25], $0x300  }
0x36: {  	[sflag:s25] =	ssyncset.done $0x0  }
0x37: {  	[sflag:s25] =	ssyncadd.s32 $0xFFFFFD00  }
0x38: {  	[spmem:s3] =	stream.indirect.scatter.add.f32 [tilespmem:s19], [sflag:$0x2], $0x10, s21, s22, $0xb8;
	[tilespmem:$0x1F300] =	vst v63  }
0x39: {  	_ = 	snop  }
0x3a: {  	[spmem:s3] =	stream.indirect.scatter.add.f32 [tilespmem:s24], [sflag:$0x2], $0x10, s28, s22, $0xb8;
	[tilespmem:$0x1F300] =	vst v63  }
0x3b: {  	_ = 	snop  }
0x3c: {  	[spmem:s3] =	stream.indirect.scatter.add.f32 [tilespmem:s26], [sflag:$0x2], $0x10, s30, s22, $0xb8;
	[tilespmem:$0x1F300] =	vst v63  }
0x3d: {  	s18 =	simm.s32 $0x19180  }
0x3e: {  	[spmem:s3] =	stream.indirect.scatter.add.f32 [tilespmem:s29], [sflag:$0x2], $0x10, s18, s22, $0xb8;
	[tilespmem:$0x1F300] =	vst v63  }
0x3f: {  	s23 =	simm.s32 $0x19200  }
0x40: {  	[spmem:s3] =	stream.indirect.scatter.add.f32 [tilespmem:s31], [sflag:$0x2], $0x10, s23, s22, $0xb8;
	[tilespmem:$0x1F300] =	vst v63  }
0x41: {  	s25 =	simm.s32 $0x19280  }
0x42: {  	[spmem:s3] =	stream.indirect.scatter.add.f32 [tilespmem:s2], [sflag:$0x2], $0x10, s25, s22, $0xb8;
	[tilespmem:$0x1F300] =	vst v63  }
0x43: {  	s18 =	rddreg [dreg:$0x17]  }
0x44: {  	[tilespmem:s1], [sflag:$0x3] =	stream.linear.gather [hbm4b:s18+s4], $0x300, $0x38;
	[tilespmem:$0x1F300] =	vst v63  }
0x45: {  	s23 =	rddreg [dreg:$0x18]  }
0x46: {  	[tilespmem:s9], [sflag:$0x3] =	stream.linear.gather [hbm4b:s23+s4], $0x300, $0x38;
	[tilespmem:$0x1F300] =	vst v63  }
0x47: {  	_ =	swait.ge [sflag:s10], $0x300  }
0x48: {  	[sflag:s10] =	ssyncset.done $0x0  }
0x49: {  	[sflag:s10] =	ssyncadd.s32 $0xFFFFFD00  }
0x4a: {  	_ =	swait.ge [sflag:s10], $0x300  }
0x4b: {  	[sflag:s10] =	ssyncset.done $0x0  }
0x4c: {  	[sflag:s10] =	ssyncadd.s32 $0xFFFFFD00  }
0x4d: {  	[tilespmem:s11], [sflag:$0x1] =	stream.indirect.gather [hbm4b:s5+s22], $0x10, s1, s22, $0xb8;
	[tilespmem:$0x1F300] =	vst v63  }
0x4e: {  	s25 =	rddreg [dreg:$0x5]  }
0x4f: {  	[tilespmem:s12], [sflag:$0x1] =	stream.indirect.gather [hbm4b:s5+s22], $0x10, s25, s22, $0xb8;
	[tilespmem:$0x1F300] =	vst v63  }
0x50: {  	s0 =	rddreg [dreg:$0x6]  }
0x51: {  	[tilespmem:s13], [sflag:$0x1] =	stream.indirect.gather [hbm4b:s5+s22], $0x10, s0, s22, $0xb8;
	[tilespmem:$0x1F300] =	vst v63  }
0x52: {  	s25 =	rddreg [dreg:$0x7]  }
0x53: {  	[tilespmem:s14], [sflag:$0x1] =	stream.indirect.gather [hbm4b:s5+s22], $0x10, s25, s22, $0xb8;
	[tilespmem:$0x1F300] =	vst v63  }
0x54: {  	s0 =	rddreg [dreg:$0x8]  }
0x55: {  	[tilespmem:s8], [sflag:$0x1] =	stream.indirect.gather [hbm4b:s5+s22], $0x10, s0, s22, $0xb8;
	[tilespmem:$0x1F300] =	vst v63  }
0x56: {  	s25 =	rddreg [dreg:$0x9]  }
0x57: {  	[tilespmem:s15], [sflag:$0x1] =	stream.indirect.gather [hbm4b:s5+s22], $0x10, s25, s22, $0xb8;
	[tilespmem:$0x1F300] =	vst v63  }
0x58: {  	_ =	swait.ge [sflag:s16], $0x800  }
0x59: {  	[sflag:s16] =	ssyncset.done $0x0  }
0x5a: {  	[sflag:s16] =	ssyncadd.s32 $0xFFFFF800  }
0x5b: {  	_ =	swait.ge [sflag:s16], $0x800  }
0x5c: {  	[sflag:s16] =	ssyncset.done $0x0  }
0x5d: {  	[sflag:s16] =	ssyncadd.s32 $0xFFFFF800  }
0x5e: {  	_ =	swait.ge [sflag:s16], $0x800  }
0x5f: {  	[sflag:s16] =	ssyncset.done $0x0  }
0x60: {  	[sflag:s16] =	ssyncadd.s32 $0xFFFFF800  }
0x61: {  	_ =	swait.ge [sflag:s16], $0x800  }
0x62: {  	[sflag:s16] =	ssyncset.done $0x0  }
0x63: {  	[sflag:s16] =	ssyncadd.s32 $0xFFFFF800  }
0x64: {  	_ =	swait.ge [sflag:s16], $0x800  }
0x65: {  	[sflag:s16] =	ssyncset.done $0x0  }
0x66: {  	[sflag:s16] =	ssyncadd.s32 $0xFFFFF800  }
0x67: {  	_ =	swait.ge [sflag:s16], $0x800  }
0x68: {  	[sflag:s16] =	ssyncset.done $0x0  }
0x69: {  	s0 =	rddreg [dreg:$0x1b];
	[sflag:s16] =	ssyncadd.s32 $0xFFFFF800  }
0x6a: {  	[tilespmem:s20], [sflag:$0x3] =	stream.linear.gather [hbm4b:s0+s4], $0x300, $0x38;
	[tilespmem:$0x1F300] =	vst v63  }
0x6b: {  	s25 =	rddreg [dreg:$0x1c]  }
0x6c: {  	[tilespmem:s21], [sflag:$0x3] =	stream.linear.gather [hbm4b:s25+s4], $0x300, $0x38;
	[tilespmem:$0x1F300] =	vst v63  }
0x6d: {  	_ =	swait.ge [sflag:s17], $0x800  }
0x6e: {  	[sflag:s17] =	ssyncset.done $0x0  }
0x6f: {  	[sflag:s17] =	ssyncadd.s32 $0xFFFFF800  }
0x70: {  	_ =	swait.ge [sflag:s17], $0x800  }
0x71: {  	[sflag:s17] =	ssyncset.done $0x0  }
0x72: {  	[sflag:s17] =	ssyncadd.s32 $0xFFFFF800  }
0x73: {  	_ =	swait.ge [sflag:s17], $0x800  }
0x74: {  	[sflag:s17] =	ssyncset.done $0x0  }
0x75: {  	[sflag:s17] =	ssyncadd.s32 $0xFFFFF800  }
0x76: {  	_ =	swait.ge [sflag:s17], $0x800  }
0x77: {  	[sflag:s17] =	ssyncset.done $0x0  }
0x78: {  	[sflag:s17] =	ssyncadd.s32 $0xFFFFF800  }
0x79: {  	_ =	swait.ge [sflag:s17], $0x800  }
0x7a: {  	[sflag:s17] =	ssyncset.done $0x0  }
0x7b: {  	[sflag:s17] =	ssyncadd.s32 $0xFFFFF800  }
0x7c: {  	_ =	swait.ge [sflag:s17], $0x800  }
0x7d: {  	[sflag:s17] =	ssyncset.done $0x0  }
0x7e: {  	[sflag:s17] =	ssyncadd.s32 $0xFFFFF800  }
0x7f: {  	[spmem:s3] =	stream.indirect.scatter.add.f32 [tilespmem:s11], [sflag:$0x2], $0x10, s9, s22, $0xb8;
	[tilespmem:$0x1F300] =	vst v63  }
0x80: {  	s18 =	rddreg [dreg:$0xa]  }
0x81: {  	[spmem:s3] =	stream.indirect.scatter.add.f32 [tilespmem:s12], [sflag:$0x2], $0x10, s18, s22, $0xb8;
	[tilespmem:$0x1F300] =	vst v63  }
0x82: {  	s23 =	rddreg [dreg:$0xb]  }
0x83: {  	[spmem:s3] =	stream.indirect.scatter.add.f32 [tilespmem:s13], [sflag:$0x2], $0x10, s23, s22, $0xb8;
	[tilespmem:$0x1F300] =	vst v63  }
0x84: {  	s18 =	rddreg [dreg:$0xc]  }
0x85: {  	[spmem:s3] =	stream.indirect.scatter.add.f32 [tilespmem:s14], [sflag:$0x2], $0x10, s18, s22, $0xb8;
	[tilespmem:$0x1F300] =	vst v63  }
0x86: {  	s23 =	rddreg [dreg:$0xd]  }
0x87: {  	[spmem:s3] =	stream.indirect.scatter.add.f32 [tilespmem:s8], [sflag:$0x2], $0x10, s23, s22, $0xb8;
	[tilespmem:$0x1F300] =	vst v63  }
0x88: {  	s18 =	rddreg [dreg:$0xe]  }
0x89: {  	[spmem:s3] =	stream.indirect.scatter.add.f32 [tilespmem:s15], [sflag:$0x2], $0x10, s18, s22, $0xb8;
	[tilespmem:$0x1F300] =	vst v63  }
0x8a: {  	_ =	swait.ge [sflag:s10], $0x300  }
0x8b: {  	[sflag:s10] =	ssyncset.done $0x0  }
0x8c: {  	[sflag:s10] =	ssyncadd.s32 $0xFFFFFD00  }
0x8d: {  	_ =	swait.ge [sflag:s10], $0x300  }
0x8e: {  	[sflag:s10] =	ssyncset.done $0x0  }
0x8f: {  	[sflag:s10] =	ssyncadd.s32 $0xFFFFFD00  }
0x90: {  	[tilespmem:s19], [sflag:$0x1] =	stream.indirect.gather [hbm4b:s5+s22], $0x10, s20, s22, $0xb8;
	[tilespmem:$0x1F300] =	vst v63  }
0x91: {  	s18 =	rddreg [dreg:$0xf]  }
0x92: {  	[tilespmem:s24], [sflag:$0x1] =	stream.indirect.gather [hbm4b:s5+s22], $0x10, s18, s22, $0xb8;
	[tilespmem:$0x1F300] =	vst v63  }
0x93: {  	s23 =	rddreg [dreg:$0x10]  }
0x94: {  	[tilespmem:s26], [sflag:$0x1] =	stream.indirect.gather [hbm4b:s5+s22], $0x10, s23, s22, $0xb8;
	[tilespmem:$0x1F300] =	vst v63  }
0x95: {  	s18 =	rddreg [dreg:$0x11]  }
0x96: {  	[tilespmem:s29], [sflag:$0x1] =	stream.indirect.gather [hbm4b:s5+s22], $0x10, s18, s22, $0xb8;
	[tilespmem:$0x1F300] =	vst v63  }
0x97: {  	s23 =	rddreg [dreg:$0x12]  }
0x98: {  	[tilespmem:s31], [sflag:$0x1] =	stream.indirect.gather [hbm4b:s5+s22], $0x10, s23, s22, $0xb8;
	[tilespmem:$0x1F300] =	vst v63  }
0x99: {  	s18 =	rddreg [dreg:$0x13]  }
0x9a: {  	[tilespmem:s2], [sflag:$0x1] =	stream.indirect.gather [hbm4b:s5+s22], $0x10, s18, s22, $0xb8;
	[tilespmem:$0x1F300] =	vst v63  }
0x9b: {  	_ =	swait.ge [sflag:s16], $0x800  }
0x9c: {  	[sflag:s16] =	ssyncset.done $0x0  }
0x9d: {  	[sflag:s16] =	ssyncadd.s32 $0xFFFFF800  }
0x9e: {  	_ =	swait.ge [sflag:s16], $0x800  }
0x9f: {  	[sflag:s16] =	ssyncset.done $0x0  }
0xa0: {  	[sflag:s16] =	ssyncadd.s32 $0xFFFFF800  }
0xa1: {  	_ =	swait.ge [sflag:s16], $0x800  }
0xa2: {  	[sflag:s16] =	ssyncset.done $0x0  }
0xa3: {  	[sflag:s16] =	ssyncadd.s32 $0xFFFFF800  }
0xa4: {  	_ =	swait.ge [sflag:s16], $0x800  }
0xa5: {  	[sflag:s16] =	ssyncset.done $0x0  }
0xa6: {  	[sflag:s16] =	ssyncadd.s32 $0xFFFFF800  }
0xa7: {  	_ =	swait.ge [sflag:s16], $0x800  }
0xa8: {  	[sflag:s16] =	ssyncset.done $0x0  }
0xa9: {  	s18 =	smin.u32 s4, $0x81;
	[sflag:s16] =	ssyncadd.s32 $0xFFFFF800  }
0xaa: {  	s18 =	smul.u32 $0x6, s18;
	_ =	swait.ge [sflag:s16], $0x800  }
0xab: {  	s23 =	rddreg [dreg:$0x4]  }
0xac: {  	s18 =	sadd.s32 s18, s23  }
0xad: {  	s18 =	sshll.u32 s18, $0x4  }
0xae: {  	[sflag:s16] =	ssyncset.done $0x0;
	s18 =	sand.u32 $0x1FFFE0, s18  }
0xaf: {  	[sflag:s16] =	ssyncadd.s32 $0xFFFFF800;
	s23 =	sadd.s32 s6, s18  }
0xb0: {  	[tilespmem:s1], [sflag:$0x3] =	stream.linear.gather [hbm4b:s23+s4], $0x300, $0x38;
	[tilespmem:$0x1F300] =	vst v63  }
0xb1: {  	s18 =	sadd.s32 s7, s18  }
0xb2: {  	[tilespmem:s9], [sflag:$0x3] =	stream.linear.gather [hbm4b:s18+s4], $0x300, $0x38;
	[tilespmem:$0x1F300] =	vst v63  }
0xb3: {  	_ =	swait.ge [sflag:s17], $0x800  }
0xb4: {  	[sflag:s17] =	ssyncset.done $0x0  }
0xb5: {  	[sflag:s17] =	ssyncadd.s32 $0xFFFFF800  }
0xb6: {  	_ =	swait.ge [sflag:s17], $0x800  }
0xb7: {  	[sflag:s17] =	ssyncset.done $0x0  }
0xb8: {  	[sflag:s17] =	ssyncadd.s32 $0xFFFFF800  }
0xb9: {  	_ =	swait.ge [sflag:s17], $0x800  }
0xba: {  	[sflag:s17] =	ssyncset.done $0x0  }
0xbb: {  	[sflag:s17] =	ssyncadd.s32 $0xFFFFF800  }
0xbc: {  	_ =	swait.ge [sflag:s17], $0x800  }
0xbd: {  	[sflag:s17] =	ssyncset.done $0x0  }
0xbe: {  	[sflag:s17] =	ssyncadd.s32 $0xFFFFF800  }
0xbf: {  	_ =	swait.ge [sflag:s17], $0x800  }
0xc0: {  	[sflag:s17] =	ssyncset.done $0x0  }
0xc1: {  	[sflag:s17] =	ssyncadd.s32 $0xFFFFF800  }
0xc2: {  	_ =	swait.ge [sflag:s17], $0x800  }
0xc3: {  	[sflag:s17] =	ssyncset.done $0x0  }
0xc4: {  	[sflag:s17] =	ssyncadd.s32 $0xFFFFF800  }
0xc5: {  	[spmem:s3] =	stream.indirect.scatter.add.f32 [tilespmem:s19], [sflag:$0x2], $0x10, s21, s22, $0xb8;
	[tilespmem:$0x1F300] =	vst v63  }
0xc6: {  	_ = 	snop  }
0xc7: {  	[spmem:s3] =	stream.indirect.scatter.add.f32 [tilespmem:s24], [sflag:$0x2], $0x10, s28, s22, $0xb8;
	[tilespmem:$0x1F300] =	vst v63  }
0xc8: {  	_ = 	snop  }
0xc9: {  	[spmem:s3] =	stream.indirect.scatter.add.f32 [tilespmem:s26], [sflag:$0x2], $0x10, s30, s22, $0xb8;
	[tilespmem:$0x1F300] =	vst v63  }
0xca: {  	s25 =	sadd.s32 $0xC0, s25;
	s28 =	simm.s32 $0x19180  }
0xcb: {  	[spmem:s3] =	stream.indirect.scatter.add.f32 [tilespmem:s29], [sflag:$0x2], $0x10, s28, s22, $0xb8;
	[tilespmem:$0x1F300] =	vst v63  }
0xcc: {  	s23 =	sadd.s32 $0xC0, s0;
	s18 =	simm.s32 $0x2;
	s30 =	simm.s32 $0x19200  }
0xcd: {  	[spmem:s3] =	stream.indirect.scatter.add.f32 [tilespmem:s31], [sflag:$0x2], $0x10, s30, s22, $0xb8;
	[tilespmem:$0x1F300] =	vst v63  }
.LBB2_2:
0xce: {  	s0 =	simm.s32 $0x19280  }
0xcf: {  	[spmem:s3] =	stream.indirect.scatter.add.f32 [tilespmem:s2], [sflag:$0x2], $0x10, s0, s22, $0xb8;
	[tilespmem:$0x1F300] =	vst v63  }
0xd0: {  	_ =	swait.ge [sflag:s10], $0x300  }
0xd1: {  	[sflag:s10] =	ssyncset.done $0x0  }
0xd2: {  	[sflag:s10] =	ssyncadd.s32 $0xFFFFFD00  }
0xd3: {  	_ =	swait.ge [sflag:s10], $0x300  }
0xd4: {  	[sflag:s10] =	ssyncset.done $0x0  }
0xd5: {  	[sflag:s10] =	ssyncadd.s32 $0xFFFFFD00  }
0xd6: {  	[tilespmem:s11], [sflag:$0x1] =	stream.indirect.gather [hbm4b:s5+s22], $0x10, s1, s22, $0xb8;
	[tilespmem:$0x1F300] =	vst v63  }
0xd7: {  	s30 =	rddreg [dreg:$0x5]  }
0xd8: {  	[tilespmem:s12], [sflag:$0x1] =	stream.indirect.gather [hbm4b:s5+s22], $0x10, s30, s22, $0xb8;
	[tilespmem:$0x1F300] =	vst v63  }
0xd9: {  	s0 =	rddreg [dreg:$0x6]  }
0xda: {  	[tilespmem:s13], [sflag:$0x1] =	stream.indirect.gather [hbm4b:s5+s22], $0x10, s0, s22, $0xb8;
	[tilespmem:$0x1F300] =	vst v63  }
0xdb: {  	s30 =	rddreg [dreg:$0x7]  }
0xdc: {  	[tilespmem:s14], [sflag:$0x1] =	stream.indirect.gather [hbm4b:s5+s22], $0x10, s30, s22, $0xb8;
	[tilespmem:$0x1F300] =	vst v63  }
0xdd: {  	s0 =	rddreg [dreg:$0x8]  }
0xde: {  	[tilespmem:s8], [sflag:$0x1] =	stream.indirect.gather [hbm4b:s5+s22], $0x10, s0, s22, $0xb8;
	[tilespmem:$0x1F300] =	vst v63  }
0xdf: {  	s30 =	rddreg [dreg:$0x9]  }
0xe0: {  	[tilespmem:s15], [sflag:$0x1] =	stream.indirect.gather [hbm4b:s5+s22], $0x10, s30, s22, $0xb8;
	[tilespmem:$0x1F300] =	vst v63  }
0xe1: {  	_ =	swait.ge [sflag:s16], $0x800  }
0xe2: {  	[sflag:s16] =	ssyncset.done $0x0  }
0xe3: {  	[sflag:s16] =	ssyncadd.s32 $0xFFFFF800  }
0xe4: {  	_ =	swait.ge [sflag:s16], $0x800  }
0xe5: {  	[sflag:s16] =	ssyncset.done $0x0  }
0xe6: {  	[sflag:s16] =	ssyncadd.s32 $0xFFFFF800  }
0xe7: {  	_ =	swait.ge [sflag:s16], $0x800  }
0xe8: {  	[sflag:s16] =	ssyncset.done $0x0  }
0xe9: {  	[sflag:s16] =	ssyncadd.s32 $0xFFFFF800  }
0xea: {  	_ =	swait.ge [sflag:s16], $0x800  }
0xeb: {  	[sflag:s16] =	ssyncset.done $0x0  }
0xec: {  	[sflag:s16] =	ssyncadd.s32 $0xFFFFF800  }
0xed: {  	_ =	swait.ge [sflag:s16], $0x800  }
0xee: {  	[sflag:s16] =	ssyncset.done $0x0  }
0xef: {  	[sflag:s16] =	ssyncadd.s32 $0xFFFFF800  }
0xf0: {  	_ =	swait.ge [sflag:s16], $0x800  }
0xf1: {  	[sflag:s16] =	ssyncset.done $0x0  }
0xf2: {  	[sflag:s16] =	ssyncadd.s32 $0xFFFFF800  }
0xf3: {  	[tilespmem:s20], [sflag:$0x3] =	stream.linear.gather [hbm4b:s23+s4], $0x300, $0x38;
	[tilespmem:$0x1F300] =	vst v63  }
0xf4: {  	_ = 	snop  }
0xf5: {  	[tilespmem:s21], [sflag:$0x3] =	stream.linear.gather [hbm4b:s25+s4], $0x300, $0x38;
	[tilespmem:$0x1F300] =	vst v63  }
0xf6: {  	_ =	swait.ge [sflag:s17], $0x800  }
0xf7: {  	[sflag:s17] =	ssyncset.done $0x0  }
0xf8: {  	[sflag:s17] =	ssyncadd.s32 $0xFFFFF800  }
0xf9: {  	_ =	swait.ge [sflag:s17], $0x800  }
0xfa: {  	[sflag:s17] =	ssyncset.done $0x0  }
0xfb: {  	[sflag:s17] =	ssyncadd.s32 $0xFFFFF800  }
0xfc: {  	_ =	swait.ge [sflag:s17], $0x800  }
0xfd: {  	[sflag:s17] =	ssyncset.done $0x0  }
0xfe: {  	[sflag:s17] =	ssyncadd.s32 $0xFFFFF800  }
0xff: {  	_ =	swait.ge [sflag:s17], $0x800  }
0x100: {  	[sflag:s17] =	ssyncset.done $0x0  }
0x101: {  	[sflag:s17] =	ssyncadd.s32 $0xFFFFF800  }
0x102: {  	_ =	swait.ge [sflag:s17], $0x800  }
0x103: {  	[sflag:s17] =	ssyncset.done $0x0  }
0x104: {  	[sflag:s17] =	ssyncadd.s32 $0xFFFFF800  }
0x105: {  	_ =	swait.ge [sflag:s17], $0x800  }
0x106: {  	[sflag:s17] =	ssyncset.done $0x0  }
0x107: {  	[sflag:s17] =	ssyncadd.s32 $0xFFFFF800  }
0x108: {  	[spmem:s3] =	stream.indirect.scatter.add.f32 [tilespmem:s11], [sflag:$0x2], $0x10, s9, s22, $0xb8;
	[tilespmem:$0x1F300] =	vst v63  }
0x109: {  	s0 =	rddreg [dreg:$0xa]  }
0x10a: {  	[spmem:s3] =	stream.indirect.scatter.add.f32 [tilespmem:s12], [sflag:$0x2], $0x10, s0, s22, $0xb8;
	[tilespmem:$0x1F300] =	vst v63  }
0x10b: {  	s30 =	rddreg [dreg:$0xb]  }
0x10c: {  	[spmem:s3] =	stream.indirect.scatter.add.f32 [tilespmem:s13], [sflag:$0x2], $0x10, s30, s22, $0xb8;
	[tilespmem:$0x1F300] =	vst v63  }
0x10d: {  	s0 =	rddreg [dreg:$0xc]  }
0x10e: {  	[spmem:s3] =	stream.indirect.scatter.add.f32 [tilespmem:s14], [sflag:$0x2], $0x10, s0, s22, $0xb8;
	[tilespmem:$0x1F300] =	vst v63  }
0x10f: {  	s30 =	rddreg [dreg:$0xd]  }
0x110: {  	[spmem:s3] =	stream.indirect.scatter.add.f32 [tilespmem:s8], [sflag:$0x2], $0x10, s30, s22, $0xb8;
	[tilespmem:$0x1F300] =	vst v63  }
0x111: {  	s0 =	rddreg [dreg:$0xe]  }
0x112: {  	[spmem:s3] =	stream.indirect.scatter.add.f32 [tilespmem:s15], [sflag:$0x2], $0x10, s0, s22, $0xb8;
	[tilespmem:$0x1F300] =	vst v63  }
0x113: {  	_ =	swait.ge [sflag:s10], $0x300  }
0x114: {  	[sflag:s10] =	ssyncset.done $0x0  }
0x115: {  	[sflag:s10] =	ssyncadd.s32 $0xFFFFFD00  }
0x116: {  	_ =	swait.ge [sflag:s10], $0x300  }
0x117: {  	[sflag:s10] =	ssyncset.done $0x0  }
0x118: {  	[sflag:s10] =	ssyncadd.s32 $0xFFFFFD00  }
0x119: {  	[tilespmem:s19], [sflag:$0x1] =	stream.indirect.gather [hbm4b:s5+s22], $0x10, s20, s22, $0xb8;
	[tilespmem:$0x1F300] =	vst v63  }
0x11a: {  	s0 =	rddreg [dreg:$0xf]  }
0x11b: {  	[tilespmem:s24], [sflag:$0x1] =	stream.indirect.gather [hbm4b:s5+s22], $0x10, s0, s22, $0xb8;
	[tilespmem:$0x1F300] =	vst v63  }
0x11c: {  	s30 =	rddreg [dreg:$0x10]  }
0x11d: {  	[tilespmem:s26], [sflag:$0x1] =	stream.indirect.gather [hbm4b:s5+s22], $0x10, s30, s22, $0xb8;
	[tilespmem:$0x1F300] =	vst v63  }
0x11e: {  	s0 =	rddreg [dreg:$0x11]  }
0x11f: {  	[tilespmem:s29], [sflag:$0x1] =	stream.indirect.gather [hbm4b:s5+s22], $0x10, s0, s22, $0xb8;
	[tilespmem:$0x1F300] =	vst v63  }
0x120: {  	s30 =	rddreg [dreg:$0x12]  }
0x121: {  	[tilespmem:s31], [sflag:$0x1] =	stream.indirect.gather [hbm4b:s5+s22], $0x10, s30, s22, $0xb8;
	[tilespmem:$0x1F300] =	vst v63  }
0x122: {  	s0 =	rddreg [dreg:$0x13]  }
0x123: {  	[tilespmem:s2], [sflag:$0x1] =	stream.indirect.gather [hbm4b:s5+s22], $0x10, s0, s22, $0xb8;
	[tilespmem:$0x1F300] =	vst v63  }
0x124: {  	_ =	swait.ge [sflag:s16], $0x800  }
0x125: {  	[sflag:s16] =	ssyncset.done $0x0  }
0x126: {  	[sflag:s16] =	ssyncadd.s32 $0xFFFFF800  }
0x127: {  	_ =	swait.ge [sflag:s16], $0x800  }
0x128: {  	[sflag:s16] =	ssyncset.done $0x0  }
0x129: {  	[sflag:s16] =	ssyncadd.s32 $0xFFFFF800  }
0x12a: {  	_ =	swait.ge [sflag:s16], $0x800  }
0x12b: {  	[sflag:s16] =	ssyncset.done $0x0  }
0x12c: {  	[sflag:s16] =	ssyncadd.s32 $0xFFFFF800  }
0x12d: {  	_ =	swait.ge [sflag:s16], $0x800  }
0x12e: {  	[sflag:s16] =	ssyncset.done $0x0  }
0x12f: {  	[sflag:s16] =	ssyncadd.s32 $0xFFFFF800  }
0x130: {  	_ =	swait.ge [sflag:s16], $0x800  }
0x131: {  	s28 =	smov.u32 s18;
	[sflag:s16] =	ssyncset.done $0x0  }
0x132: {  	s0 =	smin.u32 s28, $0x81;
	[sflag:s16] =	ssyncadd.s32 $0xFFFFF800  }
0x133: {  	s0 =	smul.u32 $0x6, s0;
	_ =	swait.ge [sflag:s16], $0x800  }
0x134: {  	s28 =	rddreg [dreg:$0x4]  }
0x135: {  	s0 =	sadd.s32 s0, s28  }
0x136: {  	s0 =	sshll.u32 s0, $0x4  }
0x137: {  	[sflag:s16] =	ssyncset.done $0x0;
	s0 =	sand.u32 $0x1FFFE0, s0  }
0x138: {  	[sflag:s16] =	ssyncadd.s32 $0xFFFFF800;
	s28 =	sadd.s32 s6, s0  }
0x139: {  	[tilespmem:s1], [sflag:$0x3] =	stream.linear.gather [hbm4b:s28+s4], $0x300, $0x38;
	[tilespmem:$0x1F300] =	vst v63  }
0x13a: {  	s0 =	sadd.s32 s7, s0  }
0x13b: {  	[tilespmem:s9], [sflag:$0x3] =	stream.linear.gather [hbm4b:s0+s4], $0x300, $0x38;
	[tilespmem:$0x1F300] =	vst v63  }
0x13c: {  	_ =	swait.ge [sflag:s17], $0x800  }
0x13d: {  	[sflag:s17] =	ssyncset.done $0x0  }
0x13e: {  	[sflag:s17] =	ssyncadd.s32 $0xFFFFF800  }
0x13f: {  	_ =	swait.ge [sflag:s17], $0x800  }
0x140: {  	[sflag:s17] =	ssyncset.done $0x0  }
0x141: {  	[sflag:s17] =	ssyncadd.s32 $0xFFFFF800  }
0x142: {  	_ =	swait.ge [sflag:s17], $0x800  }
0x143: {  	[sflag:s17] =	ssyncset.done $0x0  }
0x144: {  	[sflag:s17] =	ssyncadd.s32 $0xFFFFF800  }
0x145: {  	_ =	swait.ge [sflag:s17], $0x800  }
0x146: {  	[sflag:s17] =	ssyncset.done $0x0  }
0x147: {  	[sflag:s17] =	ssyncadd.s32 $0xFFFFF800  }
0x148: {  	_ =	swait.ge [sflag:s17], $0x800  }
0x149: {  	[sflag:s17] =	ssyncset.done $0x0  }
0x14a: {  	[sflag:s17] =	ssyncadd.s32 $0xFFFFF800  }
0x14b: {  	_ =	swait.ge [sflag:s17], $0x800  }
0x14c: {  	[sflag:s17] =	ssyncset.done $0x0  }
0x14d: {  	[sflag:s17] =	ssyncadd.s32 $0xFFFFF800  }
0x14e: {  	[spmem:s3] =	stream.indirect.scatter.add.f32 [tilespmem:s19], [sflag:$0x2], $0x10, s21, s22, $0xb8;
	[tilespmem:$0x1F300] =	vst v63  }
0x14f: {  	s28 =	simm.s32 $0x19080  }
0x150: {  	[spmem:s3] =	stream.indirect.scatter.add.f32 [tilespmem:s24], [sflag:$0x2], $0x10, s28, s22, $0xb8;
	[tilespmem:$0x1F300] =	vst v63  }
0x151: {  	p0 =	sne.s32 s18, $0x82;
	s30 =	simm.s32 $0x19100  }
0x152: {  	[spmem:s3] =	stream.indirect.scatter.add.f32 [tilespmem:s26], [sflag:$0x2], $0x10, s30, s22, $0xb8;
	[tilespmem:$0x1F300] =	vst v63  }
.Ltmp0:
0x153: {  	_ = 	snop;
	(pc) =	sbr.rel @p0 .LBB2_2-.Ltmp0, $4  }
0x154: {  	s18 =	sadd.s32 $0x2, s18;
	s0 =	simm.s32 $0x19180  }
0x155: {  	[spmem:s3] =	stream.indirect.scatter.add.f32 [tilespmem:s29], [sflag:$0x2], $0x10, s0, s22, $0xb8;
	[tilespmem:$0x1F300] =	vst v63  }
0x156: {  	s23 =	sadd.s32 $0xC0, s23;
	s25 =	sadd.s32 $0xC0, s25;
	s0 =	simm.s32 $0x19200  }
0x157: {  	[spmem:s3] =	stream.indirect.scatter.add.f32 [tilespmem:s31], [sflag:$0x2], $0x10, s0, s22, $0xb8;
	[tilespmem:$0x1F300] =	vst v63  }
0x158: {  	s0 =	simm.s32 $0x19280  }
0x159: {  	[spmem:s3] =	stream.indirect.scatter.add.f32 [tilespmem:s2], [sflag:$0x2], $0x10, s0, s22, $0xb8;
	[tilespmem:$0x1F300] =	vst v63  }
0x15a: {  	_ =	swait.ge [sflag:s16], $0x800  }
0x15b: {  	[sflag:s16] =	ssyncset.done $0x0  }
0x15c: {  	[sflag:s16] =	ssyncadd.s32 $0xFFFFF800  }
0x15d: {  	_ =	swait.ge [sflag:s16], $0x800  }
0x15e: {  	[sflag:s16] =	ssyncset.done $0x0  }
0x15f: {  	[sflag:s16] =	ssyncadd.s32 $0xFFFFF800  }
0x160: {  	_ =	swait.ge [sflag:s16], $0x800  }
0x161: {  	[sflag:s16] =	ssyncset.done $0x0  }
0x162: {  	[sflag:s16] =	ssyncadd.s32 $0xFFFFF800  }
0x163: {  	_ =	swait.ge [sflag:s16], $0x800  }
0x164: {  	[sflag:s16] =	ssyncset.done $0x0  }
0x165: {  	[sflag:s16] =	ssyncadd.s32 $0xFFFFF800  }
0x166: {  	_ =	swait.ge [sflag:s16], $0x800  }
0x167: {  	[sflag:s16] =	ssyncset.done $0x0  }
0x168: {  	[sflag:s16] =	ssyncadd.s32 $0xFFFFF800  }
0x169: {  	_ =	swait.ge [sflag:s16], $0x800  }
0x16a: {  	[sflag:s16] =	ssyncset.done $0x0  }
0x16b: {  	[sflag:s16] =	ssyncadd.s32 $0xFFFFF800  }
0x16c: {  	_ =	swait.ge [sflag:s10], $0x300  }
0x16d: {  	[sflag:s10] =	ssyncset.done $0x0  }
0x16e: {  	[sflag:s10] =	ssyncadd.s32 $0xFFFFFD00  }
0x16f: {  	_ =	swait.ge [sflag:s10], $0x300  }
0x170: {  	[sflag:s10] =	ssyncset.done $0x0  }
0x171: {  	[sflag:s10] =	ssyncadd.s32 $0xFFFFFD00  }
0x172: {  	[bflag:$0x0] =	sbarrier.arrive $0xFFFF  }
0x173: {  	s18 =	rddreg [dreg:$0x14]  }
0x174: {  	s25 =	rddreg [dreg:$0x19]  }
0x175: {  	s23 =	rddreg [dreg:$0x1d]  }
0x176: {  	[hbm:s25], [sflag:s18] =	dma.local [spmem:s23], $0x30E0  }
0x177: {  	s25 =	simm.s32 $0x4  }
0x178: {  	_ =	swait.ge [sflag:s25], $0x30E0  }
0x179: {  	s0 =	rddreg [dreg:$0x1e]  }
0x17a: {  	s18 =	sadd.s32 $0x1, s0;
	s0 =	rddreg [dreg:$0x1a]  }
0x17b: {  	p0 =	sne.s32 s18, s0  }
.Ltmp1:
0x17c: {  	_ = 	snop;
	(pc) =	sbr.rel @p0 .LBB2_1-.Ltmp1, $3  }
0x17d: {  	_ =	sdelay $0x1  }
0x17e: {  	[sflag:s25] =	ssyncset.done $0x0;
	[dreg:$0x1e] =	wrdreg s18  }
0x17f: {  	[sflag:s25] =	ssyncadd.s32 $0xFFFFCF20;
	s18 =	rddreg [dreg:$0x14]  }
0x180: {  	_ =	sfence.sel $0x180000  }
0x181: {  	[bflag:$0x0] =	sbarrier.arrive $0xFFFF  }
0x182: {  	_ =	strace $0x90000047  }
0x183: {  	s0 =	stileid.u32;
	[bflag:$0x2] =	sbarrier.arrive $0xFFFF  }
0x184: {  	p0 =	sne.s32 s0, $0x0;
	s0 =	rddreg [dreg:$0x3]  }
0x185: {  	s0 =	sadd.s32 @!p0 $0x100000, s0  }
0x186: {  	[sflag:s0] =	ssyncadd.tile.s32 @!p0 $0x1;
	_ =	shalt  }
.Lfunc_end2:
_tile_overlayer_lowered:
.L_overlay_start_2:
0x187: {  	(tag) =	ssettag $0x2  }
0x188: {  	s0 =	rddreg [dreg:$0x0];
	s2 =	stileid.u32  }
0x189: {  	s1 =	rddreg [dreg:$0x1];
	p0 =	sne.s32 s2, $0x0  }
0x18a: {  	s3 =	rddreg [dreg:$0x2];
	[bflag:$0x3] =	sbarrier.arrive $0xFFFF;
	s2 =	simm.s32 @!p0 $0x1C04  }
0x18b: {  	[timem:s3], [sflag:s2] =	dma.local @!p0 [hbm:s0], s1  }
0x18c: {  	s0 =	simm.s32 @!p0 $0x4  }
0x18d: {  	_ =	swait.ge @!p0 [sflag:s0], s1  }
0x18e: {  	s1 =	ssub.s32 @!p0 $0x0, s1;
	[sflag:s0] =	ssyncset.done @!p0 $0x0  }
0x18f: {  	[sflag:s0] =	ssyncadd.s32 @!p0 s1  }
0x190: {  	[bflag:$0x3] =	sbarrier.arrive $0xFFFF  }
0x191: {  	_ =	shalt  }

</sc_bundles>
